<compile_context>
chip_gen: v7x
topology: tpu7x:2x2x1
jax: 0.10.2.dev20260603
libtpu: 0.0.44.dev20260713+nightly
codegen_flags: <defaults>
</compile_context>

<pallas_src>
import functools

import jax
import jax.numpy as jnp
from jax import lax
from jax.experimental import pallas as pl
from jax.experimental.pallas import tpu as pltpu
from jax.experimental.pallas import tpu_sc as plsc

B = 16384
NV = 26
CARD = 100000
ED = 16
IN_DIM = NV * ED
H1 = 128
H2 = 64

NC = 2
NS = 16
NW = NC * NS
BW = B // NW
GROUP = 512
CPF = BW // GROUP
NG = NV * CPF


def _sc_gather_body(table_hbm, xt_hbm, out_hbm, idx_v, rows_v, sem0, sem1):
    wid = lax.axis_index("s") * NC + lax.axis_index("c")
    b0 = wid * BW

    pltpu.sync_copy(xt_hbm.at[:, pl.ds(wid * CPF, CPF)], idx_v)

    def fire(v, c, buf_ref, sem):
        for e in range(ED):
            pltpu.make_async_copy(
                table_hbm.at[v, e].at[idx_v.at[v, c]], buf_ref.at[e], sem
            ).start()

    def drain(v, c, buf_ref, sem):
        for e in range(ED):
            pltpu.make_async_copy(
                table_hbm.at[v, e].at[idx_v.at[v, c]], buf_ref.at[e], sem
            ).wait()

    def write(v, c, buf_ref):
        pltpu.sync_copy(
            buf_ref, out_hbm.at[v, :, pl.ds(b0 + c * GROUP, GROUP)]
        )

    fire(0, 0, rows_v.at[0], sem0)

    def pair(p, _):
        g0 = p * 2
        v0, c0 = lax.div(g0, CPF), lax.rem(g0, CPF)
        v1, c1 = lax.div(g0 + 1, CPF), lax.rem(g0 + 1, CPF)
        drain(v0, c0, rows_v.at[0], sem0)
        fire(v1, c1, rows_v.at[1], sem1)
        write(v0, c0, rows_v.at[0])
        drain(v1, c1, rows_v.at[1], sem1)

        @pl.when(p < NG // 2 - 1)
        def _():
            v2, c2 = lax.div(g0 + 2, CPF), lax.rem(g0 + 2, CPF)
            fire(v2, c2, rows_v.at[0], sem0)

        write(v1, c1, rows_v.at[1])
        return 0

    lax.fori_loop(0, NG // 2, pair, 0)


def _sc_gather(tableT, xt3):
    mesh = plsc.VectorSubcoreMesh(
        core_axis_name="c", subcore_axis_name="s", num_cores=NC, num_subcores=NS
    )
    fn = pl.kernel(
        _sc_gather_body,
        out_type=jax.ShapeDtypeStruct((NV, ED, B), jnp.float32),
        mesh=mesh,
        compiler_params=pltpu.CompilerParams(use_tc_tiling_on_sc=False),
        scratch_types=[
            pltpu.VMEM((NV, CPF, GROUP), jnp.int32),
            pltpu.VMEM((2, ED, GROUP), jnp.float32),
            pltpu.SemaphoreType.DMA,
            pltpu.SemaphoreType.DMA,
        ],
    )
    return fn(tableT, xt3)


def _mlp_body(enc_ref, w1_ref, b1_ref, w2_ref, b2_ref, w3_ref, b3_ref, out_ref):
    h = jnp.dot(w1_ref[...], enc_ref[...], preferred_element_type=jnp.float32)
    h = jnp.maximum(h + b1_ref[...], 0.0)
    h = jnp.dot(w2_ref[...], h, preferred_element_type=jnp.float32)
    h = jnp.maximum(h + b2_ref[...], 0.0)
    out_ref[...] = jnp.dot(w3_ref[...], h, preferred_element_type=jnp.float32) + b3_ref[...]


def _tc_mlp_t(encT, W1t, b1, W2t, b2, W3t, b3):
    BB = 2048
    grid = (B // BB,)
    return pl.pallas_call(
        _mlp_body,
        grid=grid,
        in_specs=[
            pl.BlockSpec((IN_DIM, BB), lambda i: (0, i)),
            pl.BlockSpec((H1, IN_DIM), lambda i: (0, 0)),
            pl.BlockSpec((H1, 1), lambda i: (0, 0)),
            pl.BlockSpec((H2, H1), lambda i: (0, 0)),
            pl.BlockSpec((H2, 1), lambda i: (0, 0)),
            pl.BlockSpec((1, H2), lambda i: (0, 0)),
            pl.BlockSpec((1, 1), lambda i: (0, 0)),
        ],
        out_specs=pl.BlockSpec((1, BB), lambda i: (0, i)),
        out_shape=jax.ShapeDtypeStruct((1, B), jnp.float32),
    )(encT, W1t, b1, W2t, b2, W3t, b3)


def kernel(x, emb_tables, W1, b1, W2, b2, W3, b3):
    tableT = emb_tables.transpose(0, 2, 1)
    xt3 = x.T.reshape(NV, B // GROUP, GROUP)
    encT = _sc_gather(tableT, xt3).reshape(IN_DIM, B)
    outT = _tc_mlp_t(
        encT,
        W1.T, b1.reshape(H1, 1),
        W2.T, b2.reshape(H2, 1),
        W3.T, b3.reshape(1, 1),
    )
    return outT.reshape(B, 1)

# --- scband reference (transcript-rebuilt; emitter-appended) ---
"""Pipeline reference for scband-discrete-backdrive-net-46832323396324 (READ-ONLY COPY).

The authoritative reference and input builder live on the scoring server;
editing this copy changes nothing except your own understanding.
"""

import jax, jax.numpy as jnp
import numpy as np

B = 16384
NV = 26
CARD = 100000
ED = 16
IN_DIM = NV * ED  # 416
H1 = 128
H2 = 64

def setup_inputs(seed: int = 0) -> dict:
    key = jax.random.key(seed)
    ks = jax.random.split(key, 8)
    x = jax.random.randint(ks[0], (B, NV), 0, CARD, dtype=jnp.int32)
    emb_tables = jax.random.normal(ks[1], (NV, CARD, ED), dtype=jnp.float32) * 0.02
    W1 = jax.random.normal(ks[2], (IN_DIM, H1), dtype=jnp.float32) * (1.0 / np.sqrt(IN_DIM))
    b1 = jnp.zeros((H1,), dtype=jnp.float32)
    W2 = jax.random.normal(ks[3], (H1, H2), dtype=jnp.float32) * (1.0 / np.sqrt(H1))
    b2 = jnp.zeros((H2,), dtype=jnp.float32)
    W3 = jax.random.normal(ks[4], (H2, 1), dtype=jnp.float32) * (1.0 / np.sqrt(H2))
    b3 = jnp.zeros((1,), dtype=jnp.float32)
    return {"x": x, "emb_tables": emb_tables, "W1": W1, "b1": b1, "W2": W2, "b2": b2, "W3": W3, "b3": b3}

def reference(x, emb_tables, W1, b1, W2, b2, W3, b3):
    # encode_input: all cardinalities > 2, so every field uses its embedding table.
    # Gather per-field embeddings: [B, NV, ED]
    field_idx = jnp.arange(NV, dtype=jnp.int32)[None, :]  # [1, NV]
    gathered = emb_tables[field_idx, x]  # [B, NV, ED]
    # torch.cat over fields == reshape since all fields are embedded in order
    encoded = gathered.reshape(x.shape[0], IN_DIM)
    # MLP: Linear -> ReLU -> (Dropout=identity in eval) -> Linear -> ReLU -> Linear
    h = jnp.maximum(encoded @ W1 + b1, 0.0)
    h = jnp.maximum(h @ W2 + b2, 0.0)
    out = h @ W3 + b3  # [B, 1]
    return out

if __name__ == "__main__":
    import jax
    _d = setup_inputs()
    print(jax.jit(kernel)(*tuple(_d.values())))

</pallas_src>

<mosaic_0001>
#map = affine_map<(d0, d1) -> (0, 0, 0)>
module attributes {stable_mosaic.version = 14 : i64} {
  func.func @_sc_gather_body(%arg0: i32, %arg1: i32, %arg2: memref<26x16x100000xf32, #tpu.memory_space<hbm>>, %arg3: memref<26x32x512xi32, #tpu.memory_space<hbm>>, %arg4: memref<26x16x16384xf32, #tpu.memory_space<hbm>>, %arg5: memref<26x1x512xi32, #tpu.memory_space<vmem>>, %arg6: memref<2x16x512xf32, #tpu.memory_space<vmem>>, %arg7: memref<!tpu.dma_semaphore, #tpu.memory_space<semaphore_mem>>, %arg8: memref<!tpu.dma_semaphore, #tpu.memory_space<semaphore_mem>>) attributes {dimension_semantics = [#tpu.dimension_semantics<core_parallel>, #tpu.dimension_semantics<subcore_parallel>], iteration_bounds = array<i64: 2, 16>, scalar_prefetch = 0 : i64, scratch_operands = 4 : i64, tpu.core_type = #tpu.core_type<sc_vector_subcore>, window_params = [{transform_indices = #map}, {transform_indices = #map}, {transform_indices = #map}]} {
    %mul3A = arith.constant 2 : i32
    %mul3A_0 = arith.muli %arg1, %mul3A : i32
    %add3A = arith.addi %mul3A_0, %arg0 : i32
    %mul3A_1 = arith.constant 512 : i32
    %mul3A_2 = arith.muli %add3A, %mul3A_1 : i32
    %mul3A_3 = arith.constant 1 : i32
    %mul3A_4 = arith.muli %add3A, %mul3A_3 : i32
    "tpu.region"() ({
      %run_scoped3A = tpu.sem_alloc : memref<!tpu.dma_semaphore, #tpu.memory_space<semaphore_mem>>
      %dma_start3A_346 = arith.constant 0 : i32
      %dma_start3A_347 = arith.constant 0 : i32
      %dma_start3A_348 = tpu.memref_slice %arg3[%dma_start3A_346, %mul3A_4, %dma_start3A_347] : memref<26x32x512xi32, #tpu.memory_space<hbm>> -> memref<26x1x512xi32, #tpu.memory_space<hbm>>
      %dma_start3A_349 = arith.constant 0 : i32
      %dma_start3A_350 = arith.constant 0 : i32
      %dma_start3A_351 = tpu.memref_slice %arg3[%dma_start3A_349, %mul3A_4, %dma_start3A_350] : memref<26x32x512xi32, #tpu.memory_space<hbm>> -> memref<26x1x512xi32, #tpu.memory_space<hbm>>
      tpu.enqueue_dma source(%dma_start3A_351 : memref<26x1x512xi32, #tpu.memory_space<hbm>>) target(%arg5 : memref<26x1x512xi32, #tpu.memory_space<vmem>>) target_semaphore(%run_scoped3A : memref<!tpu.dma_semaphore, #tpu.memory_space<semaphore_mem>>)
      %dma_wait3A = arith.constant 0 : i32
      %dma_wait3A_352 = arith.constant 0 : i32
      %dma_wait3A_353 = tpu.memref_slice %arg3[%dma_wait3A, %mul3A_4, %dma_wait3A_352] : memref<26x32x512xi32, #tpu.memory_space<hbm>> -> memref<26x1x512xi32, #tpu.memory_space<hbm>>
      %dma_wait3A_354 = arith.constant 0 : i32
      %dma_wait3A_355 = arith.constant 0 : i32
      %dma_wait3A_356 = tpu.memref_slice %arg3[%dma_wait3A_354, %mul3A_4, %dma_wait3A_355] : memref<26x32x512xi32, #tpu.memory_space<hbm>> -> memref<26x1x512xi32, #tpu.memory_space<hbm>>
      tpu.wait_dma2 semaphore(%run_scoped3A : memref<!tpu.dma_semaphore, #tpu.memory_space<semaphore_mem>>) src(%dma_wait3A_356 : memref<26x1x512xi32, #tpu.memory_space<hbm>>) dst(%arg5 : memref<26x1x512xi32, #tpu.memory_space<vmem>>)
      tpu.yield
    }) : () -> ()
    %dma_start3A = arith.constant 0 : i32
    %dma_start3A_5 = arith.constant 0 : i32
    %dma_start3A_6 = arith.constant 0 : i32
    %dma_start3A_7 = arith.constant 0 : i32
    %dma_start3A_8 = arith.constant 0 : i32
    %dma_start3A_9 = arith.constant 0 : i32
    %dma_start3A_10 = arith.constant 0 : i32
    %dma_start3A_11 = arith.constant 0 : i32
    %dma_start3A_12 = tpu.memref_slice %arg6[%dma_start3A_8, %dma_start3A_10, %dma_start3A_11] : memref<2x16x512xf32, #tpu.memory_space<vmem>> -> memref<1x16x512xf32, #tpu.memory_space<vmem>>
    %dma_start3A_13 = tpu.memref_squeeze %dma_start3A_12 : memref<1x16x512xf32, #tpu.memory_space<vmem>> -> memref<16x512xf32, #tpu.memory_space<vmem>>
    %dma_start3A_14 = arith.constant 0 : i32
    %dma_start3A_15 = tpu.memref_slice %dma_start3A_13[%dma_start3A_9, %dma_start3A_14] : memref<16x512xf32, #tpu.memory_space<vmem>> -> memref<1x512xf32, #tpu.memory_space<vmem>>
    %dma_start3A_16 = tpu.memref_squeeze %dma_start3A_15 : memref<1x512xf32, #tpu.memory_space<vmem>> -> memref<512xf32, #tpu.memory_space<vmem>>
    %dma_start3A_17 = arith.constant 0 : i32
    %dma_start3A_18 = tpu.memref_slice %arg5[%dma_start3A_6, %dma_start3A_7, %dma_start3A_17] : memref<26x1x512xi32, #tpu.memory_space<vmem>> -> memref<1x1x512xi32, #tpu.memory_space<vmem>>
    %dma_start3A_19 = tpu.memref_squeeze %dma_start3A_18 : memref<1x1x512xi32, #tpu.memory_space<vmem>> -> memref<512xi32, #tpu.memory_space<vmem>>
    %dma_start3A_20 = arith.constant 0 : i32
    %dma_start3A_21 = tpu.memref_slice %arg2[%dma_start3A, %dma_start3A_5, %dma_start3A_20] : memref<26x16x100000xf32, #tpu.memory_space<hbm>> -> memref<1x1x100000xf32, #tpu.memory_space<hbm>>
    %dma_start3A_22 = tpu.memref_squeeze %dma_start3A_21 : memref<1x1x100000xf32, #tpu.memory_space<hbm>> -> memref<100000xf32, #tpu.memory_space<hbm>>
    %dma_start3A_23 = arith.constant 0 : i32
    %dma_start3A_24 = tpu.memref_slice %dma_start3A_22[%dma_start3A_23] : memref<100000xf32, #tpu.memory_space<hbm>> -> memref<100000xf32, #tpu.memory_space<hbm>>
    tpu.enqueue_indirect_dma source(%dma_start3A_24 : memref<100000xf32, #tpu.memory_space<hbm>>) target(%dma_start3A_16 : memref<512xf32, #tpu.memory_space<vmem>>) offsets(%dma_start3A_19 : memref<512xi32, #tpu.memory_space<vmem>>) semaphore(%arg7 : memref<!tpu.dma_semaphore, #tpu.memory_space<semaphore_mem>>)
    %dma_start3A_25 = arith.constant 0 : i32
    %dma_start3A_26 = arith.constant 1 : i32
    %dma_start3A_27 = arith.constant 0 : i32
    %dma_start3A_28 = arith.constant 0 : i32
    %dma_start3A_29 = arith.constant 0 : i32
    %dma_start3A_30 = arith.constant 1 : i32
    %dma_start3A_31 = arith.constant 0 : i32
    %dma_start3A_32 = arith.constant 0 : i32
    %dma_start3A_33 = tpu.memref_slice %arg6[%dma_start3A_29, %dma_start3A_31, %dma_start3A_32] : memref<2x16x512xf32, #tpu.memory_space<vmem>> -> memref<1x16x512xf32, #tpu.memory_space<vmem>>
    %dma_start3A_34 = tpu.memref_squeeze %dma_start3A_33 : memref<1x16x512xf32, #tpu.memory_space<vmem>> -> memref<16x512xf32, #tpu.memory_space<vmem>>
    %dma_start3A_35 = arith.constant 0 : i32
    %dma_start3A_36 = tpu.memref_slice %dma_start3A_34[%dma_start3A_30, %dma_start3A_35] : memref<16x512xf32, #tpu.memory_space<vmem>> -> memref<1x512xf32, #tpu.memory_space<vmem>>
    %dma_start3A_37 = tpu.memref_squeeze %dma_start3A_36 : memref<1x512xf32, #tpu.memory_space<vmem>> -> memref<512xf32, #tpu.memory_space<vmem>>
    %dma_start3A_38 = arith.constant 0 : i32
    %dma_start3A_39 = tpu.memref_slice %arg5[%dma_start3A_27, %dma_start3A_28, %dma_start3A_38] : memref<26x1x512xi32, #tpu.memory_space<vmem>> -> memref<1x1x512xi32, #tpu.memory_space<vmem>>
    %dma_start3A_40 = tpu.memref_squeeze %dma_start3A_39 : memref<1x1x512xi32, #tpu.memory_space<vmem>> -> memref<512xi32, #tpu.memory_space<vmem>>
    %dma_start3A_41 = arith.constant 0 : i32
    %dma_start3A_42 = tpu.memref_slice %arg2[%dma_start3A_25, %dma_start3A_26, %dma_start3A_41] : memref<26x16x100000xf32, #tpu.memory_space<hbm>> -> memref<1x1x100000xf32, #tpu.memory_space<hbm>>
    %dma_start3A_43 = tpu.memref_squeeze %dma_start3A_42 : memref<1x1x100000xf32, #tpu.memory_space<hbm>> -> memref<100000xf32, #tpu.memory_space<hbm>>
    %dma_start3A_44 = arith.constant 0 : i32
    %dma_start3A_45 = tpu.memref_slice %dma_start3A_43[%dma_start3A_44] : memref<100000xf32, #tpu.memory_space<hbm>> -> memref<100000xf32, #tpu.memory_space<hbm>>
    tpu.enqueue_indirect_dma source(%dma_start3A_45 : memref<100000xf32, #tpu.memory_space<hbm>>) target(%dma_start3A_37 : memref<512xf32, #tpu.memory_space<vmem>>) offsets(%dma_start3A_40 : memref<512xi32, #tpu.memory_space<vmem>>) semaphore(%arg7 : memref<!tpu.dma_semaphore, #tpu.memory_space<semaphore_mem>>)
    %dma_start3A_46 = arith.constant 0 : i32
    %dma_start3A_47 = arith.constant 2 : i32
    %dma_start3A_48 = arith.constant 0 : i32
    %dma_start3A_49 = arith.constant 0 : i32
    %dma_start3A_50 = arith.constant 0 : i32
    %dma_start3A_51 = arith.constant 2 : i32
    %dma_start3A_52 = arith.constant 0 : i32
    %dma_start3A_53 = arith.constant 0 : i32
    %dma_start3A_54 = tpu.memref_slice %arg6[%dma_start3A_50, %dma_start3A_52, %dma_start3A_53] : memref<2x16x512xf32, #tpu.memory_space<vmem>> -> memref<1x16x512xf32, #tpu.memory_space<vmem>>
    %dma_start3A_55 = tpu.memref_squeeze %dma_start3A_54 : memref<1x16x512xf32, #tpu.memory_space<vmem>> -> memref<16x512xf32, #tpu.memory_space<vmem>>
    %dma_start3A_56 = arith.constant 0 : i32
    %dma_start3A_57 = tpu.memref_slice %dma_start3A_55[%dma_start3A_51, %dma_start3A_56] : memref<16x512xf32, #tpu.memory_space<vmem>> -> memref<1x512xf32, #tpu.memory_space<vmem>>
    %dma_start3A_58 = tpu.memref_squeeze %dma_start3A_57 : memref<1x512xf32, #tpu.memory_space<vmem>> -> memref<512xf32, #tpu.memory_space<vmem>>
    %dma_start3A_59 = arith.constant 0 : i32
    %dma_start3A_60 = tpu.memref_slice %arg5[%dma_start3A_48, %dma_start3A_49, %dma_start3A_59] : memref<26x1x512xi32, #tpu.memory_space<vmem>> -> memref<1x1x512xi32, #tpu.memory_space<vmem>>
    %dma_start3A_61 = tpu.memref_squeeze %dma_start3A_60 : memref<1x1x512xi32, #tpu.memory_space<vmem>> -> memref<512xi32, #tpu.memory_space<vmem>>
    %dma_start3A_62 = arith.constant 0 : i32
    %dma_start3A_63 = tpu.memref_slice %arg2[%dma_start3A_46, %dma_start3A_47, %dma_start3A_62] : memref<26x16x100000xf32, #tpu.memory_space<hbm>> -> memref<1x1x100000xf32, #tpu.memory_space<hbm>>
    %dma_start3A_64 = tpu.memref_squeeze %dma_start3A_63 : memref<1x1x100000xf32, #tpu.memory_space<hbm>> -> memref<100000xf32, #tpu.memory_space<hbm>>
    %dma_start3A_65 = arith.constant 0 : i32
    %dma_start3A_66 = tpu.memref_slice %dma_start3A_64[%dma_start3A_65] : memref<100000xf32, #tpu.memory_space<hbm>> -> memref<100000xf32, #tpu.memory_space<hbm>>
    tpu.enqueue_indirect_dma source(%dma_start3A_66 : memref<100000xf32, #tpu.memory_space<hbm>>) target(%dma_start3A_58 : memref<512xf32, #tpu.memory_space<vmem>>) offsets(%dma_start3A_61 : memref<512xi32, #tpu.memory_space<vmem>>) semaphore(%arg7 : memref<!tpu.dma_semaphore, #tpu.memory_space<semaphore_mem>>)
    %dma_start3A_67 = arith.constant 0 : i32
    %dma_start3A_68 = arith.constant 3 : i32
    %dma_start3A_69 = arith.constant 0 : i32
    %dma_start3A_70 = arith.constant 0 : i32
    %dma_start3A_71 = arith.constant 0 : i32
    %dma_start3A_72 = arith.constant 3 : i32
    %dma_start3A_73 = arith.constant 0 : i32
    %dma_start3A_74 = arith.constant 0 : i32
    %dma_start3A_75 = tpu.memref_slice %arg6[%dma_start3A_71, %dma_start3A_73, %dma_start3A_74] : memref<2x16x512xf32, #tpu.memory_space<vmem>> -> memref<1x16x512xf32, #tpu.memory_space<vmem>>
    %dma_start3A_76 = tpu.memref_squeeze %dma_start3A_75 : memref<1x16x512xf32, #tpu.memory_space<vmem>> -> memref<16x512xf32, #tpu.memory_space<vmem>>
    %dma_start3A_77 = arith.constant 0 : i32
    %dma_start3A_78 = tpu.memref_slice %dma_start3A_76[%dma_start3A_72, %dma_start3A_77] : memref<16x512xf32, #tpu.memory_space<vmem>> -> memref<1x512xf32, #tpu.memory_space<vmem>>
    %dma_start3A_79 = tpu.memref_squeeze %dma_start3A_78 : memref<1x512xf32, #tpu.memory_space<vmem>> -> memref<512xf32, #tpu.memory_space<vmem>>
    %dma_start3A_80 = arith.constant 0 : i32
    %dma_start3A_81 = tpu.memref_slice %arg5[%dma_start3A_69, %dma_start3A_70, %dma_start3A_80] : memref<26x1x512xi32, #tpu.memory_space<vmem>> -> memref<1x1x512xi32, #tpu.memory_space<vmem>>
    %dma_start3A_82 = tpu.memref_squeeze %dma_start3A_81 : memref<1x1x512xi32, #tpu.memory_space<vmem>> -> memref<512xi32, #tpu.memory_space<vmem>>
    %dma_start3A_83 = arith.constant 0 : i32
    %dma_start3A_84 = tpu.memref_slice %arg2[%dma_start3A_67, %dma_start3A_68, %dma_start3A_83] : memref<26x16x100000xf32, #tpu.memory_space<hbm>> -> memref<1x1x100000xf32, #tpu.memory_space<hbm>>
    %dma_start3A_85 = tpu.memref_squeeze %dma_start3A_84 : memref<1x1x100000xf32, #tpu.memory_space<hbm>> -> memref<100000xf32, #tpu.memory_space<hbm>>
    %dma_start3A_86 = arith.constant 0 : i32
    %dma_start3A_87 = tpu.memref_slice %dma_start3A_85[%dma_start3A_86] : memref<100000xf32, #tpu.memory_space<hbm>> -> memref<100000xf32, #tpu.memory_space<hbm>>
    tpu.enqueue_indirect_dma source(%dma_start3A_87 : memref<100000xf32, #tpu.memory_space<hbm>>) target(%dma_start3A_79 : memref<512xf32, #tpu.memory_space<vmem>>) offsets(%dma_start3A_82 : memref<512xi32, #tpu.memory_space<vmem>>) semaphore(%arg7 : memref<!tpu.dma_semaphore, #tpu.memory_space<semaphore_mem>>)
    %dma_start3A_88 = arith.constant 0 : i32
    %dma_start3A_89 = arith.constant 4 : i32
    %dma_start3A_90 = arith.constant 0 : i32
    %dma_start3A_91 = arith.constant 0 : i32
    %dma_start3A_92 = arith.constant 0 : i32
    %dma_start3A_93 = arith.constant 4 : i32
    %dma_start3A_94 = arith.constant 0 : i32
    %dma_start3A_95 = arith.constant 0 : i32
    %dma_start3A_96 = tpu.memref_slice %arg6[%dma_start3A_92, %dma_start3A_94, %dma_start3A_95] : memref<2x16x512xf32, #tpu.memory_space<vmem>> -> memref<1x16x512xf32, #tpu.memory_space<vmem>>
    %dma_start3A_97 = tpu.memref_squeeze %dma_start3A_96 : memref<1x16x512xf32, #tpu.memory_space<vmem>> -> memref<16x512xf32, #tpu.memory_space<vmem>>
    %dma_start3A_98 = arith.constant 0 : i32
    %dma_start3A_99 = tpu.memref_slice %dma_start3A_97[%dma_start3A_93, %dma_start3A_98] : memref<16x512xf32, #tpu.memory_space<vmem>> -> memref<1x512xf32, #tpu.memory_space<vmem>>
    %dma_start3A_100 = tpu.memref_squeeze %dma_start3A_99 : memref<1x512xf32, #tpu.memory_space<vmem>> -> memref<512xf32, #tpu.memory_space<vmem>>
    %dma_start3A_101 = arith.constant 0 : i32
    %dma_start3A_102 = tpu.memref_slice %arg5[%dma_start3A_90, %dma_start3A_91, %dma_start3A_101] : memref<26x1x512xi32, #tpu.memory_space<vmem>> -> memref<1x1x512xi32, #tpu.memory_space<vmem>>
    %dma_start3A_103 = tpu.memref_squeeze %dma_start3A_102 : memref<1x1x512xi32, #tpu.memory_space<vmem>> -> memref<512xi32, #tpu.memory_space<vmem>>
    %dma_start3A_104 = arith.constant 0 : i32
    %dma_start3A_105 = tpu.memref_slice %arg2[%dma_start3A_88, %dma_start3A_89, %dma_start3A_104] : memref<26x16x100000xf32, #tpu.memory_space<hbm>> -> memref<1x1x100000xf32, #tpu.memory_space<hbm>>
    %dma_start3A_106 = tpu.memref_squeeze %dma_start3A_105 : memref<1x1x100000xf32, #tpu.memory_space<hbm>> -> memref<100000xf32, #tpu.memory_space<hbm>>
    %dma_start3A_107 = arith.constant 0 : i32
    %dma_start3A_108 = tpu.memref_slice %dma_start3A_106[%dma_start3A_107] : memref<100000xf32, #tpu.memory_space<hbm>> -> memref<100000xf32, #tpu.memory_space<hbm>>
    tpu.enqueue_indirect_dma source(%dma_start3A_108 : memref<100000xf32, #tpu.memory_space<hbm>>) target(%dma_start3A_100 : memref<512xf32, #tpu.memory_space<vmem>>) offsets(%dma_start3A_103 : memref<512xi32, #tpu.memory_space<vmem>>) semaphore(%arg7 : memref<!tpu.dma_semaphore, #tpu.memory_space<semaphore_mem>>)
    %dma_start3A_109 = arith.constant 0 : i32
    %dma_start3A_110 = arith.constant 5 : i32
    %dma_start3A_111 = arith.constant 0 : i32
    %dma_start3A_112 = arith.constant 0 : i32
    %dma_start3A_113 = arith.constant 0 : i32
    %dma_start3A_114 = arith.constant 5 : i32
    %dma_start3A_115 = arith.constant 0 : i32
    %dma_start3A_116 = arith.constant 0 : i32
    %dma_start3A_117 = tpu.memref_slice %arg6[%dma_start3A_113, %dma_start3A_115, %dma_start3A_116] : memref<2x16x512xf32, #tpu.memory_space<vmem>> -> memref<1x16x512xf32, #tpu.memory_space<vmem>>
    %dma_start3A_118 = tpu.memref_squeeze %dma_start3A_117 : memref<1x16x512xf32, #tpu.memory_space<vmem>> -> memref<16x512xf32, #tpu.memory_space<vmem>>
    %dma_start3A_119 = arith.constant 0 : i32
    %dma_start3A_120 = tpu.memref_slice %dma_start3A_118[%dma_start3A_114, %dma_start3A_119] : memref<16x512xf32, #tpu.memory_space<vmem>> -> memref<1x512xf32, #tpu.memory_space<vmem>>
    %dma_start3A_121 = tpu.memref_squeeze %dma_start3A_120 : memref<1x512xf32, #tpu.memory_space<vmem>> -> memref<512xf32, #tpu.memory_space<vmem>>
    %dma_start3A_122 = arith.constant 0 : i32
    %dma_start3A_123 = tpu.memref_slice %arg5[%dma_start3A_111, %dma_start3A_112, %dma_start3A_122] : memref<26x1x512xi32, #tpu.memory_space<vmem>> -> memref<1x1x512xi32, #tpu.memory_space<vmem>>
    %dma_start3A_124 = tpu.memref_squeeze %dma_start3A_123 : memref<1x1x512xi32, #tpu.memory_space<vmem>> -> memref<512xi32, #tpu.memory_space<vmem>>
    %dma_start3A_125 = arith.constant 0 : i32
    %dma_start3A_126 = tpu.memref_slice %arg2[%dma_start3A_109, %dma_start3A_110, %dma_start3A_125] : memref<26x16x100000xf32, #tpu.memory_space<hbm>> -> memref<1x1x100000xf32, #tpu.memory_space<hbm>>
    %dma_start3A_127 = tpu.memref_squeeze %dma_start3A_126 : memref<1x1x100000xf32, #tpu.memory_space<hbm>> -> memref<100000xf32, #tpu.memory_space<hbm>>
    %dma_start3A_128 = arith.constant 0 : i32
    %dma_start3A_129 = tpu.memref_slice %dma_start3A_127[%dma_start3A_128] : memref<100000xf32, #tpu.memory_space<hbm>> -> memref<100000xf32, #tpu.memory_space<hbm>>
    tpu.enqueue_indirect_dma source(%dma_start3A_129 : memref<100000xf32, #tpu.memory_space<hbm>>) target(%dma_start3A_121 : memref<512xf32, #tpu.memory_space<vmem>>) offsets(%dma_start3A_124 : memref<512xi32, #tpu.memory_space<vmem>>) semaphore(%arg7 : memref<!tpu.dma_semaphore, #tpu.memory_space<semaphore_mem>>)
    %dma_start3A_130 = arith.constant 0 : i32
    %dma_start3A_131 = arith.constant 6 : i32
    %dma_start3A_132 = arith.constant 0 : i32
    %dma_start3A_133 = arith.constant 0 : i32
    %dma_start3A_134 = arith.constant 0 : i32
    %dma_start3A_135 = arith.constant 6 : i32
    %dma_start3A_136 = arith.constant 0 : i32
    %dma_start3A_137 = arith.constant 0 : i32
    %dma_start3A_138 = tpu.memref_slice %arg6[%dma_start3A_134, %dma_start3A_136, %dma_start3A_137] : memref<2x16x512xf32, #tpu.memory_space<vmem>> -> memref<1x16x512xf32, #tpu.memory_space<vmem>>
    %dma_start3A_139 = tpu.memref_squeeze %dma_start3A_138 : memref<1x16x512xf32, #tpu.memory_space<vmem>> -> memref<16x512xf32, #tpu.memory_space<vmem>>
    %dma_start3A_140 = arith.constant 0 : i32
    %dma_start3A_141 = tpu.memref_slice %dma_start3A_139[%dma_start3A_135, %dma_start3A_140] : memref<16x512xf32, #tpu.memory_space<vmem>> -> memref<1x512xf32, #tpu.memory_space<vmem>>
    %dma_start3A_142 = tpu.memref_squeeze %dma_start3A_141 : memref<1x512xf32, #tpu.memory_space<vmem>> -> memref<512xf32, #tpu.memory_space<vmem>>
    %dma_start3A_143 = arith.constant 0 : i32
    %dma_start3A_144 = tpu.memref_slice %arg5[%dma_start3A_132, %dma_start3A_133, %dma_start3A_143] : memref<26x1x512xi32, #tpu.memory_space<vmem>> -> memref<1x1x512xi32, #tpu.memory_space<vmem>>
    %dma_start3A_145 = tpu.memref_squeeze %dma_start3A_144 : memref<1x1x512xi32, #tpu.memory_space<vmem>> -> memref<512xi32, #tpu.memory_space<vmem>>
    %dma_start3A_146 = arith.constant 0 : i32
    %dma_start3A_147 = tpu.memref_slice %arg2[%dma_start3A_130, %dma_start3A_131, %dma_start3A_146] : memref<26x16x100000xf32, #tpu.memory_space<hbm>> -> memref<1x1x100000xf32, #tpu.memory_space<hbm>>
    %dma_start3A_148 = tpu.memref_squeeze %dma_start3A_147 : memref<1x1x100000xf32, #tpu.memory_space<hbm>> -> memref<100000xf32, #tpu.memory_space<hbm>>
    %dma_start3A_149 = arith.constant 0 : i32
    %dma_start3A_150 = tpu.memref_slice %dma_start3A_148[%dma_start3A_149] : memref<100000xf32, #tpu.memory_space<hbm>> -> memref<100000xf32, #tpu.memory_space<hbm>>
    tpu.enqueue_indirect_dma source(%dma_start3A_150 : memref<100000xf32, #tpu.memory_space<hbm>>) target(%dma_start3A_142 : memref<512xf32, #tpu.memory_space<vmem>>) offsets(%dma_start3A_145 : memref<512xi32, #tpu.memory_space<vmem>>) semaphore(%arg7 : memref<!tpu.dma_semaphore, #tpu.memory_space<semaphore_mem>>)
    %dma_start3A_151 = arith.constant 0 : i32
    %dma_start3A_152 = arith.constant 7 : i32
    %dma_start3A_153 = arith.constant 0 : i32
    %dma_start3A_154 = arith.constant 0 : i32
    %dma_start3A_155 = arith.constant 0 : i32
    %dma_start3A_156 = arith.constant 7 : i32
    %dma_start3A_157 = arith.constant 0 : i32
    %dma_start3A_158 = arith.constant 0 : i32
    %dma_start3A_159 = tpu.memref_slice %arg6[%dma_start3A_155, %dma_start3A_157, %dma_start3A_158] : memref<2x16x512xf32, #tpu.memory_space<vmem>> -> memref<1x16x512xf32, #tpu.memory_space<vmem>>
    %dma_start3A_160 = tpu.memref_squeeze %dma_start3A_159 : memref<1x16x512xf32, #tpu.memory_space<vmem>> -> memref<16x512xf32, #tpu.memory_space<vmem>>
    %dma_start3A_161 = arith.constant 0 : i32
    %dma_start3A_162 = tpu.memref_slice %dma_start3A_160[%dma_start3A_156, %dma_start3A_161] : memref<16x512xf32, #tpu.memory_space<vmem>> -> memref<1x512xf32, #tpu.memory_space<vmem>>
    %dma_start3A_163 = tpu.memref_squeeze %dma_start3A_162 : memref<1x512xf32, #tpu.memory_space<vmem>> -> memref<512xf32, #tpu.memory_space<vmem>>
    %dma_start3A_164 = arith.constant 0 : i32
    %dma_start3A_165 = tpu.memref_slice %arg5[%dma_start3A_153, %dma_start3A_154, %dma_start3A_164] : memref<26x1x512xi32, #tpu.memory_space<vmem>> -> memref<1x1x512xi32, #tpu.memory_space<vmem>>
    %dma_start3A_166 = tpu.memref_squeeze %dma_start3A_165 : memref<1x1x512xi32, #tpu.memory_space<vmem>> -> memref<512xi32, #tpu.memory_space<vmem>>
    %dma_start3A_167 = arith.constant 0 : i32
    %dma_start3A_168 = tpu.memref_slice %arg2[%dma_start3A_151, %dma_start3A_152, %dma_start3A_167] : memref<26x16x100000xf32, #tpu.memory_space<hbm>> -> memref<1x1x100000xf32, #tpu.memory_space<hbm>>
    %dma_start3A_169 = tpu.memref_squeeze %dma_start3A_168 : memref<1x1x100000xf32, #tpu.memory_space<hbm>> -> memref<100000xf32, #tpu.memory_space<hbm>>
    %dma_start3A_170 = arith.constant 0 : i32
    %dma_start3A_171 = tpu.memref_slice %dma_start3A_169[%dma_start3A_170] : memref<100000xf32, #tpu.memory_space<hbm>> -> memref<100000xf32, #tpu.memory_space<hbm>>
    tpu.enqueue_indirect_dma source(%dma_start3A_171 : memref<100000xf32, #tpu.memory_space<hbm>>) target(%dma_start3A_163 : memref<512xf32, #tpu.memory_space<vmem>>) offsets(%dma_start3A_166 : memref<512xi32, #tpu.memory_space<vmem>>) semaphore(%arg7 : memref<!tpu.dma_semaphore, #tpu.memory_space<semaphore_mem>>)
    %dma_start3A_172 = arith.constant 0 : i32
    %dma_start3A_173 = arith.constant 8 : i32
    %dma_start3A_174 = arith.constant 0 : i32
    %dma_start3A_175 = arith.constant 0 : i32
    %dma_start3A_176 = arith.constant 0 : i32
    %dma_start3A_177 = arith.constant 8 : i32
    %dma_start3A_178 = arith.constant 0 : i32
    %dma_start3A_179 = arith.constant 0 : i32
    %dma_start3A_180 = tpu.memref_slice %arg6[%dma_start3A_176, %dma_start3A_178, %dma_start3A_179] : memref<2x16x512xf32, #tpu.memory_space<vmem>> -> memref<1x16x512xf32, #tpu.memory_space<vmem>>
    %dma_start3A_181 = tpu.memref_squeeze %dma_start3A_180 : memref<1x16x512xf32, #tpu.memory_space<vmem>> -> memref<16x512xf32, #tpu.memory_space<vmem>>
    %dma_start3A_182 = arith.constant 0 : i32
    %dma_start3A_183 = tpu.memref_slice %dma_start3A_181[%dma_start3A_177, %dma_start3A_182] : memref<16x512xf32, #tpu.memory_space<vmem>> -> memref<1x512xf32, #tpu.memory_space<vmem>>
    %dma_start3A_184 = tpu.memref_squeeze %dma_start3A_183 : memref<1x512xf32, #tpu.memory_space<vmem>> -> memref<512xf32, #tpu.memory_space<vmem>>
    %dma_start3A_185 = arith.constant 0 : i32
    %dma_start3A_186 = tpu.memref_slice %arg5[%dma_start3A_174, %dma_start3A_175, %dma_start3A_185] : memref<26x1x512xi32, #tpu.memory_space<vmem>> -> memref<1x1x512xi32, #tpu.memory_space<vmem>>
    %dma_start3A_187 = tpu.memref_squeeze %dma_start3A_186 : memref<1x1x512xi32, #tpu.memory_space<vmem>> -> memref<512xi32, #tpu.memory_space<vmem>>
    %dma_start3A_188 = arith.constant 0 : i32
    %dma_start3A_189 = tpu.memref_slice %arg2[%dma_start3A_172, %dma_start3A_173, %dma_start3A_188] : memref<26x16x100000xf32, #tpu.memory_space<hbm>> -> memref<1x1x100000xf32, #tpu.memory_space<hbm>>
    %dma_start3A_190 = tpu.memref_squeeze %dma_start3A_189 : memref<1x1x100000xf32, #tpu.memory_space<hbm>> -> memref<100000xf32, #tpu.memory_space<hbm>>
    %dma_start3A_191 = arith.constant 0 : i32
    %dma_start3A_192 = tpu.memref_slice %dma_start3A_190[%dma_start3A_191] : memref<100000xf32, #tpu.memory_space<hbm>> -> memref<100000xf32, #tpu.memory_space<hbm>>
    tpu.enqueue_indirect_dma source(%dma_start3A_192 : memref<100000xf32, #tpu.memory_space<hbm>>) target(%dma_start3A_184 : memref<512xf32, #tpu.memory_space<vmem>>) offsets(%dma_start3A_187 : memref<512xi32, #tpu.memory_space<vmem>>) semaphore(%arg7 : memref<!tpu.dma_semaphore, #tpu.memory_space<semaphore_mem>>)
    %dma_start3A_193 = arith.constant 0 : i32
    %dma_start3A_194 = arith.constant 9 : i32
    %dma_start3A_195 = arith.constant 0 : i32
    %dma_start3A_196 = arith.constant 0 : i32
    %dma_start3A_197 = arith.constant 0 : i32
    %dma_start3A_198 = arith.constant 9 : i32
    %dma_start3A_199 = arith.constant 0 : i32
    %dma_start3A_200 = arith.constant 0 : i32
    %dma_start3A_201 = tpu.memref_slice %arg6[%dma_start3A_197, %dma_start3A_199, %dma_start3A_200] : memref<2x16x512xf32, #tpu.memory_space<vmem>> -> memref<1x16x512xf32, #tpu.memory_space<vmem>>
    %dma_start3A_202 = tpu.memref_squeeze %dma_start3A_201 : memref<1x16x512xf32, #tpu.memory_space<vmem>> -> memref<16x512xf32, #tpu.memory_space<vmem>>
    %dma_start3A_203 = arith.constant 0 : i32
    %dma_start3A_204 = tpu.memref_slice %dma_start3A_202[%dma_start3A_198, %dma_start3A_203] : memref<16x512xf32, #tpu.memory_space<vmem>> -> memref<1x512xf32, #tpu.memory_space<vmem>>
    %dma_start3A_205 = tpu.memref_squeeze %dma_start3A_204 : memref<1x512xf32, #tpu.memory_space<vmem>> -> memref<512xf32, #tpu.memory_space<vmem>>
    %dma_start3A_206 = arith.constant 0 : i32
    %dma_start3A_207 = tpu.memref_slice %arg5[%dma_start3A_195, %dma_start3A_196, %dma_start3A_206] : memref<26x1x512xi32, #tpu.memory_space<vmem>> -> memref<1x1x512xi32, #tpu.memory_space<vmem>>
    %dma_start3A_208 = tpu.memref_squeeze %dma_start3A_207 : memref<1x1x512xi32, #tpu.memory_space<vmem>> -> memref<512xi32, #tpu.memory_space<vmem>>
    %dma_start3A_209 = arith.constant 0 : i32
    %dma_start3A_210 = tpu.memref_slice %arg2[%dma_start3A_193, %dma_start3A_194, %dma_start3A_209] : memref<26x16x100000xf32, #tpu.memory_space<hbm>> -> memref<1x1x100000xf32, #tpu.memory_space<hbm>>
    %dma_start3A_211 = tpu.memref_squeeze %dma_start3A_210 : memref<1x1x100000xf32, #tpu.memory_space<hbm>> -> memref<100000xf32, #tpu.memory_space<hbm>>
    %dma_start3A_212 = arith.constant 0 : i32
    %dma_start3A_213 = tpu.memref_slice %dma_start3A_211[%dma_start3A_212] : memref<100000xf32, #tpu.memory_space<hbm>> -> memref<100000xf32, #tpu.memory_space<hbm>>
    tpu.enqueue_indirect_dma source(%dma_start3A_213 : memref<100000xf32, #tpu.memory_space<hbm>>) target(%dma_start3A_205 : memref<512xf32, #tpu.memory_space<vmem>>) offsets(%dma_start3A_208 : memref<512xi32, #tpu.memory_space<vmem>>) semaphore(%arg7 : memref<!tpu.dma_semaphore, #tpu.memory_space<semaphore_mem>>)
    %dma_start3A_214 = arith.constant 0 : i32
    %dma_start3A_215 = arith.constant 10 : i32
    %dma_start3A_216 = arith.constant 0 : i32
    %dma_start3A_217 = arith.constant 0 : i32
    %dma_start3A_218 = arith.constant 0 : i32
    %dma_start3A_219 = arith.constant 10 : i32
    %dma_start3A_220 = arith.constant 0 : i32
    %dma_start3A_221 = arith.constant 0 : i32
    %dma_start3A_222 = tpu.memref_slice %arg6[%dma_start3A_218, %dma_start3A_220, %dma_start3A_221] : memref<2x16x512xf32, #tpu.memory_space<vmem>> -> memref<1x16x512xf32, #tpu.memory_space<vmem>>
    %dma_start3A_223 = tpu.memref_squeeze %dma_start3A_222 : memref<1x16x512xf32, #tpu.memory_space<vmem>> -> memref<16x512xf32, #tpu.memory_space<vmem>>
    %dma_start3A_224 = arith.constant 0 : i32
    %dma_start3A_225 = tpu.memref_slice %dma_start3A_223[%dma_start3A_219, %dma_start3A_224] : memref<16x512xf32, #tpu.memory_space<vmem>> -> memref<1x512xf32, #tpu.memory_space<vmem>>
    %dma_start3A_226 = tpu.memref_squeeze %dma_start3A_225 : memref<1x512xf32, #tpu.memory_space<vmem>> -> memref<512xf32, #tpu.memory_space<vmem>>
    %dma_start3A_227 = arith.constant 0 : i32
    %dma_start3A_228 = tpu.memref_slice %arg5[%dma_start3A_216, %dma_start3A_217, %dma_start3A_227] : memref<26x1x512xi32, #tpu.memory_space<vmem>> -> memref<1x1x512xi32, #tpu.memory_space<vmem>>
    %dma_start3A_229 = tpu.memref_squeeze %dma_start3A_228 : memref<1x1x512xi32, #tpu.memory_space<vmem>> -> memref<512xi32, #tpu.memory_space<vmem>>
    %dma_start3A_230 = arith.constant 0 : i32
    %dma_start3A_231 = tpu.memref_slice %arg2[%dma_start3A_214, %dma_start3A_215, %dma_start3A_230] : memref<26x16x100000xf32, #tpu.memory_space<hbm>> -> memref<1x1x100000xf32, #tpu.memory_space<hbm>>
    %dma_start3A_232 = tpu.memref_squeeze %dma_start3A_231 : memref<1x1x100000xf32, #tpu.memory_space<hbm>> -> memref<100000xf32, #tpu.memory_space<hbm>>
    %dma_start3A_233 = arith.constant 0 : i32
    %dma_start3A_234 = tpu.memref_slice %dma_start3A_232[%dma_start3A_233] : memref<100000xf32, #tpu.memory_space<hbm>> -> memref<100000xf32, #tpu.memory_space<hbm>>
    tpu.enqueue_indirect_dma source(%dma_start3A_234 : memref<100000xf32, #tpu.memory_space<hbm>>) target(%dma_start3A_226 : memref<512xf32, #tpu.memory_space<vmem>>) offsets(%dma_start3A_229 : memref<512xi32, #tpu.memory_space<vmem>>) semaphore(%arg7 : memref<!tpu.dma_semaphore, #tpu.memory_space<semaphore_mem>>)
    %dma_start3A_235 = arith.constant 0 : i32
    %dma_start3A_236 = arith.constant 11 : i32
    %dma_start3A_237 = arith.constant 0 : i32
    %dma_start3A_238 = arith.constant 0 : i32
    %dma_start3A_239 = arith.constant 0 : i32
    %dma_start3A_240 = arith.constant 11 : i32
    %dma_start3A_241 = arith.constant 0 : i32
    %dma_start3A_242 = arith.constant 0 : i32
    %dma_start3A_243 = tpu.memref_slice %arg6[%dma_start3A_239, %dma_start3A_241, %dma_start3A_242] : memref<2x16x512xf32, #tpu.memory_space<vmem>> -> memref<1x16x512xf32, #tpu.memory_space<vmem>>
    %dma_start3A_244 = tpu.memref_squeeze %dma_start3A_243 : memref<1x16x512xf32, #tpu.memory_space<vmem>> -> memref<16x512xf32, #tpu.memory_space<vmem>>
    %dma_start3A_245 = arith.constant 0 : i32
    %dma_start3A_246 = tpu.memref_slice %dma_start3A_244[%dma_start3A_240, %dma_start3A_245] : memref<16x512xf32, #tpu.memory_space<vmem>> -> memref<1x512xf32, #tpu.memory_space<vmem>>
    %dma_start3A_247 = tpu.memref_squeeze %dma_start3A_246 : memref<1x512xf32, #tpu.memory_space<vmem>> -> memref<512xf32, #tpu.memory_space<vmem>>
    %dma_start3A_248 = arith.constant 0 : i32
    %dma_start3A_249 = tpu.memref_slice %arg5[%dma_start3A_237, %dma_start3A_238, %dma_start3A_248] : memref<26x1x512xi32, #tpu.memory_space<vmem>> -> memref<1x1x512xi32, #tpu.memory_space<vmem>>
    %dma_start3A_250 = tpu.memref_squeeze %dma_start3A_249 : memref<1x1x512xi32, #tpu.memory_space<vmem>> -> memref<512xi32, #tpu.memory_space<vmem>>
    %dma_start3A_251 = arith.constant 0 : i32
    %dma_start3A_252 = tpu.memref_slice %arg2[%dma_start3A_235, %dma_start3A_236, %dma_start3A_251] : memref<26x16x100000xf32, #tpu.memory_space<hbm>> -> memref<1x1x100000xf32, #tpu.memory_space<hbm>>
    %dma_start3A_253 = tpu.memref_squeeze %dma_start3A_252 : memref<1x1x100000xf32, #tpu.memory_space<hbm>> -> memref<100000xf32, #tpu.memory_space<hbm>>
    %dma_start3A_254 = arith.constant 0 : i32
    %dma_start3A_255 = tpu.memref_slice %dma_start3A_253[%dma_start3A_254] : memref<100000xf32, #tpu.memory_space<hbm>> -> memref<100000xf32, #tpu.memory_space<hbm>>
    tpu.enqueue_indirect_dma source(%dma_start3A_255 : memref<100000xf32, #tpu.memory_space<hbm>>) target(%dma_start3A_247 : memref<512xf32, #tpu.memory_space<vmem>>) offsets(%dma_start3A_250 : memref<512xi32, #tpu.memory_space<vmem>>) semaphore(%arg7 : memref<!tpu.dma_semaphore, #tpu.memory_space<semaphore_mem>>)
    %dma_start3A_256 = arith.constant 0 : i32
    %dma_start3A_257 = arith.constant 12 : i32
    %dma_start3A_258 = arith.constant 0 : i32
    %dma_start3A_259 = arith.constant 0 : i32
    %dma_start3A_260 = arith.constant 0 : i32
    %dma_start3A_261 = arith.constant 12 : i32
    %dma_start3A_262 = arith.constant 0 : i32
    %dma_start3A_263 = arith.constant 0 : i32
    %dma_start3A_264 = tpu.memref_slice %arg6[%dma_start3A_260, %dma_start3A_262, %dma_start3A_263] : memref<2x16x512xf32, #tpu.memory_space<vmem>> -> memref<1x16x512xf32, #tpu.memory_space<vmem>>
    %dma_start3A_265 = tpu.memref_squeeze %dma_start3A_264 : memref<1x16x512xf32, #tpu.memory_space<vmem>> -> memref<16x512xf32, #tpu.memory_space<vmem>>
    %dma_start3A_266 = arith.constant 0 : i32
    %dma_start3A_267 = tpu.memref_slice %dma_start3A_265[%dma_start3A_261, %dma_start3A_266] : memref<16x512xf32, #tpu.memory_space<vmem>> -> memref<1x512xf32, #tpu.memory_space<vmem>>
    %dma_start3A_268 = tpu.memref_squeeze %dma_start3A_267 : memref<1x512xf32, #tpu.memory_space<vmem>> -> memref<512xf32, #tpu.memory_space<vmem>>
    %dma_start3A_269 = arith.constant 0 : i32
    %dma_start3A_270 = tpu.memref_slice %arg5[%dma_start3A_258, %dma_start3A_259, %dma_start3A_269] : memref<26x1x512xi32, #tpu.memory_space<vmem>> -> memref<1x1x512xi32, #tpu.memory_space<vmem>>
    %dma_start3A_271 = tpu.memref_squeeze %dma_start3A_270 : memref<1x1x512xi32, #tpu.memory_space<vmem>> -> memref<512xi32, #tpu.memory_space<vmem>>
    %dma_start3A_272 = arith.constant 0 : i32
    %dma_start3A_273 = tpu.memref_slice %arg2[%dma_start3A_256, %dma_start3A_257, %dma_start3A_272] : memref<26x16x100000xf32, #tpu.memory_space<hbm>> -> memref<1x1x100000xf32, #tpu.memory_space<hbm>>
    %dma_start3A_274 = tpu.memref_squeeze %dma_start3A_273 : memref<1x1x100000xf32, #tpu.memory_space<hbm>> -> memref<100000xf32, #tpu.memory_space<hbm>>
    %dma_start3A_275 = arith.constant 0 : i32
    %dma_start3A_276 = tpu.memref_slice %dma_start3A_274[%dma_start3A_275] : memref<100000xf32, #tpu.memory_space<hbm>> -> memref<100000xf32, #tpu.memory_space<hbm>>
    tpu.enqueue_indirect_dma source(%dma_start3A_276 : memref<100000xf32, #tpu.memory_space<hbm>>) target(%dma_start3A_268 : memref<512xf32, #tpu.memory_space<vmem>>) offsets(%dma_start3A_271 : memref<512xi32, #tpu.memory_space<vmem>>) semaphore(%arg7 : memref<!tpu.dma_semaphore, #tpu.memory_space<semaphore_mem>>)
    %dma_start3A_277 = arith.constant 0 : i32
    %dma_start3A_278 = arith.constant 13 : i32
    %dma_start3A_279 = arith.constant 0 : i32
    %dma_start3A_280 = arith.constant 0 : i32
    %dma_start3A_281 = arith.constant 0 : i32
    %dma_start3A_282 = arith.constant 13 : i32
    %dma_start3A_283 = arith.constant 0 : i32
    %dma_start3A_284 = arith.constant 0 : i32
    %dma_start3A_285 = tpu.memref_slice %arg6[%dma_start3A_281, %dma_start3A_283, %dma_start3A_284] : memref<2x16x512xf32, #tpu.memory_space<vmem>> -> memref<1x16x512xf32, #tpu.memory_space<vmem>>
    %dma_start3A_286 = tpu.memref_squeeze %dma_start3A_285 : memref<1x16x512xf32, #tpu.memory_space<vmem>> -> memref<16x512xf32, #tpu.memory_space<vmem>>
    %dma_start3A_287 = arith.constant 0 : i32
    %dma_start3A_288 = tpu.memref_slice %dma_start3A_286[%dma_start3A_282, %dma_start3A_287] : memref<16x512xf32, #tpu.memory_space<vmem>> -> memref<1x512xf32, #tpu.memory_space<vmem>>
    %dma_start3A_289 = tpu.memref_squeeze %dma_start3A_288 : memref<1x512xf32, #tpu.memory_space<vmem>> -> memref<512xf32, #tpu.memory_space<vmem>>
    %dma_start3A_290 = arith.constant 0 : i32
    %dma_start3A_291 = tpu.memref_slice %arg5[%dma_start3A_279, %dma_start3A_280, %dma_start3A_290] : memref<26x1x512xi32, #tpu.memory_space<vmem>> -> memref<1x1x512xi32, #tpu.memory_space<vmem>>
    %dma_start3A_292 = tpu.memref_squeeze %dma_start3A_291 : memref<1x1x512xi32, #tpu.memory_space<vmem>> -> memref<512xi32, #tpu.memory_space<vmem>>
    %dma_start3A_293 = arith.constant 0 : i32
    %dma_start3A_294 = tpu.memref_slice %arg2[%dma_start3A_277, %dma_start3A_278, %dma_start3A_293] : memref<26x16x100000xf32, #tpu.memory_space<hbm>> -> memref<1x1x100000xf32, #tpu.memory_space<hbm>>
    %dma_start3A_295 = tpu.memref_squeeze %dma_start3A_294 : memref<1x1x100000xf32, #tpu.memory_space<hbm>> -> memref<100000xf32, #tpu.memory_space<hbm>>
    %dma_start3A_296 = arith.constant 0 : i32
    %dma_start3A_297 = tpu.memref_slice %dma_start3A_295[%dma_start3A_296] : memref<100000xf32, #tpu.memory_space<hbm>> -> memref<100000xf32, #tpu.memory_space<hbm>>
    tpu.enqueue_indirect_dma source(%dma_start3A_297 : memref<100000xf32, #tpu.memory_space<hbm>>) target(%dma_start3A_289 : memref<512xf32, #tpu.memory_space<vmem>>) offsets(%dma_start3A_292 : memref<512xi32, #tpu.memory_space<vmem>>) semaphore(%arg7 : memref<!tpu.dma_semaphore, #tpu.memory_space<semaphore_mem>>)
    %dma_start3A_298 = arith.constant 0 : i32
    %dma_start3A_299 = arith.constant 14 : i32
    %dma_start3A_300 = arith.constant 0 : i32
    %dma_start3A_301 = arith.constant 0 : i32
    %dma_start3A_302 = arith.constant 0 : i32
    %dma_start3A_303 = arith.constant 14 : i32
    %dma_start3A_304 = arith.constant 0 : i32
    %dma_start3A_305 = arith.constant 0 : i32
    %dma_start3A_306 = tpu.memref_slice %arg6[%dma_start3A_302, %dma_start3A_304, %dma_start3A_305] : memref<2x16x512xf32, #tpu.memory_space<vmem>> -> memref<1x16x512xf32, #tpu.memory_space<vmem>>
    %dma_start3A_307 = tpu.memref_squeeze %dma_start3A_306 : memref<1x16x512xf32, #tpu.memory_space<vmem>> -> memref<16x512xf32, #tpu.memory_space<vmem>>
    %dma_start3A_308 = arith.constant 0 : i32
    %dma_start3A_309 = tpu.memref_slice %dma_start3A_307[%dma_start3A_303, %dma_start3A_308] : memref<16x512xf32, #tpu.memory_space<vmem>> -> memref<1x512xf32, #tpu.memory_space<vmem>>
    %dma_start3A_310 = tpu.memref_squeeze %dma_start3A_309 : memref<1x512xf32, #tpu.memory_space<vmem>> -> memref<512xf32, #tpu.memory_space<vmem>>
    %dma_start3A_311 = arith.constant 0 : i32
    %dma_start3A_312 = tpu.memref_slice %arg5[%dma_start3A_300, %dma_start3A_301, %dma_start3A_311] : memref<26x1x512xi32, #tpu.memory_space<vmem>> -> memref<1x1x512xi32, #tpu.memory_space<vmem>>
    %dma_start3A_313 = tpu.memref_squeeze %dma_start3A_312 : memref<1x1x512xi32, #tpu.memory_space<vmem>> -> memref<512xi32, #tpu.memory_space<vmem>>
    %dma_start3A_314 = arith.constant 0 : i32
    %dma_start3A_315 = tpu.memref_slice %arg2[%dma_start3A_298, %dma_start3A_299, %dma_start3A_314] : memref<26x16x100000xf32, #tpu.memory_space<hbm>> -> memref<1x1x100000xf32, #tpu.memory_space<hbm>>
    %dma_start3A_316 = tpu.memref_squeeze %dma_start3A_315 : memref<1x1x100000xf32, #tpu.memory_space<hbm>> -> memref<100000xf32, #tpu.memory_space<hbm>>
    %dma_start3A_317 = arith.constant 0 : i32
    %dma_start3A_318 = tpu.memref_slice %dma_start3A_316[%dma_start3A_317] : memref<100000xf32, #tpu.memory_space<hbm>> -> memref<100000xf32, #tpu.memory_space<hbm>>
    tpu.enqueue_indirect_dma source(%dma_start3A_318 : memref<100000xf32, #tpu.memory_space<hbm>>) target(%dma_start3A_310 : memref<512xf32, #tpu.memory_space<vmem>>) offsets(%dma_start3A_313 : memref<512xi32, #tpu.memory_space<vmem>>) semaphore(%arg7 : memref<!tpu.dma_semaphore, #tpu.memory_space<semaphore_mem>>)
    %dma_start3A_319 = arith.constant 0 : i32
    %dma_start3A_320 = arith.constant 15 : i32
    %dma_start3A_321 = arith.constant 0 : i32
    %dma_start3A_322 = arith.constant 0 : i32
    %dma_start3A_323 = arith.constant 0 : i32
    %dma_start3A_324 = arith.constant 15 : i32
    %dma_start3A_325 = arith.constant 0 : i32
    %dma_start3A_326 = arith.constant 0 : i32
    %dma_start3A_327 = tpu.memref_slice %arg6[%dma_start3A_323, %dma_start3A_325, %dma_start3A_326] : memref<2x16x512xf32, #tpu.memory_space<vmem>> -> memref<1x16x512xf32, #tpu.memory_space<vmem>>
    %dma_start3A_328 = tpu.memref_squeeze %dma_start3A_327 : memref<1x16x512xf32, #tpu.memory_space<vmem>> -> memref<16x512xf32, #tpu.memory_space<vmem>>
    %dma_start3A_329 = arith.constant 0 : i32
    %dma_start3A_330 = tpu.memref_slice %dma_start3A_328[%dma_start3A_324, %dma_start3A_329] : memref<16x512xf32, #tpu.memory_space<vmem>> -> memref<1x512xf32, #tpu.memory_space<vmem>>
    %dma_start3A_331 = tpu.memref_squeeze %dma_start3A_330 : memref<1x512xf32, #tpu.memory_space<vmem>> -> memref<512xf32, #tpu.memory_space<vmem>>
    %dma_start3A_332 = arith.constant 0 : i32
    %dma_start3A_333 = tpu.memref_slice %arg5[%dma_start3A_321, %dma_start3A_322, %dma_start3A_332] : memref<26x1x512xi32, #tpu.memory_space<vmem>> -> memref<1x1x512xi32, #tpu.memory_space<vmem>>
    %dma_start3A_334 = tpu.memref_squeeze %dma_start3A_333 : memref<1x1x512xi32, #tpu.memory_space<vmem>> -> memref<512xi32, #tpu.memory_space<vmem>>
    %dma_start3A_335 = arith.constant 0 : i32
    %dma_start3A_336 = tpu.memref_slice %arg2[%dma_start3A_319, %dma_start3A_320, %dma_start3A_335] : memref<26x16x100000xf32, #tpu.memory_space<hbm>> -> memref<1x1x100000xf32, #tpu.memory_space<hbm>>
    %dma_start3A_337 = tpu.memref_squeeze %dma_start3A_336 : memref<1x1x100000xf32, #tpu.memory_space<hbm>> -> memref<100000xf32, #tpu.memory_space<hbm>>
    %dma_start3A_338 = arith.constant 0 : i32
    %dma_start3A_339 = tpu.memref_slice %dma_start3A_337[%dma_start3A_338] : memref<100000xf32, #tpu.memory_space<hbm>> -> memref<100000xf32, #tpu.memory_space<hbm>>
    tpu.enqueue_indirect_dma source(%dma_start3A_339 : memref<100000xf32, #tpu.memory_space<hbm>>) target(%dma_start3A_331 : memref<512xf32, #tpu.memory_space<vmem>>) offsets(%dma_start3A_334 : memref<512xi32, #tpu.memory_space<vmem>>) semaphore(%arg7 : memref<!tpu.dma_semaphore, #tpu.memory_space<semaphore_mem>>)
    %scan3A = arith.constant 0 : i32
    %scan3A_340 = arith.constant 0 : i32
    %scan3A_341 = arith.constant 13 : i32
    %scan3A_342 = arith.addi %scan3A_340, %scan3A_341 : i32
    %scan3A_343 = arith.constant 1 : i32
    %scan3A_344 = scf.for %scan3A_346 = %scan3A_340 to %scan3A_342 step %scan3A_343 iter_args(%scan3A_347 = %scan3A) -> (i32)  : i32 {
      %mul3A_348 = arith.constant 2 : i32
      %mul3A_349 = arith.muli %scan3A_346, %mul3A_348 : i32
      %div3A = arith.constant 1 : i32
      %div3A_350 = arith.divsi %mul3A_349, %div3A : i32
      %rem3A = arith.constant 1 : i32
      %rem3A_351 = arith.remsi %mul3A_349, %rem3A : i32
      %add3A_352 = arith.constant 1 : i32
      %add3A_353 = arith.addi %mul3A_349, %add3A_352 : i32
      %div3A_354 = arith.constant 1 : i32
      %div3A_355 = arith.divsi %add3A_353, %div3A_354 : i32
      %add3A_356 = arith.constant 1 : i32
      %add3A_357 = arith.addi %mul3A_349, %add3A_356 : i32
      %rem3A_358 = arith.constant 1 : i32
      %rem3A_359 = arith.remsi %add3A_357, %rem3A_358 : i32
      %dma_wait3A = arith.constant 0 : i32
      %dma_wait3A_360 = arith.constant 0 : i32
      %dma_wait3A_361 = arith.constant 0 : i32
      %dma_wait3A_362 = arith.constant 0 : i32
      %dma_wait3A_363 = arith.constant 0 : i32
      %dma_wait3A_364 = tpu.memref_slice %arg6[%dma_wait3A_360, %dma_wait3A_362, %dma_wait3A_363] : memref<2x16x512xf32, #tpu.memory_space<vmem>> -> memref<1x16x512xf32, #tpu.memory_space<vmem>>
      %dma_wait3A_365 = tpu.memref_squeeze %dma_wait3A_364 : memref<1x16x512xf32, #tpu.memory_space<vmem>> -> memref<16x512xf32, #tpu.memory_space<vmem>>
      %dma_wait3A_366 = arith.constant 0 : i32
      %dma_wait3A_367 = tpu.memref_slice %dma_wait3A_365[%dma_wait3A_361, %dma_wait3A_366] : memref<16x512xf32, #tpu.memory_space<vmem>> -> memref<1x512xf32, #tpu.memory_space<vmem>>
      %dma_wait3A_368 = tpu.memref_squeeze %dma_wait3A_367 : memref<1x512xf32, #tpu.memory_space<vmem>> -> memref<512xf32, #tpu.memory_space<vmem>>
      %dma_wait3A_369 = arith.constant 0 : i32
      %dma_wait3A_370 = tpu.memref_slice %arg5[%div3A_350, %rem3A_351, %dma_wait3A_369] : memref<26x1x512xi32, #tpu.memory_space<vmem>> -> memref<1x1x512xi32, #tpu.memory_space<vmem>>
      %dma_wait3A_371 = tpu.memref_squeeze %dma_wait3A_370 : memref<1x1x512xi32, #tpu.memory_space<vmem>> -> memref<512xi32, #tpu.memory_space<vmem>>
      %dma_wait3A_372 = arith.constant 0 : i32
      %dma_wait3A_373 = tpu.memref_slice %arg2[%div3A_350, %dma_wait3A, %dma_wait3A_372] : memref<26x16x100000xf32, #tpu.memory_space<hbm>> -> memref<1x1x100000xf32, #tpu.memory_space<hbm>>
      %dma_wait3A_374 = tpu.memref_squeeze %dma_wait3A_373 : memref<1x1x100000xf32, #tpu.memory_space<hbm>> -> memref<100000xf32, #tpu.memory_space<hbm>>
      %dma_wait3A_375 = arith.constant 0 : i32
      %dma_wait3A_376 = tpu.memref_slice %dma_wait3A_374[%dma_wait3A_375] : memref<100000xf32, #tpu.memory_space<hbm>> -> memref<100000xf32, #tpu.memory_space<hbm>>
      tpu.wait_indirect_dma semaphore(%arg7 : memref<!tpu.dma_semaphore, #tpu.memory_space<semaphore_mem>>) src(%dma_wait3A_376 : memref<100000xf32, #tpu.memory_space<hbm>>) dst(%dma_wait3A_368 : memref<512xf32, #tpu.memory_space<vmem>>)
      %dma_wait3A_377 = arith.constant 1 : i32
      %dma_wait3A_378 = arith.constant 0 : i32
      %dma_wait3A_379 = arith.constant 1 : i32
      %dma_wait3A_380 = arith.constant 0 : i32
      %dma_wait3A_381 = arith.constant 0 : i32
      %dma_wait3A_382 = tpu.memref_slice %arg6[%dma_wait3A_378, %dma_wait3A_380, %dma_wait3A_381] : memref<2x16x512xf32, #tpu.memory_space<vmem>> -> memref<1x16x512xf32, #tpu.memory_space<vmem>>
      %dma_wait3A_383 = tpu.memref_squeeze %dma_wait3A_382 : memref<1x16x512xf32, #tpu.memory_space<vmem>> -> memref<16x512xf32, #tpu.memory_space<vmem>>
      %dma_wait3A_384 = arith.constant 0 : i32
      %dma_wait3A_385 = tpu.memref_slice %dma_wait3A_383[%dma_wait3A_379, %dma_wait3A_384] : memref<16x512xf32, #tpu.memory_space<vmem>> -> memref<1x512xf32, #tpu.memory_space<vmem>>
      %dma_wait3A_386 = tpu.memref_squeeze %dma_wait3A_385 : memref<1x512xf32, #tpu.memory_space<vmem>> -> memref<512xf32, #tpu.memory_space<vmem>>
      %dma_wait3A_387 = arith.constant 0 : i32
      %dma_wait3A_388 = tpu.memref_slice %arg5[%div3A_350, %rem3A_351, %dma_wait3A_387] : memref<26x1x512xi32, #tpu.memory_space<vmem>> -> memref<1x1x512xi32, #tpu.memory_space<vmem>>
      %dma_wait3A_389 = tpu.memref_squeeze %dma_wait3A_388 : memref<1x1x512xi32, #tpu.memory_space<vmem>> -> memref<512xi32, #tpu.memory_space<vmem>>
      %dma_wait3A_390 = arith.constant 0 : i32
      %dma_wait3A_391 = tpu.memref_slice %arg2[%div3A_350, %dma_wait3A_377, %dma_wait3A_390] : memref<26x16x100000xf32, #tpu.memory_space<hbm>> -> memref<1x1x100000xf32, #tpu.memory_space<hbm>>
      %dma_wait3A_392 = tpu.memref_squeeze %dma_wait3A_391 : memref<1x1x100000xf32, #tpu.memory_space<hbm>> -> memref<100000xf32, #tpu.memory_space<hbm>>
      %dma_wait3A_393 = arith.constant 0 : i32
      %dma_wait3A_394 = tpu.memref_slice %dma_wait3A_392[%dma_wait3A_393] : memref<100000xf32, #tpu.memory_space<hbm>> -> memref<100000xf32, #tpu.memory_space<hbm>>
      tpu.wait_indirect_dma semaphore(%arg7 : memref<!tpu.dma_semaphore, #tpu.memory_space<semaphore_mem>>) src(%dma_wait3A_394 : memref<100000xf32, #tpu.memory_space<hbm>>) dst(%dma_wait3A_386 : memref<512xf32, #tpu.memory_space<vmem>>)
      %dma_wait3A_395 = arith.constant 2 : i32
      %dma_wait3A_396 = arith.constant 0 : i32
      %dma_wait3A_397 = arith.constant 2 : i32
      %dma_wait3A_398 = arith.constant 0 : i32
      %dma_wait3A_399 = arith.constant 0 : i32
      %dma_wait3A_400 = tpu.memref_slice %arg6[%dma_wait3A_396, %dma_wait3A_398, %dma_wait3A_399] : memref<2x16x512xf32, #tpu.memory_space<vmem>> -> memref<1x16x512xf32, #tpu.memory_space<vmem>>
      %dma_wait3A_401 = tpu.memref_squeeze %dma_wait3A_400 : memref<1x16x512xf32, #tpu.memory_space<vmem>> -> memref<16x512xf32, #tpu.memory_space<vmem>>
      %dma_wait3A_402 = arith.constant 0 : i32
      %dma_wait3A_403 = tpu.memref_slice %dma_wait3A_401[%dma_wait3A_397, %dma_wait3A_402] : memref<16x512xf32, #tpu.memory_space<vmem>> -> memref<1x512xf32, #tpu.memory_space<vmem>>
      %dma_wait3A_404 = tpu.memref_squeeze %dma_wait3A_403 : memref<1x512xf32, #tpu.memory_space<vmem>> -> memref<512xf32, #tpu.memory_space<vmem>>
      %dma_wait3A_405 = arith.constant 0 : i32
      %dma_wait3A_406 = tpu.memref_slice %arg5[%div3A_350, %rem3A_351, %dma_wait3A_405] : memref<26x1x512xi32, #tpu.memory_space<vmem>> -> memref<1x1x512xi32, #tpu.memory_space<vmem>>
      %dma_wait3A_407 = tpu.memref_squeeze %dma_wait3A_406 : memref<1x1x512xi32, #tpu.memory_space<vmem>> -> memref<512xi32, #tpu.memory_space<vmem>>
      %dma_wait3A_408 = arith.constant 0 : i32
      %dma_wait3A_409 = tpu.memref_slice %arg2[%div3A_350, %dma_wait3A_395, %dma_wait3A_408] : memref<26x16x100000xf32, #tpu.memory_space<hbm>> -> memref<1x1x100000xf32, #tpu.memory_space<hbm>>
      %dma_wait3A_410 = tpu.memref_squeeze %dma_wait3A_409 : memref<1x1x100000xf32, #tpu.memory_space<hbm>> -> memref<100000xf32, #tpu.memory_space<hbm>>
      %dma_wait3A_411 = arith.constant 0 : i32
      %dma_wait3A_412 = tpu.memref_slice %dma_wait3A_410[%dma_wait3A_411] : memref<100000xf32, #tpu.memory_space<hbm>> -> memref<100000xf32, #tpu.memory_space<hbm>>
      tpu.wait_indirect_dma semaphore(%arg7 : memref<!tpu.dma_semaphore, #tpu.memory_space<semaphore_mem>>) src(%dma_wait3A_412 : memref<100000xf32, #tpu.memory_space<hbm>>) dst(%dma_wait3A_404 : memref<512xf32, #tpu.memory_space<vmem>>)
      %dma_wait3A_413 = arith.constant 3 : i32
      %dma_wait3A_414 = arith.constant 0 : i32
      %dma_wait3A_415 = arith.constant 3 : i32
      %dma_wait3A_416 = arith.constant 0 : i32
      %dma_wait3A_417 = arith.constant 0 : i32
      %dma_wait3A_418 = tpu.memref_slice %arg6[%dma_wait3A_414, %dma_wait3A_416, %dma_wait3A_417] : memref<2x16x512xf32, #tpu.memory_space<vmem>> -> memref<1x16x512xf32, #tpu.memory_space<vmem>>
      %dma_wait3A_419 = tpu.memref_squeeze %dma_wait3A_418 : memref<1x16x512xf32, #tpu.memory_space<vmem>> -> memref<16x512xf32, #tpu.memory_space<vmem>>
      %dma_wait3A_420 = arith.constant 0 : i32
      %dma_wait3A_421 = tpu.memref_slice %dma_wait3A_419[%dma_wait3A_415, %dma_wait3A_420] : memref<16x512xf32, #tpu.memory_space<vmem>> -> memref<1x512xf32, #tpu.memory_space<vmem>>
      %dma_wait3A_422 = tpu.memref_squeeze %dma_wait3A_421 : memref<1x512xf32, #tpu.memory_space<vmem>> -> memref<512xf32, #tpu.memory_space<vmem>>
      %dma_wait3A_423 = arith.constant 0 : i32
      %dma_wait3A_424 = tpu.memref_slice %arg5[%div3A_350, %rem3A_351, %dma_wait3A_423] : memref<26x1x512xi32, #tpu.memory_space<vmem>> -> memref<1x1x512xi32, #tpu.memory_space<vmem>>
      %dma_wait3A_425 = tpu.memref_squeeze %dma_wait3A_424 : memref<1x1x512xi32, #tpu.memory_space<vmem>> -> memref<512xi32, #tpu.memory_space<vmem>>
      %dma_wait3A_426 = arith.constant 0 : i32
      %dma_wait3A_427 = tpu.memref_slice %arg2[%div3A_350, %dma_wait3A_413, %dma_wait3A_426] : memref<26x16x100000xf32, #tpu.memory_space<hbm>> -> memref<1x1x100000xf32, #tpu.memory_space<hbm>>
      %dma_wait3A_428 = tpu.memref_squeeze %dma_wait3A_427 : memref<1x1x100000xf32, #tpu.memory_space<hbm>> -> memref<100000xf32, #tpu.memory_space<hbm>>
      %dma_wait3A_429 = arith.constant 0 : i32
      %dma_wait3A_430 = tpu.memref_slice %dma_wait3A_428[%dma_wait3A_429] : memref<100000xf32, #tpu.memory_space<hbm>> -> memref<100000xf32, #tpu.memory_space<hbm>>
      tpu.wait_indirect_dma semaphore(%arg7 : memref<!tpu.dma_semaphore, #tpu.memory_space<semaphore_mem>>) src(%dma_wait3A_430 : memref<100000xf32, #tpu.memory_space<hbm>>) dst(%dma_wait3A_422 : memref<512xf32, #tpu.memory_space<vmem>>)
      %dma_wait3A_431 = arith.constant 4 : i32
      %dma_wait3A_432 = arith.constant 0 : i32
      %dma_wait3A_433 = arith.constant 4 : i32
      %dma_wait3A_434 = arith.constant 0 : i32
      %dma_wait3A_435 = arith.constant 0 : i32
      %dma_wait3A_436 = tpu.memref_slice %arg6[%dma_wait3A_432, %dma_wait3A_434, %dma_wait3A_435] : memref<2x16x512xf32, #tpu.memory_space<vmem>> -> memref<1x16x512xf32, #tpu.memory_space<vmem>>
      %dma_wait3A_437 = tpu.memref_squeeze %dma_wait3A_436 : memref<1x16x512xf32, #tpu.memory_space<vmem>> -> memref<16x512xf32, #tpu.memory_space<vmem>>
      %dma_wait3A_438 = arith.constant 0 : i32
      %dma_wait3A_439 = tpu.memref_slice %dma_wait3A_437[%dma_wait3A_433, %dma_wait3A_438] : memref<16x512xf32, #tpu.memory_space<vmem>> -> memref<1x512xf32, #tpu.memory_space<vmem>>
      %dma_wait3A_440 = tpu.memref_squeeze %dma_wait3A_439 : memref<1x512xf32, #tpu.memory_space<vmem>> -> memref<512xf32, #tpu.memory_space<vmem>>
      %dma_wait3A_441 = arith.constant 0 : i32
      %dma_wait3A_442 = tpu.memref_slice %arg5[%div3A_350, %rem3A_351, %dma_wait3A_441] : memref<26x1x512xi32, #tpu.memory_space<vmem>> -> memref<1x1x512xi32, #tpu.memory_space<vmem>>
      %dma_wait3A_443 = tpu.memref_squeeze %dma_wait3A_442 : memref<1x1x512xi32, #tpu.memory_space<vmem>> -> memref<512xi32, #tpu.memory_space<vmem>>
      %dma_wait3A_444 = arith.constant 0 : i32
      %dma_wait3A_445 = tpu.memref_slice %arg2[%div3A_350, %dma_wait3A_431, %dma_wait3A_444] : memref<26x16x100000xf32, #tpu.memory_space<hbm>> -> memref<1x1x100000xf32, #tpu.memory_space<hbm>>
      %dma_wait3A_446 = tpu.memref_squeeze %dma_wait3A_445 : memref<1x1x100000xf32, #tpu.memory_space<hbm>> -> memref<100000xf32, #tpu.memory_space<hbm>>
      %dma_wait3A_447 = arith.constant 0 : i32
      %dma_wait3A_448 = tpu.memref_slice %dma_wait3A_446[%dma_wait3A_447] : memref<100000xf32, #tpu.memory_space<hbm>> -> memref<100000xf32, #tpu.memory_space<hbm>>
      tpu.wait_indirect_dma semaphore(%arg7 : memref<!tpu.dma_semaphore, #tpu.memory_space<semaphore_mem>>) src(%dma_wait3A_448 : memref<100000xf32, #tpu.memory_space<hbm>>) dst(%dma_wait3A_440 : memref<512xf32, #tpu.memory_space<vmem>>)
      %dma_wait3A_449 = arith.constant 5 : i32
      %dma_wait3A_450 = arith.constant 0 : i32
      %dma_wait3A_451 = arith.constant 5 : i32
      %dma_wait3A_452 = arith.constant 0 : i32
      %dma_wait3A_453 = arith.constant 0 : i32
      %dma_wait3A_454 = tpu.memref_slice %arg6[%dma_wait3A_450, %dma_wait3A_452, %dma_wait3A_453] : memref<2x16x512xf32, #tpu.memory_space<vmem>> -> memref<1x16x512xf32, #tpu.memory_space<vmem>>
      %dma_wait3A_455 = tpu.memref_squeeze %dma_wait3A_454 : memref<1x16x512xf32, #tpu.memory_space<vmem>> -> memref<16x512xf32, #tpu.memory_space<vmem>>
      %dma_wait3A_456 = arith.constant 0 : i32
      %dma_wait3A_457 = tpu.memref_slice %dma_wait3A_455[%dma_wait3A_451, %dma_wait3A_456] : memref<16x512xf32, #tpu.memory_space<vmem>> -> memref<1x512xf32, #tpu.memory_space<vmem>>
      %dma_wait3A_458 = tpu.memref_squeeze %dma_wait3A_457 : memref<1x512xf32, #tpu.memory_space<vmem>> -> memref<512xf32, #tpu.memory_space<vmem>>
      %dma_wait3A_459 = arith.constant 0 : i32
      %dma_wait3A_460 = tpu.memref_slice %arg5[%div3A_350, %rem3A_351, %dma_wait3A_459] : memref<26x1x512xi32, #tpu.memory_space<vmem>> -> memref<1x1x512xi32, #tpu.memory_space<vmem>>
      %dma_wait3A_461 = tpu.memref_squeeze %dma_wait3A_460 : memref<1x1x512xi32, #tpu.memory_space<vmem>> -> memref<512xi32, #tpu.memory_space<vmem>>
      %dma_wait3A_462 = arith.constant 0 : i32
      %dma_wait3A_463 = tpu.memref_slice %arg2[%div3A_350, %dma_wait3A_449, %dma_wait3A_462] : memref<26x16x100000xf32, #tpu.memory_space<hbm>> -> memref<1x1x100000xf32, #tpu.memory_space<hbm>>
      %dma_wait3A_464 = tpu.memref_squeeze %dma_wait3A_463 : memref<1x1x100000xf32, #tpu.memory_space<hbm>> -> memref<100000xf32, #tpu.memory_space<hbm>>
      %dma_wait3A_465 = arith.constant 0 : i32
      %dma_wait3A_466 = tpu.memref_slice %dma_wait3A_464[%dma_wait3A_465] : memref<100000xf32, #tpu.memory_space<hbm>> -> memref<100000xf32, #tpu.memory_space<hbm>>
      tpu.wait_indirect_dma semaphore(%arg7 : memref<!tpu.dma_semaphore, #tpu.memory_space<semaphore_mem>>) src(%dma_wait3A_466 : memref<100000xf32, #tpu.memory_space<hbm>>) dst(%dma_wait3A_458 : memref<512xf32, #tpu.memory_space<vmem>>)
      %dma_wait3A_467 = arith.constant 6 : i32
      %dma_wait3A_468 = arith.constant 0 : i32
      %dma_wait3A_469 = arith.constant 6 : i32
      %dma_wait3A_470 = arith.constant 0 : i32
      %dma_wait3A_471 = arith.constant 0 : i32
      %dma_wait3A_472 = tpu.memref_slice %arg6[%dma_wait3A_468, %dma_wait3A_470, %dma_wait3A_471] : memref<2x16x512xf32, #tpu.memory_space<vmem>> -> memref<1x16x512xf32, #tpu.memory_space<vmem>>
      %dma_wait3A_473 = tpu.memref_squeeze %dma_wait3A_472 : memref<1x16x512xf32, #tpu.memory_space<vmem>> -> memref<16x512xf32, #tpu.memory_space<vmem>>
      %dma_wait3A_474 = arith.constant 0 : i32
      %dma_wait3A_475 = tpu.memref_slice %dma_wait3A_473[%dma_wait3A_469, %dma_wait3A_474] : memref<16x512xf32, #tpu.memory_space<vmem>> -> memref<1x512xf32, #tpu.memory_space<vmem>>
      %dma_wait3A_476 = tpu.memref_squeeze %dma_wait3A_475 : memref<1x512xf32, #tpu.memory_space<vmem>> -> memref<512xf32, #tpu.memory_space<vmem>>
      %dma_wait3A_477 = arith.constant 0 : i32
      %dma_wait3A_478 = tpu.memref_slice %arg5[%div3A_350, %rem3A_351, %dma_wait3A_477] : memref<26x1x512xi32, #tpu.memory_space<vmem>> -> memref<1x1x512xi32, #tpu.memory_space<vmem>>
      %dma_wait3A_479 = tpu.memref_squeeze %dma_wait3A_478 : memref<1x1x512xi32, #tpu.memory_space<vmem>> -> memref<512xi32, #tpu.memory_space<vmem>>
      %dma_wait3A_480 = arith.constant 0 : i32
      %dma_wait3A_481 = tpu.memref_slice %arg2[%div3A_350, %dma_wait3A_467, %dma_wait3A_480] : memref<26x16x100000xf32, #tpu.memory_space<hbm>> -> memref<1x1x100000xf32, #tpu.memory_space<hbm>>
      %dma_wait3A_482 = tpu.memref_squeeze %dma_wait3A_481 : memref<1x1x100000xf32, #tpu.memory_space<hbm>> -> memref<100000xf32, #tpu.memory_space<hbm>>
      %dma_wait3A_483 = arith.constant 0 : i32
      %dma_wait3A_484 = tpu.memref_slice %dma_wait3A_482[%dma_wait3A_483] : memref<100000xf32, #tpu.memory_space<hbm>> -> memref<100000xf32, #tpu.memory_space<hbm>>
      tpu.wait_indirect_dma semaphore(%arg7 : memref<!tpu.dma_semaphore, #tpu.memory_space<semaphore_mem>>) src(%dma_wait3A_484 : memref<100000xf32, #tpu.memory_space<hbm>>) dst(%dma_wait3A_476 : memref<512xf32, #tpu.memory_space<vmem>>)
      %dma_wait3A_485 = arith.constant 7 : i32
      %dma_wait3A_486 = arith.constant 0 : i32
      %dma_wait3A_487 = arith.constant 7 : i32
      %dma_wait3A_488 = arith.constant 0 : i32
      %dma_wait3A_489 = arith.constant 0 : i32
      %dma_wait3A_490 = tpu.memref_slice %arg6[%dma_wait3A_486, %dma_wait3A_488, %dma_wait3A_489] : memref<2x16x512xf32, #tpu.memory_space<vmem>> -> memref<1x16x512xf32, #tpu.memory_space<vmem>>
      %dma_wait3A_491 = tpu.memref_squeeze %dma_wait3A_490 : memref<1x16x512xf32, #tpu.memory_space<vmem>> -> memref<16x512xf32, #tpu.memory_space<vmem>>
      %dma_wait3A_492 = arith.constant 0 : i32
      %dma_wait3A_493 = tpu.memref_slice %dma_wait3A_491[%dma_wait3A_487, %dma_wait3A_492] : memref<16x512xf32, #tpu.memory_space<vmem>> -> memref<1x512xf32, #tpu.memory_space<vmem>>
      %dma_wait3A_494 = tpu.memref_squeeze %dma_wait3A_493 : memref<1x512xf32, #tpu.memory_space<vmem>> -> memref<512xf32, #tpu.memory_space<vmem>>
      %dma_wait3A_495 = arith.constant 0 : i32
      %dma_wait3A_496 = tpu.memref_slice %arg5[%div3A_350, %rem3A_351, %dma_wait3A_495] : memref<26x1x512xi32, #tpu.memory_space<vmem>> -> memref<1x1x512xi32, #tpu.memory_space<vmem>>
      %dma_wait3A_497 = tpu.memref_squeeze %dma_wait3A_496 : memref<1x1x512xi32, #tpu.memory_space<vmem>> -> memref<512xi32, #tpu.memory_space<vmem>>
      %dma_wait3A_498 = arith.constant 0 : i32
      %dma_wait3A_499 = tpu.memref_slice %arg2[%div3A_350, %dma_wait3A_485, %dma_wait3A_498] : memref<26x16x100000xf32, #tpu.memory_space<hbm>> -> memref<1x1x100000xf32, #tpu.memory_space<hbm>>
      %dma_wait3A_500 = tpu.memref_squeeze %dma_wait3A_499 : memref<1x1x100000xf32, #tpu.memory_space<hbm>> -> memref<100000xf32, #tpu.memory_space<hbm>>
      %dma_wait3A_501 = arith.constant 0 : i32
      %dma_wait3A_502 = tpu.memref_slice %dma_wait3A_500[%dma_wait3A_501] : memref<100000xf32, #tpu.memory_space<hbm>> -> memref<100000xf32, #tpu.memory_space<hbm>>
      tpu.wait_indirect_dma semaphore(%arg7 : memref<!tpu.dma_semaphore, #tpu.memory_space<semaphore_mem>>) src(%dma_wait3A_502 : memref<100000xf32, #tpu.memory_space<hbm>>) dst(%dma_wait3A_494 : memref<512xf32, #tpu.memory_space<vmem>>)
      %dma_wait3A_503 = arith.constant 8 : i32
      %dma_wait3A_504 = arith.constant 0 : i32
      %dma_wait3A_505 = arith.constant 8 : i32
      %dma_wait3A_506 = arith.constant 0 : i32
      %dma_wait3A_507 = arith.constant 0 : i32
      %dma_wait3A_508 = tpu.memref_slice %arg6[%dma_wait3A_504, %dma_wait3A_506, %dma_wait3A_507] : memref<2x16x512xf32, #tpu.memory_space<vmem>> -> memref<1x16x512xf32, #tpu.memory_space<vmem>>
      %dma_wait3A_509 = tpu.memref_squeeze %dma_wait3A_508 : memref<1x16x512xf32, #tpu.memory_space<vmem>> -> memref<16x512xf32, #tpu.memory_space<vmem>>
      %dma_wait3A_510 = arith.constant 0 : i32
      %dma_wait3A_511 = tpu.memref_slice %dma_wait3A_509[%dma_wait3A_505, %dma_wait3A_510] : memref<16x512xf32, #tpu.memory_space<vmem>> -> memref<1x512xf32, #tpu.memory_space<vmem>>
      %dma_wait3A_512 = tpu.memref_squeeze %dma_wait3A_511 : memref<1x512xf32, #tpu.memory_space<vmem>> -> memref<512xf32, #tpu.memory_space<vmem>>
      %dma_wait3A_513 = arith.constant 0 : i32
      %dma_wait3A_514 = tpu.memref_slice %arg5[%div3A_350, %rem3A_351, %dma_wait3A_513] : memref<26x1x512xi32, #tpu.memory_space<vmem>> -> memref<1x1x512xi32, #tpu.memory_space<vmem>>
      %dma_wait3A_515 = tpu.memref_squeeze %dma_wait3A_514 : memref<1x1x512xi32, #tpu.memory_space<vmem>> -> memref<512xi32, #tpu.memory_space<vmem>>
      %dma_wait3A_516 = arith.constant 0 : i32
      %dma_wait3A_517 = tpu.memref_slice %arg2[%div3A_350, %dma_wait3A_503, %dma_wait3A_516] : memref<26x16x100000xf32, #tpu.memory_space<hbm>> -> memref<1x1x100000xf32, #tpu.memory_space<hbm>>
      %dma_wait3A_518 = tpu.memref_squeeze %dma_wait3A_517 : memref<1x1x100000xf32, #tpu.memory_space<hbm>> -> memref<100000xf32, #tpu.memory_space<hbm>>
      %dma_wait3A_519 = arith.constant 0 : i32
      %dma_wait3A_520 = tpu.memref_slice %dma_wait3A_518[%dma_wait3A_519] : memref<100000xf32, #tpu.memory_space<hbm>> -> memref<100000xf32, #tpu.memory_space<hbm>>
      tpu.wait_indirect_dma semaphore(%arg7 : memref<!tpu.dma_semaphore, #tpu.memory_space<semaphore_mem>>) src(%dma_wait3A_520 : memref<100000xf32, #tpu.memory_space<hbm>>) dst(%dma_wait3A_512 : memref<512xf32, #tpu.memory_space<vmem>>)
      %dma_wait3A_521 = arith.constant 9 : i32
      %dma_wait3A_522 = arith.constant 0 : i32
      %dma_wait3A_523 = arith.constant 9 : i32
      %dma_wait3A_524 = arith.constant 0 : i32
      %dma_wait3A_525 = arith.constant 0 : i32
      %dma_wait3A_526 = tpu.memref_slice %arg6[%dma_wait3A_522, %dma_wait3A_524, %dma_wait3A_525] : memref<2x16x512xf32, #tpu.memory_space<vmem>> -> memref<1x16x512xf32, #tpu.memory_space<vmem>>
      %dma_wait3A_527 = tpu.memref_squeeze %dma_wait3A_526 : memref<1x16x512xf32, #tpu.memory_space<vmem>> -> memref<16x512xf32, #tpu.memory_space<vmem>>
      %dma_wait3A_528 = arith.constant 0 : i32
      %dma_wait3A_529 = tpu.memref_slice %dma_wait3A_527[%dma_wait3A_523, %dma_wait3A_528] : memref<16x512xf32, #tpu.memory_space<vmem>> -> memref<1x512xf32, #tpu.memory_space<vmem>>
      %dma_wait3A_530 = tpu.memref_squeeze %dma_wait3A_529 : memref<1x512xf32, #tpu.memory_space<vmem>> -> memref<512xf32, #tpu.memory_space<vmem>>
      %dma_wait3A_531 = arith.constant 0 : i32
      %dma_wait3A_532 = tpu.memref_slice %arg5[%div3A_350, %rem3A_351, %dma_wait3A_531] : memref<26x1x512xi32, #tpu.memory_space<vmem>> -> memref<1x1x512xi32, #tpu.memory_space<vmem>>
      %dma_wait3A_533 = tpu.memref_squeeze %dma_wait3A_532 : memref<1x1x512xi32, #tpu.memory_space<vmem>> -> memref<512xi32, #tpu.memory_space<vmem>>
      %dma_wait3A_534 = arith.constant 0 : i32
      %dma_wait3A_535 = tpu.memref_slice %arg2[%div3A_350, %dma_wait3A_521, %dma_wait3A_534] : memref<26x16x100000xf32, #tpu.memory_space<hbm>> -> memref<1x1x100000xf32, #tpu.memory_space<hbm>>
      %dma_wait3A_536 = tpu.memref_squeeze %dma_wait3A_535 : memref<1x1x100000xf32, #tpu.memory_space<hbm>> -> memref<100000xf32, #tpu.memory_space<hbm>>
      %dma_wait3A_537 = arith.constant 0 : i32
      %dma_wait3A_538 = tpu.memref_slice %dma_wait3A_536[%dma_wait3A_537] : memref<100000xf32, #tpu.memory_space<hbm>> -> memref<100000xf32, #tpu.memory_space<hbm>>
      tpu.wait_indirect_dma semaphore(%arg7 : memref<!tpu.dma_semaphore, #tpu.memory_space<semaphore_mem>>) src(%dma_wait3A_538 : memref<100000xf32, #tpu.memory_space<hbm>>) dst(%dma_wait3A_530 : memref<512xf32, #tpu.memory_space<vmem>>)
      %dma_wait3A_539 = arith.constant 10 : i32
      %dma_wait3A_540 = arith.constant 0 : i32
      %dma_wait3A_541 = arith.constant 10 : i32
      %dma_wait3A_542 = arith.constant 0 : i32
      %dma_wait3A_543 = arith.constant 0 : i32
      %dma_wait3A_544 = tpu.memref_slice %arg6[%dma_wait3A_540, %dma_wait3A_542, %dma_wait3A_543] : memref<2x16x512xf32, #tpu.memory_space<vmem>> -> memref<1x16x512xf32, #tpu.memory_space<vmem>>
      %dma_wait3A_545 = tpu.memref_squeeze %dma_wait3A_544 : memref<1x16x512xf32, #tpu.memory_space<vmem>> -> memref<16x512xf32, #tpu.memory_space<vmem>>
      %dma_wait3A_546 = arith.constant 0 : i32
      %dma_wait3A_547 = tpu.memref_slice %dma_wait3A_545[%dma_wait3A_541, %dma_wait3A_546] : memref<16x512xf32, #tpu.memory_space<vmem>> -> memref<1x512xf32, #tpu.memory_space<vmem>>
      %dma_wait3A_548 = tpu.memref_squeeze %dma_wait3A_547 : memref<1x512xf32, #tpu.memory_space<vmem>> -> memref<512xf32, #tpu.memory_space<vmem>>
      %dma_wait3A_549 = arith.constant 0 : i32
      %dma_wait3A_550 = tpu.memref_slice %arg5[%div3A_350, %rem3A_351, %dma_wait3A_549] : memref<26x1x512xi32, #tpu.memory_space<vmem>> -> memref<1x1x512xi32, #tpu.memory_space<vmem>>
      %dma_wait3A_551 = tpu.memref_squeeze %dma_wait3A_550 : memref<1x1x512xi32, #tpu.memory_space<vmem>> -> memref<512xi32, #tpu.memory_space<vmem>>
      %dma_wait3A_552 = arith.constant 0 : i32
      %dma_wait3A_553 = tpu.memref_slice %arg2[%div3A_350, %dma_wait3A_539, %dma_wait3A_552] : memref<26x16x100000xf32, #tpu.memory_space<hbm>> -> memref<1x1x100000xf32, #tpu.memory_space<hbm>>
      %dma_wait3A_554 = tpu.memref_squeeze %dma_wait3A_553 : memref<1x1x100000xf32, #tpu.memory_space<hbm>> -> memref<100000xf32, #tpu.memory_space<hbm>>
      %dma_wait3A_555 = arith.constant 0 : i32
      %dma_wait3A_556 = tpu.memref_slice %dma_wait3A_554[%dma_wait3A_555] : memref<100000xf32, #tpu.memory_space<hbm>> -> memref<100000xf32, #tpu.memory_space<hbm>>
      tpu.wait_indirect_dma semaphore(%arg7 : memref<!tpu.dma_semaphore, #tpu.memory_space<semaphore_mem>>) src(%dma_wait3A_556 : memref<100000xf32, #tpu.memory_space<hbm>>) dst(%dma_wait3A_548 : memref<512xf32, #tpu.memory_space<vmem>>)
      %dma_wait3A_557 = arith.constant 11 : i32
      %dma_wait3A_558 = arith.constant 0 : i32
      %dma_wait3A_559 = arith.constant 11 : i32
      %dma_wait3A_560 = arith.constant 0 : i32
      %dma_wait3A_561 = arith.constant 0 : i32
      %dma_wait3A_562 = tpu.memref_slice %arg6[%dma_wait3A_558, %dma_wait3A_560, %dma_wait3A_561] : memref<2x16x512xf32, #tpu.memory_space<vmem>> -> memref<1x16x512xf32, #tpu.memory_space<vmem>>
      %dma_wait3A_563 = tpu.memref_squeeze %dma_wait3A_562 : memref<1x16x512xf32, #tpu.memory_space<vmem>> -> memref<16x512xf32, #tpu.memory_space<vmem>>
      %dma_wait3A_564 = arith.constant 0 : i32
      %dma_wait3A_565 = tpu.memref_slice %dma_wait3A_563[%dma_wait3A_559, %dma_wait3A_564] : memref<16x512xf32, #tpu.memory_space<vmem>> -> memref<1x512xf32, #tpu.memory_space<vmem>>
      %dma_wait3A_566 = tpu.memref_squeeze %dma_wait3A_565 : memref<1x512xf32, #tpu.memory_space<vmem>> -> memref<512xf32, #tpu.memory_space<vmem>>
      %dma_wait3A_567 = arith.constant 0 : i32
      %dma_wait3A_568 = tpu.memref_slice %arg5[%div3A_350, %rem3A_351, %dma_wait3A_567] : memref<26x1x512xi32, #tpu.memory_space<vmem>> -> memref<1x1x512xi32, #tpu.memory_space<vmem>>
      %dma_wait3A_569 = tpu.memref_squeeze %dma_wait3A_568 : memref<1x1x512xi32, #tpu.memory_space<vmem>> -> memref<512xi32, #tpu.memory_space<vmem>>
      %dma_wait3A_570 = arith.constant 0 : i32
      %dma_wait3A_571 = tpu.memref_slice %arg2[%div3A_350, %dma_wait3A_557, %dma_wait3A_570] : memref<26x16x100000xf32, #tpu.memory_space<hbm>> -> memref<1x1x100000xf32, #tpu.memory_space<hbm>>
      %dma_wait3A_572 = tpu.memref_squeeze %dma_wait3A_571 : memref<1x1x100000xf32, #tpu.memory_space<hbm>> -> memref<100000xf32, #tpu.memory_space<hbm>>
      %dma_wait3A_573 = arith.constant 0 : i32
      %dma_wait3A_574 = tpu.memref_slice %dma_wait3A_572[%dma_wait3A_573] : memref<100000xf32, #tpu.memory_space<hbm>> -> memref<100000xf32, #tpu.memory_space<hbm>>
      tpu.wait_indirect_dma semaphore(%arg7 : memref<!tpu.dma_semaphore, #tpu.memory_space<semaphore_mem>>) src(%dma_wait3A_574 : memref<100000xf32, #tpu.memory_space<hbm>>) dst(%dma_wait3A_566 : memref<512xf32, #tpu.memory_space<vmem>>)
      %dma_wait3A_575 = arith.constant 12 : i32
      %dma_wait3A_576 = arith.constant 0 : i32
      %dma_wait3A_577 = arith.constant 12 : i32
      %dma_wait3A_578 = arith.constant 0 : i32
      %dma_wait3A_579 = arith.constant 0 : i32
      %dma_wait3A_580 = tpu.memref_slice %arg6[%dma_wait3A_576, %dma_wait3A_578, %dma_wait3A_579] : memref<2x16x512xf32, #tpu.memory_space<vmem>> -> memref<1x16x512xf32, #tpu.memory_space<vmem>>
      %dma_wait3A_581 = tpu.memref_squeeze %dma_wait3A_580 : memref<1x16x512xf32, #tpu.memory_space<vmem>> -> memref<16x512xf32, #tpu.memory_space<vmem>>
      %dma_wait3A_582 = arith.constant 0 : i32
      %dma_wait3A_583 = tpu.memref_slice %dma_wait3A_581[%dma_wait3A_577, %dma_wait3A_582] : memref<16x512xf32, #tpu.memory_space<vmem>> -> memref<1x512xf32, #tpu.memory_space<vmem>>
      %dma_wait3A_584 = tpu.memref_squeeze %dma_wait3A_583 : memref<1x512xf32, #tpu.memory_space<vmem>> -> memref<512xf32, #tpu.memory_space<vmem>>
      %dma_wait3A_585 = arith.constant 0 : i32
      %dma_wait3A_586 = tpu.memref_slice %arg5[%div3A_350, %rem3A_351, %dma_wait3A_585] : memref<26x1x512xi32, #tpu.memory_space<vmem>> -> memref<1x1x512xi32, #tpu.memory_space<vmem>>
      %dma_wait3A_587 = tpu.memref_squeeze %dma_wait3A_586 : memref<1x1x512xi32, #tpu.memory_space<vmem>> -> memref<512xi32, #tpu.memory_space<vmem>>
      %dma_wait3A_588 = arith.constant 0 : i32
      %dma_wait3A_589 = tpu.memref_slice %arg2[%div3A_350, %dma_wait3A_575, %dma_wait3A_588] : memref<26x16x100000xf32, #tpu.memory_space<hbm>> -> memref<1x1x100000xf32, #tpu.memory_space<hbm>>
      %dma_wait3A_590 = tpu.memref_squeeze %dma_wait3A_589 : memref<1x1x100000xf32, #tpu.memory_space<hbm>> -> memref<100000xf32, #tpu.memory_space<hbm>>
      %dma_wait3A_591 = arith.constant 0 : i32
      %dma_wait3A_592 = tpu.memref_slice %dma_wait3A_590[%dma_wait3A_591] : memref<100000xf32, #tpu.memory_space<hbm>> -> memref<100000xf32, #tpu.memory_space<hbm>>
      tpu.wait_indirect_dma semaphore(%arg7 : memref<!tpu.dma_semaphore, #tpu.memory_space<semaphore_mem>>) src(%dma_wait3A_592 : memref<100000xf32, #tpu.memory_space<hbm>>) dst(%dma_wait3A_584 : memref<512xf32, #tpu.memory_space<vmem>>)
      %dma_wait3A_593 = arith.constant 13 : i32
      %dma_wait3A_594 = arith.constant 0 : i32
      %dma_wait3A_595 = arith.constant 13 : i32
      %dma_wait3A_596 = arith.constant 0 : i32
      %dma_wait3A_597 = arith.constant 0 : i32
      %dma_wait3A_598 = tpu.memref_slice %arg6[%dma_wait3A_594, %dma_wait3A_596, %dma_wait3A_597] : memref<2x16x512xf32, #tpu.memory_space<vmem>> -> memref<1x16x512xf32, #tpu.memory_space<vmem>>
      %dma_wait3A_599 = tpu.memref_squeeze %dma_wait3A_598 : memref<1x16x512xf32, #tpu.memory_space<vmem>> -> memref<16x512xf32, #tpu.memory_space<vmem>>
      %dma_wait3A_600 = arith.constant 0 : i32
      %dma_wait3A_601 = tpu.memref_slice %dma_wait3A_599[%dma_wait3A_595, %dma_wait3A_600] : memref<16x512xf32, #tpu.memory_space<vmem>> -> memref<1x512xf32, #tpu.memory_space<vmem>>
      %dma_wait3A_602 = tpu.memref_squeeze %dma_wait3A_601 : memref<1x512xf32, #tpu.memory_space<vmem>> -> memref<512xf32, #tpu.memory_space<vmem>>
      %dma_wait3A_603 = arith.constant 0 : i32
      %dma_wait3A_604 = tpu.memref_slice %arg5[%div3A_350, %rem3A_351, %dma_wait3A_603] : memref<26x1x512xi32, #tpu.memory_space<vmem>> -> memref<1x1x512xi32, #tpu.memory_space<vmem>>
      %dma_wait3A_605 = tpu.memref_squeeze %dma_wait3A_604 : memref<1x1x512xi32, #tpu.memory_space<vmem>> -> memref<512xi32, #tpu.memory_space<vmem>>
      %dma_wait3A_606 = arith.constant 0 : i32
      %dma_wait3A_607 = tpu.memref_slice %arg2[%div3A_350, %dma_wait3A_593, %dma_wait3A_606] : memref<26x16x100000xf32, #tpu.memory_space<hbm>> -> memref<1x1x100000xf32, #tpu.memory_space<hbm>>
      %dma_wait3A_608 = tpu.memref_squeeze %dma_wait3A_607 : memref<1x1x100000xf32, #tpu.memory_space<hbm>> -> memref<100000xf32, #tpu.memory_space<hbm>>
      %dma_wait3A_609 = arith.constant 0 : i32
      %dma_wait3A_610 = tpu.memref_slice %dma_wait3A_608[%dma_wait3A_609] : memref<100000xf32, #tpu.memory_space<hbm>> -> memref<100000xf32, #tpu.memory_space<hbm>>
      tpu.wait_indirect_dma semaphore(%arg7 : memref<!tpu.dma_semaphore, #tpu.memory_space<semaphore_mem>>) src(%dma_wait3A_610 : memref<100000xf32, #tpu.memory_space<hbm>>) dst(%dma_wait3A_602 : memref<512xf32, #tpu.memory_space<vmem>>)
      %dma_wait3A_611 = arith.constant 14 : i32
      %dma_wait3A_612 = arith.constant 0 : i32
      %dma_wait3A_613 = arith.constant 14 : i32
      %dma_wait3A_614 = arith.constant 0 : i32
      %dma_wait3A_615 = arith.constant 0 : i32
      %dma_wait3A_616 = tpu.memref_slice %arg6[%dma_wait3A_612, %dma_wait3A_614, %dma_wait3A_615] : memref<2x16x512xf32, #tpu.memory_space<vmem>> -> memref<1x16x512xf32, #tpu.memory_space<vmem>>
      %dma_wait3A_617 = tpu.memref_squeeze %dma_wait3A_616 : memref<1x16x512xf32, #tpu.memory_space<vmem>> -> memref<16x512xf32, #tpu.memory_space<vmem>>
      %dma_wait3A_618 = arith.constant 0 : i32
      %dma_wait3A_619 = tpu.memref_slice %dma_wait3A_617[%dma_wait3A_613, %dma_wait3A_618] : memref<16x512xf32, #tpu.memory_space<vmem>> -> memref<1x512xf32, #tpu.memory_space<vmem>>
      %dma_wait3A_620 = tpu.memref_squeeze %dma_wait3A_619 : memref<1x512xf32, #tpu.memory_space<vmem>> -> memref<512xf32, #tpu.memory_space<vmem>>
      %dma_wait3A_621 = arith.constant 0 : i32
      %dma_wait3A_622 = tpu.memref_slice %arg5[%div3A_350, %rem3A_351, %dma_wait3A_621] : memref<26x1x512xi32, #tpu.memory_space<vmem>> -> memref<1x1x512xi32, #tpu.memory_space<vmem>>
      %dma_wait3A_623 = tpu.memref_squeeze %dma_wait3A_622 : memref<1x1x512xi32, #tpu.memory_space<vmem>> -> memref<512xi32, #tpu.memory_space<vmem>>
      %dma_wait3A_624 = arith.constant 0 : i32
      %dma_wait3A_625 = tpu.memref_slice %arg2[%div3A_350, %dma_wait3A_611, %dma_wait3A_624] : memref<26x16x100000xf32, #tpu.memory_space<hbm>> -> memref<1x1x100000xf32, #tpu.memory_space<hbm>>
      %dma_wait3A_626 = tpu.memref_squeeze %dma_wait3A_625 : memref<1x1x100000xf32, #tpu.memory_space<hbm>> -> memref<100000xf32, #tpu.memory_space<hbm>>
      %dma_wait3A_627 = arith.constant 0 : i32
      %dma_wait3A_628 = tpu.memref_slice %dma_wait3A_626[%dma_wait3A_627] : memref<100000xf32, #tpu.memory_space<hbm>> -> memref<100000xf32, #tpu.memory_space<hbm>>
      tpu.wait_indirect_dma semaphore(%arg7 : memref<!tpu.dma_semaphore, #tpu.memory_space<semaphore_mem>>) src(%dma_wait3A_628 : memref<100000xf32, #tpu.memory_space<hbm>>) dst(%dma_wait3A_620 : memref<512xf32, #tpu.memory_space<vmem>>)
      %dma_wait3A_629 = arith.constant 15 : i32
      %dma_wait3A_630 = arith.constant 0 : i32
      %dma_wait3A_631 = arith.constant 15 : i32
      %dma_wait3A_632 = arith.constant 0 : i32
      %dma_wait3A_633 = arith.constant 0 : i32
      %dma_wait3A_634 = tpu.memref_slice %arg6[%dma_wait3A_630, %dma_wait3A_632, %dma_wait3A_633] : memref<2x16x512xf32, #tpu.memory_space<vmem>> -> memref<1x16x512xf32, #tpu.memory_space<vmem>>
      %dma_wait3A_635 = tpu.memref_squeeze %dma_wait3A_634 : memref<1x16x512xf32, #tpu.memory_space<vmem>> -> memref<16x512xf32, #tpu.memory_space<vmem>>
      %dma_wait3A_636 = arith.constant 0 : i32
      %dma_wait3A_637 = tpu.memref_slice %dma_wait3A_635[%dma_wait3A_631, %dma_wait3A_636] : memref<16x512xf32, #tpu.memory_space<vmem>> -> memref<1x512xf32, #tpu.memory_space<vmem>>
      %dma_wait3A_638 = tpu.memref_squeeze %dma_wait3A_637 : memref<1x512xf32, #tpu.memory_space<vmem>> -> memref<512xf32, #tpu.memory_space<vmem>>
      %dma_wait3A_639 = arith.constant 0 : i32
      %dma_wait3A_640 = tpu.memref_slice %arg5[%div3A_350, %rem3A_351, %dma_wait3A_639] : memref<26x1x512xi32, #tpu.memory_space<vmem>> -> memref<1x1x512xi32, #tpu.memory_space<vmem>>
      %dma_wait3A_641 = tpu.memref_squeeze %dma_wait3A_640 : memref<1x1x512xi32, #tpu.memory_space<vmem>> -> memref<512xi32, #tpu.memory_space<vmem>>
      %dma_wait3A_642 = arith.constant 0 : i32
      %dma_wait3A_643 = tpu.memref_slice %arg2[%div3A_350, %dma_wait3A_629, %dma_wait3A_642] : memref<26x16x100000xf32, #tpu.memory_space<hbm>> -> memref<1x1x100000xf32, #tpu.memory_space<hbm>>
      %dma_wait3A_644 = tpu.memref_squeeze %dma_wait3A_643 : memref<1x1x100000xf32, #tpu.memory_space<hbm>> -> memref<100000xf32, #tpu.memory_space<hbm>>
      %dma_wait3A_645 = arith.constant 0 : i32
      %dma_wait3A_646 = tpu.memref_slice %dma_wait3A_644[%dma_wait3A_645] : memref<100000xf32, #tpu.memory_space<hbm>> -> memref<100000xf32, #tpu.memory_space<hbm>>
      tpu.wait_indirect_dma semaphore(%arg7 : memref<!tpu.dma_semaphore, #tpu.memory_space<semaphore_mem>>) src(%dma_wait3A_646 : memref<100000xf32, #tpu.memory_space<hbm>>) dst(%dma_wait3A_638 : memref<512xf32, #tpu.memory_space<vmem>>)
      %dma_start3A_647 = arith.constant 0 : i32
      %dma_start3A_648 = arith.constant 1 : i32
      %dma_start3A_649 = arith.constant 0 : i32
      %dma_start3A_650 = arith.constant 0 : i32
      %dma_start3A_651 = arith.constant 0 : i32
      %dma_start3A_652 = tpu.memref_slice %arg6[%dma_start3A_648, %dma_start3A_650, %dma_start3A_651] : memref<2x16x512xf32, #tpu.memory_space<vmem>> -> memref<1x16x512xf32, #tpu.memory_space<vmem>>
      %dma_start3A_653 = tpu.memref_squeeze %dma_start3A_652 : memref<1x16x512xf32, #tpu.memory_space<vmem>> -> memref<16x512xf32, #tpu.memory_space<vmem>>
      %dma_start3A_654 = arith.constant 0 : i32
      %dma_start3A_655 = tpu.memref_slice %dma_start3A_653[%dma_start3A_649, %dma_start3A_654] : memref<16x512xf32, #tpu.memory_space<vmem>> -> memref<1x512xf32, #tpu.memory_space<vmem>>
      %dma_start3A_656 = tpu.memref_squeeze %dma_start3A_655 : memref<1x512xf32, #tpu.memory_space<vmem>> -> memref<512xf32, #tpu.memory_space<vmem>>
      %dma_start3A_657 = arith.constant 0 : i32
      %dma_start3A_658 = tpu.memref_slice %arg5[%div3A_355, %rem3A_359, %dma_start3A_657] : memref<26x1x512xi32, #tpu.memory_space<vmem>> -> memref<1x1x512xi32, #tpu.memory_space<vmem>>
      %dma_start3A_659 = tpu.memref_squeeze %dma_start3A_658 : memref<1x1x512xi32, #tpu.memory_space<vmem>> -> memref<512xi32, #tpu.memory_space<vmem>>
      %dma_start3A_660 = arith.constant 0 : i32
      %dma_start3A_661 = tpu.memref_slice %arg2[%div3A_355, %dma_start3A_647, %dma_start3A_660] : memref<26x16x100000xf32, #tpu.memory_space<hbm>> -> memref<1x1x100000xf32, #tpu.memory_space<hbm>>
      %dma_start3A_662 = tpu.memref_squeeze %dma_start3A_661 : memref<1x1x100000xf32, #tpu.memory_space<hbm>> -> memref<100000xf32, #tpu.memory_space<hbm>>
      %dma_start3A_663 = arith.constant 0 : i32
      %dma_start3A_664 = tpu.memref_slice %dma_start3A_662[%dma_start3A_663] : memref<100000xf32, #tpu.memory_space<hbm>> -> memref<100000xf32, #tpu.memory_space<hbm>>
      tpu.enqueue_indirect_dma source(%dma_start3A_664 : memref<100000xf32, #tpu.memory_space<hbm>>) target(%dma_start3A_656 : memref<512xf32, #tpu.memory_space<vmem>>) offsets(%dma_start3A_659 : memref<512xi32, #tpu.memory_space<vmem>>) semaphore(%arg8 : memref<!tpu.dma_semaphore, #tpu.memory_space<semaphore_mem>>)
      %dma_start3A_665 = arith.constant 1 : i32
      %dma_start3A_666 = arith.constant 1 : i32
      %dma_start3A_667 = arith.constant 1 : i32
      %dma_start3A_668 = arith.constant 0 : i32
      %dma_start3A_669 = arith.constant 0 : i32
      %dma_start3A_670 = tpu.memref_slice %arg6[%dma_start3A_666, %dma_start3A_668, %dma_start3A_669] : memref<2x16x512xf32, #tpu.memory_space<vmem>> -> memref<1x16x512xf32, #tpu.memory_space<vmem>>
      %dma_start3A_671 = tpu.memref_squeeze %dma_start3A_670 : memref<1x16x512xf32, #tpu.memory_space<vmem>> -> memref<16x512xf32, #tpu.memory_space<vmem>>
      %dma_start3A_672 = arith.constant 0 : i32
      %dma_start3A_673 = tpu.memref_slice %dma_start3A_671[%dma_start3A_667, %dma_start3A_672] : memref<16x512xf32, #tpu.memory_space<vmem>> -> memref<1x512xf32, #tpu.memory_space<vmem>>
      %dma_start3A_674 = tpu.memref_squeeze %dma_start3A_673 : memref<1x512xf32, #tpu.memory_space<vmem>> -> memref<512xf32, #tpu.memory_space<vmem>>
      %dma_start3A_675 = arith.constant 0 : i32
      %dma_start3A_676 = tpu.memref_slice %arg5[%div3A_355, %rem3A_359, %dma_start3A_675] : memref<26x1x512xi32, #tpu.memory_space<vmem>> -> memref<1x1x512xi32, #tpu.memory_space<vmem>>
      %dma_start3A_677 = tpu.memref_squeeze %dma_start3A_676 : memref<1x1x512xi32, #tpu.memory_space<vmem>> -> memref<512xi32, #tpu.memory_space<vmem>>
      %dma_start3A_678 = arith.constant 0 : i32
      %dma_start3A_679 = tpu.memref_slice %arg2[%div3A_355, %dma_start3A_665, %dma_start3A_678] : memref<26x16x100000xf32, #tpu.memory_space<hbm>> -> memref<1x1x100000xf32, #tpu.memory_space<hbm>>
      %dma_start3A_680 = tpu.memref_squeeze %dma_start3A_679 : memref<1x1x100000xf32, #tpu.memory_space<hbm>> -> memref<100000xf32, #tpu.memory_space<hbm>>
      %dma_start3A_681 = arith.constant 0 : i32
      %dma_start3A_682 = tpu.memref_slice %dma_start3A_680[%dma_start3A_681] : memref<100000xf32, #tpu.memory_space<hbm>> -> memref<100000xf32, #tpu.memory_space<hbm>>
      tpu.enqueue_indirect_dma source(%dma_start3A_682 : memref<100000xf32, #tpu.memory_space<hbm>>) target(%dma_start3A_674 : memref<512xf32, #tpu.memory_space<vmem>>) offsets(%dma_start3A_677 : memref<512xi32, #tpu.memory_space<vmem>>) semaphore(%arg8 : memref<!tpu.dma_semaphore, #tpu.memory_space<semaphore_mem>>)
      %dma_start3A_683 = arith.constant 2 : i32
      %dma_start3A_684 = arith.constant 1 : i32
      %dma_start3A_685 = arith.constant 2 : i32
      %dma_start3A_686 = arith.constant 0 : i32
      %dma_start3A_687 = arith.constant 0 : i32
      %dma_start3A_688 = tpu.memref_slice %arg6[%dma_start3A_684, %dma_start3A_686, %dma_start3A_687] : memref<2x16x512xf32, #tpu.memory_space<vmem>> -> memref<1x16x512xf32, #tpu.memory_space<vmem>>
      %dma_start3A_689 = tpu.memref_squeeze %dma_start3A_688 : memref<1x16x512xf32, #tpu.memory_space<vmem>> -> memref<16x512xf32, #tpu.memory_space<vmem>>
      %dma_start3A_690 = arith.constant 0 : i32
      %dma_start3A_691 = tpu.memref_slice %dma_start3A_689[%dma_start3A_685, %dma_start3A_690] : memref<16x512xf32, #tpu.memory_space<vmem>> -> memref<1x512xf32, #tpu.memory_space<vmem>>
      %dma_start3A_692 = tpu.memref_squeeze %dma_start3A_691 : memref<1x512xf32, #tpu.memory_space<vmem>> -> memref<512xf32, #tpu.memory_space<vmem>>
      %dma_start3A_693 = arith.constant 0 : i32
      %dma_start3A_694 = tpu.memref_slice %arg5[%div3A_355, %rem3A_359, %dma_start3A_693] : memref<26x1x512xi32, #tpu.memory_space<vmem>> -> memref<1x1x512xi32, #tpu.memory_space<vmem>>
      %dma_start3A_695 = tpu.memref_squeeze %dma_start3A_694 : memref<1x1x512xi32, #tpu.memory_space<vmem>> -> memref<512xi32, #tpu.memory_space<vmem>>
      %dma_start3A_696 = arith.constant 0 : i32
      %dma_start3A_697 = tpu.memref_slice %arg2[%div3A_355, %dma_start3A_683, %dma_start3A_696] : memref<26x16x100000xf32, #tpu.memory_space<hbm>> -> memref<1x1x100000xf32, #tpu.memory_space<hbm>>
      %dma_start3A_698 = tpu.memref_squeeze %dma_start3A_697 : memref<1x1x100000xf32, #tpu.memory_space<hbm>> -> memref<100000xf32, #tpu.memory_space<hbm>>
      %dma_start3A_699 = arith.constant 0 : i32
      %dma_start3A_700 = tpu.memref_slice %dma_start3A_698[%dma_start3A_699] : memref<100000xf32, #tpu.memory_space<hbm>> -> memref<100000xf32, #tpu.memory_space<hbm>>
      tpu.enqueue_indirect_dma source(%dma_start3A_700 : memref<100000xf32, #tpu.memory_space<hbm>>) target(%dma_start3A_692 : memref<512xf32, #tpu.memory_space<vmem>>) offsets(%dma_start3A_695 : memref<512xi32, #tpu.memory_space<vmem>>) semaphore(%arg8 : memref<!tpu.dma_semaphore, #tpu.memory_space<semaphore_mem>>)
      %dma_start3A_701 = arith.constant 3 : i32
      %dma_start3A_702 = arith.constant 1 : i32
      %dma_start3A_703 = arith.constant 3 : i32
      %dma_start3A_704 = arith.constant 0 : i32
      %dma_start3A_705 = arith.constant 0 : i32
      %dma_start3A_706 = tpu.memref_slice %arg6[%dma_start3A_702, %dma_start3A_704, %dma_start3A_705] : memref<2x16x512xf32, #tpu.memory_space<vmem>> -> memref<1x16x512xf32, #tpu.memory_space<vmem>>
      %dma_start3A_707 = tpu.memref_squeeze %dma_start3A_706 : memref<1x16x512xf32, #tpu.memory_space<vmem>> -> memref<16x512xf32, #tpu.memory_space<vmem>>
      %dma_start3A_708 = arith.constant 0 : i32
      %dma_start3A_709 = tpu.memref_slice %dma_start3A_707[%dma_start3A_703, %dma_start3A_708] : memref<16x512xf32, #tpu.memory_space<vmem>> -> memref<1x512xf32, #tpu.memory_space<vmem>>
      %dma_start3A_710 = tpu.memref_squeeze %dma_start3A_709 : memref<1x512xf32, #tpu.memory_space<vmem>> -> memref<512xf32, #tpu.memory_space<vmem>>
      %dma_start3A_711 = arith.constant 0 : i32
      %dma_start3A_712 = tpu.memref_slice %arg5[%div3A_355, %rem3A_359, %dma_start3A_711] : memref<26x1x512xi32, #tpu.memory_space<vmem>> -> memref<1x1x512xi32, #tpu.memory_space<vmem>>
      %dma_start3A_713 = tpu.memref_squeeze %dma_start3A_712 : memref<1x1x512xi32, #tpu.memory_space<vmem>> -> memref<512xi32, #tpu.memory_space<vmem>>
      %dma_start3A_714 = arith.constant 0 : i32
      %dma_start3A_715 = tpu.memref_slice %arg2[%div3A_355, %dma_start3A_701, %dma_start3A_714] : memref<26x16x100000xf32, #tpu.memory_space<hbm>> -> memref<1x1x100000xf32, #tpu.memory_space<hbm>>
      %dma_start3A_716 = tpu.memref_squeeze %dma_start3A_715 : memref<1x1x100000xf32, #tpu.memory_space<hbm>> -> memref<100000xf32, #tpu.memory_space<hbm>>
      %dma_start3A_717 = arith.constant 0 : i32
      %dma_start3A_718 = tpu.memref_slice %dma_start3A_716[%dma_start3A_717] : memref<100000xf32, #tpu.memory_space<hbm>> -> memref<100000xf32, #tpu.memory_space<hbm>>
      tpu.enqueue_indirect_dma source(%dma_start3A_718 : memref<100000xf32, #tpu.memory_space<hbm>>) target(%dma_start3A_710 : memref<512xf32, #tpu.memory_space<vmem>>) offsets(%dma_start3A_713 : memref<512xi32, #tpu.memory_space<vmem>>) semaphore(%arg8 : memref<!tpu.dma_semaphore, #tpu.memory_space<semaphore_mem>>)
      %dma_start3A_719 = arith.constant 4 : i32
      %dma_start3A_720 = arith.constant 1 : i32
      %dma_start3A_721 = arith.constant 4 : i32
      %dma_start3A_722 = arith.constant 0 : i32
      %dma_start3A_723 = arith.constant 0 : i32
      %dma_start3A_724 = tpu.memref_slice %arg6[%dma_start3A_720, %dma_start3A_722, %dma_start3A_723] : memref<2x16x512xf32, #tpu.memory_space<vmem>> -> memref<1x16x512xf32, #tpu.memory_space<vmem>>
      %dma_start3A_725 = tpu.memref_squeeze %dma_start3A_724 : memref<1x16x512xf32, #tpu.memory_space<vmem>> -> memref<16x512xf32, #tpu.memory_space<vmem>>
      %dma_start3A_726 = arith.constant 0 : i32
      %dma_start3A_727 = tpu.memref_slice %dma_start3A_725[%dma_start3A_721, %dma_start3A_726] : memref<16x512xf32, #tpu.memory_space<vmem>> -> memref<1x512xf32, #tpu.memory_space<vmem>>
      %dma_start3A_728 = tpu.memref_squeeze %dma_start3A_727 : memref<1x512xf32, #tpu.memory_space<vmem>> -> memref<512xf32, #tpu.memory_space<vmem>>
      %dma_start3A_729 = arith.constant 0 : i32
      %dma_start3A_730 = tpu.memref_slice %arg5[%div3A_355, %rem3A_359, %dma_start3A_729] : memref<26x1x512xi32, #tpu.memory_space<vmem>> -> memref<1x1x512xi32, #tpu.memory_space<vmem>>
      %dma_start3A_731 = tpu.memref_squeeze %dma_start3A_730 : memref<1x1x512xi32, #tpu.memory_space<vmem>> -> memref<512xi32, #tpu.memory_space<vmem>>
      %dma_start3A_732 = arith.constant 0 : i32
      %dma_start3A_733 = tpu.memref_slice %arg2[%div3A_355, %dma_start3A_719, %dma_start3A_732] : memref<26x16x100000xf32, #tpu.memory_space<hbm>> -> memref<1x1x100000xf32, #tpu.memory_space<hbm>>
      %dma_start3A_734 = tpu.memref_squeeze %dma_start3A_733 : memref<1x1x100000xf32, #tpu.memory_space<hbm>> -> memref<100000xf32, #tpu.memory_space<hbm>>
      %dma_start3A_735 = arith.constant 0 : i32
      %dma_start3A_736 = tpu.memref_slice %dma_start3A_734[%dma_start3A_735] : memref<100000xf32, #tpu.memory_space<hbm>> -> memref<100000xf32, #tpu.memory_space<hbm>>
      tpu.enqueue_indirect_dma source(%dma_start3A_736 : memref<100000xf32, #tpu.memory_space<hbm>>) target(%dma_start3A_728 : memref<512xf32, #tpu.memory_space<vmem>>) offsets(%dma_start3A_731 : memref<512xi32, #tpu.memory_space<vmem>>) semaphore(%arg8 : memref<!tpu.dma_semaphore, #tpu.memory_space<semaphore_mem>>)
      %dma_start3A_737 = arith.constant 5 : i32
      %dma_start3A_738 = arith.constant 1 : i32
      %dma_start3A_739 = arith.constant 5 : i32
      %dma_start3A_740 = arith.constant 0 : i32
      %dma_start3A_741 = arith.constant 0 : i32
      %dma_start3A_742 = tpu.memref_slice %arg6[%dma_start3A_738, %dma_start3A_740, %dma_start3A_741] : memref<2x16x512xf32, #tpu.memory_space<vmem>> -> memref<1x16x512xf32, #tpu.memory_space<vmem>>
      %dma_start3A_743 = tpu.memref_squeeze %dma_start3A_742 : memref<1x16x512xf32, #tpu.memory_space<vmem>> -> memref<16x512xf32, #tpu.memory_space<vmem>>
      %dma_start3A_744 = arith.constant 0 : i32
      %dma_start3A_745 = tpu.memref_slice %dma_start3A_743[%dma_start3A_739, %dma_start3A_744] : memref<16x512xf32, #tpu.memory_space<vmem>> -> memref<1x512xf32, #tpu.memory_space<vmem>>
      %dma_start3A_746 = tpu.memref_squeeze %dma_start3A_745 : memref<1x512xf32, #tpu.memory_space<vmem>> -> memref<512xf32, #tpu.memory_space<vmem>>
      %dma_start3A_747 = arith.constant 0 : i32
      %dma_start3A_748 = tpu.memref_slice %arg5[%div3A_355, %rem3A_359, %dma_start3A_747] : memref<26x1x512xi32, #tpu.memory_space<vmem>> -> memref<1x1x512xi32, #tpu.memory_space<vmem>>
      %dma_start3A_749 = tpu.memref_squeeze %dma_start3A_748 : memref<1x1x512xi32, #tpu.memory_space<vmem>> -> memref<512xi32, #tpu.memory_space<vmem>>
      %dma_start3A_750 = arith.constant 0 : i32
      %dma_start3A_751 = tpu.memref_slice %arg2[%div3A_355, %dma_start3A_737, %dma_start3A_750] : memref<26x16x100000xf32, #tpu.memory_space<hbm>> -> memref<1x1x100000xf32, #tpu.memory_space<hbm>>
      %dma_start3A_752 = tpu.memref_squeeze %dma_start3A_751 : memref<1x1x100000xf32, #tpu.memory_space<hbm>> -> memref<100000xf32, #tpu.memory_space<hbm>>
      %dma_start3A_753 = arith.constant 0 : i32
      %dma_start3A_754 = tpu.memref_slice %dma_start3A_752[%dma_start3A_753] : memref<100000xf32, #tpu.memory_space<hbm>> -> memref<100000xf32, #tpu.memory_space<hbm>>
      tpu.enqueue_indirect_dma source(%dma_start3A_754 : memref<100000xf32, #tpu.memory_space<hbm>>) target(%dma_start3A_746 : memref<512xf32, #tpu.memory_space<vmem>>) offsets(%dma_start3A_749 : memref<512xi32, #tpu.memory_space<vmem>>) semaphore(%arg8 : memref<!tpu.dma_semaphore, #tpu.memory_space<semaphore_mem>>)
      %dma_start3A_755 = arith.constant 6 : i32
      %dma_start3A_756 = arith.constant 1 : i32
      %dma_start3A_757 = arith.constant 6 : i32
      %dma_start3A_758 = arith.constant 0 : i32
      %dma_start3A_759 = arith.constant 0 : i32
      %dma_start3A_760 = tpu.memref_slice %arg6[%dma_start3A_756, %dma_start3A_758, %dma_start3A_759] : memref<2x16x512xf32, #tpu.memory_space<vmem>> -> memref<1x16x512xf32, #tpu.memory_space<vmem>>
      %dma_start3A_761 = tpu.memref_squeeze %dma_start3A_760 : memref<1x16x512xf32, #tpu.memory_space<vmem>> -> memref<16x512xf32, #tpu.memory_space<vmem>>
      %dma_start3A_762 = arith.constant 0 : i32
      %dma_start3A_763 = tpu.memref_slice %dma_start3A_761[%dma_start3A_757, %dma_start3A_762] : memref<16x512xf32, #tpu.memory_space<vmem>> -> memref<1x512xf32, #tpu.memory_space<vmem>>
      %dma_start3A_764 = tpu.memref_squeeze %dma_start3A_763 : memref<1x512xf32, #tpu.memory_space<vmem>> -> memref<512xf32, #tpu.memory_space<vmem>>
      %dma_start3A_765 = arith.constant 0 : i32
      %dma_start3A_766 = tpu.memref_slice %arg5[%div3A_355, %rem3A_359, %dma_start3A_765] : memref<26x1x512xi32, #tpu.memory_space<vmem>> -> memref<1x1x512xi32, #tpu.memory_space<vmem>>
      %dma_start3A_767 = tpu.memref_squeeze %dma_start3A_766 : memref<1x1x512xi32, #tpu.memory_space<vmem>> -> memref<512xi32, #tpu.memory_space<vmem>>
      %dma_start3A_768 = arith.constant 0 : i32
      %dma_start3A_769 = tpu.memref_slice %arg2[%div3A_355, %dma_start3A_755, %dma_start3A_768] : memref<26x16x100000xf32, #tpu.memory_space<hbm>> -> memref<1x1x100000xf32, #tpu.memory_space<hbm>>
      %dma_start3A_770 = tpu.memref_squeeze %dma_start3A_769 : memref<1x1x100000xf32, #tpu.memory_space<hbm>> -> memref<100000xf32, #tpu.memory_space<hbm>>
      %dma_start3A_771 = arith.constant 0 : i32
      %dma_start3A_772 = tpu.memref_slice %dma_start3A_770[%dma_start3A_771] : memref<100000xf32, #tpu.memory_space<hbm>> -> memref<100000xf32, #tpu.memory_space<hbm>>
      tpu.enqueue_indirect_dma source(%dma_start3A_772 : memref<100000xf32, #tpu.memory_space<hbm>>) target(%dma_start3A_764 : memref<512xf32, #tpu.memory_space<vmem>>) offsets(%dma_start3A_767 : memref<512xi32, #tpu.memory_space<vmem>>) semaphore(%arg8 : memref<!tpu.dma_semaphore, #tpu.memory_space<semaphore_mem>>)
      %dma_start3A_773 = arith.constant 7 : i32
      %dma_start3A_774 = arith.constant 1 : i32
      %dma_start3A_775 = arith.constant 7 : i32
      %dma_start3A_776 = arith.constant 0 : i32
      %dma_start3A_777 = arith.constant 0 : i32
      %dma_start3A_778 = tpu.memref_slice %arg6[%dma_start3A_774, %dma_start3A_776, %dma_start3A_777] : memref<2x16x512xf32, #tpu.memory_space<vmem>> -> memref<1x16x512xf32, #tpu.memory_space<vmem>>
      %dma_start3A_779 = tpu.memref_squeeze %dma_start3A_778 : memref<1x16x512xf32, #tpu.memory_space<vmem>> -> memref<16x512xf32, #tpu.memory_space<vmem>>
      %dma_start3A_780 = arith.constant 0 : i32
      %dma_start3A_781 = tpu.memref_slice %dma_start3A_779[%dma_start3A_775, %dma_start3A_780] : memref<16x512xf32, #tpu.memory_space<vmem>> -> memref<1x512xf32, #tpu.memory_space<vmem>>
      %dma_start3A_782 = tpu.memref_squeeze %dma_start3A_781 : memref<1x512xf32, #tpu.memory_space<vmem>> -> memref<512xf32, #tpu.memory_space<vmem>>
      %dma_start3A_783 = arith.constant 0 : i32
      %dma_start3A_784 = tpu.memref_slice %arg5[%div3A_355, %rem3A_359, %dma_start3A_783] : memref<26x1x512xi32, #tpu.memory_space<vmem>> -> memref<1x1x512xi32, #tpu.memory_space<vmem>>
      %dma_start3A_785 = tpu.memref_squeeze %dma_start3A_784 : memref<1x1x512xi32, #tpu.memory_space<vmem>> -> memref<512xi32, #tpu.memory_space<vmem>>
      %dma_start3A_786 = arith.constant 0 : i32
      %dma_start3A_787 = tpu.memref_slice %arg2[%div3A_355, %dma_start3A_773, %dma_start3A_786] : memref<26x16x100000xf32, #tpu.memory_space<hbm>> -> memref<1x1x100000xf32, #tpu.memory_space<hbm>>
      %dma_start3A_788 = tpu.memref_squeeze %dma_start3A_787 : memref<1x1x100000xf32, #tpu.memory_space<hbm>> -> memref<100000xf32, #tpu.memory_space<hbm>>
      %dma_start3A_789 = arith.constant 0 : i32
      %dma_start3A_790 = tpu.memref_slice %dma_start3A_788[%dma_start3A_789] : memref<100000xf32, #tpu.memory_space<hbm>> -> memref<100000xf32, #tpu.memory_space<hbm>>
      tpu.enqueue_indirect_dma source(%dma_start3A_790 : memref<100000xf32, #tpu.memory_space<hbm>>) target(%dma_start3A_782 : memref<512xf32, #tpu.memory_space<vmem>>) offsets(%dma_start3A_785 : memref<512xi32, #tpu.memory_space<vmem>>) semaphore(%arg8 : memref<!tpu.dma_semaphore, #tpu.memory_space<semaphore_mem>>)
      %dma_start3A_791 = arith.constant 8 : i32
      %dma_start3A_792 = arith.constant 1 : i32
      %dma_start3A_793 = arith.constant 8 : i32
      %dma_start3A_794 = arith.constant 0 : i32
      %dma_start3A_795 = arith.constant 0 : i32
      %dma_start3A_796 = tpu.memref_slice %arg6[%dma_start3A_792, %dma_start3A_794, %dma_start3A_795] : memref<2x16x512xf32, #tpu.memory_space<vmem>> -> memref<1x16x512xf32, #tpu.memory_space<vmem>>
      %dma_start3A_797 = tpu.memref_squeeze %dma_start3A_796 : memref<1x16x512xf32, #tpu.memory_space<vmem>> -> memref<16x512xf32, #tpu.memory_space<vmem>>
      %dma_start3A_798 = arith.constant 0 : i32
      %dma_start3A_799 = tpu.memref_slice %dma_start3A_797[%dma_start3A_793, %dma_start3A_798] : memref<16x512xf32, #tpu.memory_space<vmem>> -> memref<1x512xf32, #tpu.memory_space<vmem>>
      %dma_start3A_800 = tpu.memref_squeeze %dma_start3A_799 : memref<1x512xf32, #tpu.memory_space<vmem>> -> memref<512xf32, #tpu.memory_space<vmem>>
      %dma_start3A_801 = arith.constant 0 : i32
      %dma_start3A_802 = tpu.memref_slice %arg5[%div3A_355, %rem3A_359, %dma_start3A_801] : memref<26x1x512xi32, #tpu.memory_space<vmem>> -> memref<1x1x512xi32, #tpu.memory_space<vmem>>
      %dma_start3A_803 = tpu.memref_squeeze %dma_start3A_802 : memref<1x1x512xi32, #tpu.memory_space<vmem>> -> memref<512xi32, #tpu.memory_space<vmem>>
      %dma_start3A_804 = arith.constant 0 : i32
      %dma_start3A_805 = tpu.memref_slice %arg2[%div3A_355, %dma_start3A_791, %dma_start3A_804] : memref<26x16x100000xf32, #tpu.memory_space<hbm>> -> memref<1x1x100000xf32, #tpu.memory_space<hbm>>
      %dma_start3A_806 = tpu.memref_squeeze %dma_start3A_805 : memref<1x1x100000xf32, #tpu.memory_space<hbm>> -> memref<100000xf32, #tpu.memory_space<hbm>>
      %dma_start3A_807 = arith.constant 0 : i32
      %dma_start3A_808 = tpu.memref_slice %dma_start3A_806[%dma_start3A_807] : memref<100000xf32, #tpu.memory_space<hbm>> -> memref<100000xf32, #tpu.memory_space<hbm>>
      tpu.enqueue_indirect_dma source(%dma_start3A_808 : memref<100000xf32, #tpu.memory_space<hbm>>) target(%dma_start3A_800 : memref<512xf32, #tpu.memory_space<vmem>>) offsets(%dma_start3A_803 : memref<512xi32, #tpu.memory_space<vmem>>) semaphore(%arg8 : memref<!tpu.dma_semaphore, #tpu.memory_space<semaphore_mem>>)
      %dma_start3A_809 = arith.constant 9 : i32
      %dma_start3A_810 = arith.constant 1 : i32
      %dma_start3A_811 = arith.constant 9 : i32
      %dma_start3A_812 = arith.constant 0 : i32
      %dma_start3A_813 = arith.constant 0 : i32
      %dma_start3A_814 = tpu.memref_slice %arg6[%dma_start3A_810, %dma_start3A_812, %dma_start3A_813] : memref<2x16x512xf32, #tpu.memory_space<vmem>> -> memref<1x16x512xf32, #tpu.memory_space<vmem>>
      %dma_start3A_815 = tpu.memref_squeeze %dma_start3A_814 : memref<1x16x512xf32, #tpu.memory_space<vmem>> -> memref<16x512xf32, #tpu.memory_space<vmem>>
      %dma_start3A_816 = arith.constant 0 : i32
      %dma_start3A_817 = tpu.memref_slice %dma_start3A_815[%dma_start3A_811, %dma_start3A_816] : memref<16x512xf32, #tpu.memory_space<vmem>> -> memref<1x512xf32, #tpu.memory_space<vmem>>
      %dma_start3A_818 = tpu.memref_squeeze %dma_start3A_817 : memref<1x512xf32, #tpu.memory_space<vmem>> -> memref<512xf32, #tpu.memory_space<vmem>>
      %dma_start3A_819 = arith.constant 0 : i32
      %dma_start3A_820 = tpu.memref_slice %arg5[%div3A_355, %rem3A_359, %dma_start3A_819] : memref<26x1x512xi32, #tpu.memory_space<vmem>> -> memref<1x1x512xi32, #tpu.memory_space<vmem>>
      %dma_start3A_821 = tpu.memref_squeeze %dma_start3A_820 : memref<1x1x512xi32, #tpu.memory_space<vmem>> -> memref<512xi32, #tpu.memory_space<vmem>>
      %dma_start3A_822 = arith.constant 0 : i32
      %dma_start3A_823 = tpu.memref_slice %arg2[%div3A_355, %dma_start3A_809, %dma_start3A_822] : memref<26x16x100000xf32, #tpu.memory_space<hbm>> -> memref<1x1x100000xf32, #tpu.memory_space<hbm>>
      %dma_start3A_824 = tpu.memref_squeeze %dma_start3A_823 : memref<1x1x100000xf32, #tpu.memory_space<hbm>> -> memref<100000xf32, #tpu.memory_space<hbm>>
      %dma_start3A_825 = arith.constant 0 : i32
      %dma_start3A_826 = tpu.memref_slice %dma_start3A_824[%dma_start3A_825] : memref<100000xf32, #tpu.memory_space<hbm>> -> memref<100000xf32, #tpu.memory_space<hbm>>
      tpu.enqueue_indirect_dma source(%dma_start3A_826 : memref<100000xf32, #tpu.memory_space<hbm>>) target(%dma_start3A_818 : memref<512xf32, #tpu.memory_space<vmem>>) offsets(%dma_start3A_821 : memref<512xi32, #tpu.memory_space<vmem>>) semaphore(%arg8 : memref<!tpu.dma_semaphore, #tpu.memory_space<semaphore_mem>>)
      %dma_start3A_827 = arith.constant 10 : i32
      %dma_start3A_828 = arith.constant 1 : i32
      %dma_start3A_829 = arith.constant 10 : i32
      %dma_start3A_830 = arith.constant 0 : i32
      %dma_start3A_831 = arith.constant 0 : i32
      %dma_start3A_832 = tpu.memref_slice %arg6[%dma_start3A_828, %dma_start3A_830, %dma_start3A_831] : memref<2x16x512xf32, #tpu.memory_space<vmem>> -> memref<1x16x512xf32, #tpu.memory_space<vmem>>
      %dma_start3A_833 = tpu.memref_squeeze %dma_start3A_832 : memref<1x16x512xf32, #tpu.memory_space<vmem>> -> memref<16x512xf32, #tpu.memory_space<vmem>>
      %dma_start3A_834 = arith.constant 0 : i32
      %dma_start3A_835 = tpu.memref_slice %dma_start3A_833[%dma_start3A_829, %dma_start3A_834] : memref<16x512xf32, #tpu.memory_space<vmem>> -> memref<1x512xf32, #tpu.memory_space<vmem>>
      %dma_start3A_836 = tpu.memref_squeeze %dma_start3A_835 : memref<1x512xf32, #tpu.memory_space<vmem>> -> memref<512xf32, #tpu.memory_space<vmem>>
      %dma_start3A_837 = arith.constant 0 : i32
      %dma_start3A_838 = tpu.memref_slice %arg5[%div3A_355, %rem3A_359, %dma_start3A_837] : memref<26x1x512xi32, #tpu.memory_space<vmem>> -> memref<1x1x512xi32, #tpu.memory_space<vmem>>
      %dma_start3A_839 = tpu.memref_squeeze %dma_start3A_838 : memref<1x1x512xi32, #tpu.memory_space<vmem>> -> memref<512xi32, #tpu.memory_space<vmem>>
      %dma_start3A_840 = arith.constant 0 : i32
      %dma_start3A_841 = tpu.memref_slice %arg2[%div3A_355, %dma_start3A_827, %dma_start3A_840] : memref<26x16x100000xf32, #tpu.memory_space<hbm>> -> memref<1x1x100000xf32, #tpu.memory_space<hbm>>
      %dma_start3A_842 = tpu.memref_squeeze %dma_start3A_841 : memref<1x1x100000xf32, #tpu.memory_space<hbm>> -> memref<100000xf32, #tpu.memory_space<hbm>>
      %dma_start3A_843 = arith.constant 0 : i32
      %dma_start3A_844 = tpu.memref_slice %dma_start3A_842[%dma_start3A_843] : memref<100000xf32, #tpu.memory_space<hbm>> -> memref<100000xf32, #tpu.memory_space<hbm>>
      tpu.enqueue_indirect_dma source(%dma_start3A_844 : memref<100000xf32, #tpu.memory_space<hbm>>) target(%dma_start3A_836 : memref<512xf32, #tpu.memory_space<vmem>>) offsets(%dma_start3A_839 : memref<512xi32, #tpu.memory_space<vmem>>) semaphore(%arg8 : memref<!tpu.dma_semaphore, #tpu.memory_space<semaphore_mem>>)
      %dma_start3A_845 = arith.constant 11 : i32
      %dma_start3A_846 = arith.constant 1 : i32
      %dma_start3A_847 = arith.constant 11 : i32
      %dma_start3A_848 = arith.constant 0 : i32
      %dma_start3A_849 = arith.constant 0 : i32
      %dma_start3A_850 = tpu.memref_slice %arg6[%dma_start3A_846, %dma_start3A_848, %dma_start3A_849] : memref<2x16x512xf32, #tpu.memory_space<vmem>> -> memref<1x16x512xf32, #tpu.memory_space<vmem>>
      %dma_start3A_851 = tpu.memref_squeeze %dma_start3A_850 : memref<1x16x512xf32, #tpu.memory_space<vmem>> -> memref<16x512xf32, #tpu.memory_space<vmem>>
      %dma_start3A_852 = arith.constant 0 : i32
      %dma_start3A_853 = tpu.memref_slice %dma_start3A_851[%dma_start3A_847, %dma_start3A_852] : memref<16x512xf32, #tpu.memory_space<vmem>> -> memref<1x512xf32, #tpu.memory_space<vmem>>
      %dma_start3A_854 = tpu.memref_squeeze %dma_start3A_853 : memref<1x512xf32, #tpu.memory_space<vmem>> -> memref<512xf32, #tpu.memory_space<vmem>>
      %dma_start3A_855 = arith.constant 0 : i32
      %dma_start3A_856 = tpu.memref_slice %arg5[%div3A_355, %rem3A_359, %dma_start3A_855] : memref<26x1x512xi32, #tpu.memory_space<vmem>> -> memref<1x1x512xi32, #tpu.memory_space<vmem>>
      %dma_start3A_857 = tpu.memref_squeeze %dma_start3A_856 : memref<1x1x512xi32, #tpu.memory_space<vmem>> -> memref<512xi32, #tpu.memory_space<vmem>>
      %dma_start3A_858 = arith.constant 0 : i32
      %dma_start3A_859 = tpu.memref_slice %arg2[%div3A_355, %dma_start3A_845, %dma_start3A_858] : memref<26x16x100000xf32, #tpu.memory_space<hbm>> -> memref<1x1x100000xf32, #tpu.memory_space<hbm>>
      %dma_start3A_860 = tpu.memref_squeeze %dma_start3A_859 : memref<1x1x100000xf32, #tpu.memory_space<hbm>> -> memref<100000xf32, #tpu.memory_space<hbm>>
      %dma_start3A_861 = arith.constant 0 : i32
      %dma_start3A_862 = tpu.memref_slice %dma_start3A_860[%dma_start3A_861] : memref<100000xf32, #tpu.memory_space<hbm>> -> memref<100000xf32, #tpu.memory_space<hbm>>
      tpu.enqueue_indirect_dma source(%dma_start3A_862 : memref<100000xf32, #tpu.memory_space<hbm>>) target(%dma_start3A_854 : memref<512xf32, #tpu.memory_space<vmem>>) offsets(%dma_start3A_857 : memref<512xi32, #tpu.memory_space<vmem>>) semaphore(%arg8 : memref<!tpu.dma_semaphore, #tpu.memory_space<semaphore_mem>>)
      %dma_start3A_863 = arith.constant 12 : i32
      %dma_start3A_864 = arith.constant 1 : i32
      %dma_start3A_865 = arith.constant 12 : i32
      %dma_start3A_866 = arith.constant 0 : i32
      %dma_start3A_867 = arith.constant 0 : i32
      %dma_start3A_868 = tpu.memref_slice %arg6[%dma_start3A_864, %dma_start3A_866, %dma_start3A_867] : memref<2x16x512xf32, #tpu.memory_space<vmem>> -> memref<1x16x512xf32, #tpu.memory_space<vmem>>
      %dma_start3A_869 = tpu.memref_squeeze %dma_start3A_868 : memref<1x16x512xf32, #tpu.memory_space<vmem>> -> memref<16x512xf32, #tpu.memory_space<vmem>>
      %dma_start3A_870 = arith.constant 0 : i32
      %dma_start3A_871 = tpu.memref_slice %dma_start3A_869[%dma_start3A_865, %dma_start3A_870] : memref<16x512xf32, #tpu.memory_space<vmem>> -> memref<1x512xf32, #tpu.memory_space<vmem>>
      %dma_start3A_872 = tpu.memref_squeeze %dma_start3A_871 : memref<1x512xf32, #tpu.memory_space<vmem>> -> memref<512xf32, #tpu.memory_space<vmem>>
      %dma_start3A_873 = arith.constant 0 : i32
      %dma_start3A_874 = tpu.memref_slice %arg5[%div3A_355, %rem3A_359, %dma_start3A_873] : memref<26x1x512xi32, #tpu.memory_space<vmem>> -> memref<1x1x512xi32, #tpu.memory_space<vmem>>
      %dma_start3A_875 = tpu.memref_squeeze %dma_start3A_874 : memref<1x1x512xi32, #tpu.memory_space<vmem>> -> memref<512xi32, #tpu.memory_space<vmem>>
      %dma_start3A_876 = arith.constant 0 : i32
      %dma_start3A_877 = tpu.memref_slice %arg2[%div3A_355, %dma_start3A_863, %dma_start3A_876] : memref<26x16x100000xf32, #tpu.memory_space<hbm>> -> memref<1x1x100000xf32, #tpu.memory_space<hbm>>
      %dma_start3A_878 = tpu.memref_squeeze %dma_start3A_877 : memref<1x1x100000xf32, #tpu.memory_space<hbm>> -> memref<100000xf32, #tpu.memory_space<hbm>>
      %dma_start3A_879 = arith.constant 0 : i32
      %dma_start3A_880 = tpu.memref_slice %dma_start3A_878[%dma_start3A_879] : memref<100000xf32, #tpu.memory_space<hbm>> -> memref<100000xf32, #tpu.memory_space<hbm>>
      tpu.enqueue_indirect_dma source(%dma_start3A_880 : memref<100000xf32, #tpu.memory_space<hbm>>) target(%dma_start3A_872 : memref<512xf32, #tpu.memory_space<vmem>>) offsets(%dma_start3A_875 : memref<512xi32, #tpu.memory_space<vmem>>) semaphore(%arg8 : memref<!tpu.dma_semaphore, #tpu.memory_space<semaphore_mem>>)
      %dma_start3A_881 = arith.constant 13 : i32
      %dma_start3A_882 = arith.constant 1 : i32
      %dma_start3A_883 = arith.constant 13 : i32
      %dma_start3A_884 = arith.constant 0 : i32
      %dma_start3A_885 = arith.constant 0 : i32
      %dma_start3A_886 = tpu.memref_slice %arg6[%dma_start3A_882, %dma_start3A_884, %dma_start3A_885] : memref<2x16x512xf32, #tpu.memory_space<vmem>> -> memref<1x16x512xf32, #tpu.memory_space<vmem>>
      %dma_start3A_887 = tpu.memref_squeeze %dma_start3A_886 : memref<1x16x512xf32, #tpu.memory_space<vmem>> -> memref<16x512xf32, #tpu.memory_space<vmem>>
      %dma_start3A_888 = arith.constant 0 : i32
      %dma_start3A_889 = tpu.memref_slice %dma_start3A_887[%dma_start3A_883, %dma_start3A_888] : memref<16x512xf32, #tpu.memory_space<vmem>> -> memref<1x512xf32, #tpu.memory_space<vmem>>
      %dma_start3A_890 = tpu.memref_squeeze %dma_start3A_889 : memref<1x512xf32, #tpu.memory_space<vmem>> -> memref<512xf32, #tpu.memory_space<vmem>>
      %dma_start3A_891 = arith.constant 0 : i32
      %dma_start3A_892 = tpu.memref_slice %arg5[%div3A_355, %rem3A_359, %dma_start3A_891] : memref<26x1x512xi32, #tpu.memory_space<vmem>> -> memref<1x1x512xi32, #tpu.memory_space<vmem>>
      %dma_start3A_893 = tpu.memref_squeeze %dma_start3A_892 : memref<1x1x512xi32, #tpu.memory_space<vmem>> -> memref<512xi32, #tpu.memory_space<vmem>>
      %dma_start3A_894 = arith.constant 0 : i32
      %dma_start3A_895 = tpu.memref_slice %arg2[%div3A_355, %dma_start3A_881, %dma_start3A_894] : memref<26x16x100000xf32, #tpu.memory_space<hbm>> -> memref<1x1x100000xf32, #tpu.memory_space<hbm>>
      %dma_start3A_896 = tpu.memref_squeeze %dma_start3A_895 : memref<1x1x100000xf32, #tpu.memory_space<hbm>> -> memref<100000xf32, #tpu.memory_space<hbm>>
      %dma_start3A_897 = arith.constant 0 : i32
      %dma_start3A_898 = tpu.memref_slice %dma_start3A_896[%dma_start3A_897] : memref<100000xf32, #tpu.memory_space<hbm>> -> memref<100000xf32, #tpu.memory_space<hbm>>
      tpu.enqueue_indirect_dma source(%dma_start3A_898 : memref<100000xf32, #tpu.memory_space<hbm>>) target(%dma_start3A_890 : memref<512xf32, #tpu.memory_space<vmem>>) offsets(%dma_start3A_893 : memref<512xi32, #tpu.memory_space<vmem>>) semaphore(%arg8 : memref<!tpu.dma_semaphore, #tpu.memory_space<semaphore_mem>>)
      %dma_start3A_899 = arith.constant 14 : i32
      %dma_start3A_900 = arith.constant 1 : i32
      %dma_start3A_901 = arith.constant 14 : i32
      %dma_start3A_902 = arith.constant 0 : i32
      %dma_start3A_903 = arith.constant 0 : i32
      %dma_start3A_904 = tpu.memref_slice %arg6[%dma_start3A_900, %dma_start3A_902, %dma_start3A_903] : memref<2x16x512xf32, #tpu.memory_space<vmem>> -> memref<1x16x512xf32, #tpu.memory_space<vmem>>
      %dma_start3A_905 = tpu.memref_squeeze %dma_start3A_904 : memref<1x16x512xf32, #tpu.memory_space<vmem>> -> memref<16x512xf32, #tpu.memory_space<vmem>>
      %dma_start3A_906 = arith.constant 0 : i32
      %dma_start3A_907 = tpu.memref_slice %dma_start3A_905[%dma_start3A_901, %dma_start3A_906] : memref<16x512xf32, #tpu.memory_space<vmem>> -> memref<1x512xf32, #tpu.memory_space<vmem>>
      %dma_start3A_908 = tpu.memref_squeeze %dma_start3A_907 : memref<1x512xf32, #tpu.memory_space<vmem>> -> memref<512xf32, #tpu.memory_space<vmem>>
      %dma_start3A_909 = arith.constant 0 : i32
      %dma_start3A_910 = tpu.memref_slice %arg5[%div3A_355, %rem3A_359, %dma_start3A_909] : memref<26x1x512xi32, #tpu.memory_space<vmem>> -> memref<1x1x512xi32, #tpu.memory_space<vmem>>
      %dma_start3A_911 = tpu.memref_squeeze %dma_start3A_910 : memref<1x1x512xi32, #tpu.memory_space<vmem>> -> memref<512xi32, #tpu.memory_space<vmem>>
      %dma_start3A_912 = arith.constant 0 : i32
      %dma_start3A_913 = tpu.memref_slice %arg2[%div3A_355, %dma_start3A_899, %dma_start3A_912] : memref<26x16x100000xf32, #tpu.memory_space<hbm>> -> memref<1x1x100000xf32, #tpu.memory_space<hbm>>
      %dma_start3A_914 = tpu.memref_squeeze %dma_start3A_913 : memref<1x1x100000xf32, #tpu.memory_space<hbm>> -> memref<100000xf32, #tpu.memory_space<hbm>>
      %dma_start3A_915 = arith.constant 0 : i32
      %dma_start3A_916 = tpu.memref_slice %dma_start3A_914[%dma_start3A_915] : memref<100000xf32, #tpu.memory_space<hbm>> -> memref<100000xf32, #tpu.memory_space<hbm>>
      tpu.enqueue_indirect_dma source(%dma_start3A_916 : memref<100000xf32, #tpu.memory_space<hbm>>) target(%dma_start3A_908 : memref<512xf32, #tpu.memory_space<vmem>>) offsets(%dma_start3A_911 : memref<512xi32, #tpu.memory_space<vmem>>) semaphore(%arg8 : memref<!tpu.dma_semaphore, #tpu.memory_space<semaphore_mem>>)
      %dma_start3A_917 = arith.constant 15 : i32
      %dma_start3A_918 = arith.constant 1 : i32
      %dma_start3A_919 = arith.constant 15 : i32
      %dma_start3A_920 = arith.constant 0 : i32
      %dma_start3A_921 = arith.constant 0 : i32
      %dma_start3A_922 = tpu.memref_slice %arg6[%dma_start3A_918, %dma_start3A_920, %dma_start3A_921] : memref<2x16x512xf32, #tpu.memory_space<vmem>> -> memref<1x16x512xf32, #tpu.memory_space<vmem>>
      %dma_start3A_923 = tpu.memref_squeeze %dma_start3A_922 : memref<1x16x512xf32, #tpu.memory_space<vmem>> -> memref<16x512xf32, #tpu.memory_space<vmem>>
      %dma_start3A_924 = arith.constant 0 : i32
      %dma_start3A_925 = tpu.memref_slice %dma_start3A_923[%dma_start3A_919, %dma_start3A_924] : memref<16x512xf32, #tpu.memory_space<vmem>> -> memref<1x512xf32, #tpu.memory_space<vmem>>
      %dma_start3A_926 = tpu.memref_squeeze %dma_start3A_925 : memref<1x512xf32, #tpu.memory_space<vmem>> -> memref<512xf32, #tpu.memory_space<vmem>>
      %dma_start3A_927 = arith.constant 0 : i32
      %dma_start3A_928 = tpu.memref_slice %arg5[%div3A_355, %rem3A_359, %dma_start3A_927] : memref<26x1x512xi32, #tpu.memory_space<vmem>> -> memref<1x1x512xi32, #tpu.memory_space<vmem>>
      %dma_start3A_929 = tpu.memref_squeeze %dma_start3A_928 : memref<1x1x512xi32, #tpu.memory_space<vmem>> -> memref<512xi32, #tpu.memory_space<vmem>>
      %dma_start3A_930 = arith.constant 0 : i32
      %dma_start3A_931 = tpu.memref_slice %arg2[%div3A_355, %dma_start3A_917, %dma_start3A_930] : memref<26x16x100000xf32, #tpu.memory_space<hbm>> -> memref<1x1x100000xf32, #tpu.memory_space<hbm>>
      %dma_start3A_932 = tpu.memref_squeeze %dma_start3A_931 : memref<1x1x100000xf32, #tpu.memory_space<hbm>> -> memref<100000xf32, #tpu.memory_space<hbm>>
      %dma_start3A_933 = arith.constant 0 : i32
      %dma_start3A_934 = tpu.memref_slice %dma_start3A_932[%dma_start3A_933] : memref<100000xf32, #tpu.memory_space<hbm>> -> memref<100000xf32, #tpu.memory_space<hbm>>
      tpu.enqueue_indirect_dma source(%dma_start3A_934 : memref<100000xf32, #tpu.memory_space<hbm>>) target(%dma_start3A_926 : memref<512xf32, #tpu.memory_space<vmem>>) offsets(%dma_start3A_929 : memref<512xi32, #tpu.memory_space<vmem>>) semaphore(%arg8 : memref<!tpu.dma_semaphore, #tpu.memory_space<semaphore_mem>>)
      %mul3A_935 = arith.constant 512 : i32
      %mul3A_936 = arith.muli %rem3A_351, %mul3A_935 : i32
      %add3A_937 = arith.addi %mul3A_2, %mul3A_936 : i32
      %run_scoped3A = arith.constant 0 : i32
      "tpu.region"() ({
        %run_scoped3A_1233 = tpu.sem_alloc : memref<!tpu.dma_semaphore, #tpu.memory_space<semaphore_mem>>
        %dma_start3A_1234 = arith.constant 0 : i32
        %dma_start3A_1235 = arith.constant 0 : i32
        %dma_start3A_1236 = tpu.memref_slice %arg6[%run_scoped3A, %dma_start3A_1234, %dma_start3A_1235] : memref<2x16x512xf32, #tpu.memory_space<vmem>> -> memref<1x16x512xf32, #tpu.memory_space<vmem>>
        %dma_start3A_1237 = tpu.memref_squeeze %dma_start3A_1236 : memref<1x16x512xf32, #tpu.memory_space<vmem>> -> memref<16x512xf32, #tpu.memory_space<vmem>>
        %dma_start3A_1238 = arith.constant 0 : i32
        %dma_start3A_1239 = tpu.memref_slice %arg4[%div3A_350, %dma_start3A_1238, %add3A_937] : memref<26x16x16384xf32, #tpu.memory_space<hbm>> -> memref<1x16x512xf32, #tpu.memory_space<hbm>>
        %dma_start3A_1240 = tpu.memref_squeeze %dma_start3A_1239 : memref<1x16x512xf32, #tpu.memory_space<hbm>> -> memref<16x512xf32, #tpu.memory_space<hbm>>
        %dma_start3A_1241 = arith.constant 0 : i32
        %dma_start3A_1242 = tpu.memref_slice %arg4[%div3A_350, %dma_start3A_1241, %add3A_937] : memref<26x16x16384xf32, #tpu.memory_space<hbm>> -> memref<1x16x512xf32, #tpu.memory_space<hbm>>
        %dma_start3A_1243 = tpu.memref_squeeze %dma_start3A_1242 : memref<1x16x512xf32, #tpu.memory_space<hbm>> -> memref<16x512xf32, #tpu.memory_space<hbm>>
        %dma_start3A_1244 = arith.constant 0 : i32
        %dma_start3A_1245 = arith.constant 0 : i32
        %dma_start3A_1246 = tpu.memref_slice %arg6[%run_scoped3A, %dma_start3A_1244, %dma_start3A_1245] : memref<2x16x512xf32, #tpu.memory_space<vmem>> -> memref<1x16x512xf32, #tpu.memory_space<vmem>>
        %dma_start3A_1247 = tpu.memref_squeeze %dma_start3A_1246 : memref<1x16x512xf32, #tpu.memory_space<vmem>> -> memref<16x512xf32, #tpu.memory_space<vmem>>
        tpu.enqueue_dma source(%dma_start3A_1247 : memref<16x512xf32, #tpu.memory_space<vmem>>) target(%dma_start3A_1243 : memref<16x512xf32, #tpu.memory_space<hbm>>) target_semaphore(%run_scoped3A_1233 : memref<!tpu.dma_semaphore, #tpu.memory_space<semaphore_mem>>)
        %dma_wait3A_1248 = arith.constant 0 : i32
        %dma_wait3A_1249 = arith.constant 0 : i32
        %dma_wait3A_1250 = tpu.memref_slice %arg6[%run_scoped3A, %dma_wait3A_1248, %dma_wait3A_1249] : memref<2x16x512xf32, #tpu.memory_space<vmem>> -> memref<1x16x512xf32, #tpu.memory_space<vmem>>
        %dma_wait3A_1251 = tpu.memref_squeeze %dma_wait3A_1250 : memref<1x16x512xf32, #tpu.memory_space<vmem>> -> memref<16x512xf32, #tpu.memory_space<vmem>>
        %dma_wait3A_1252 = arith.constant 0 : i32
        %dma_wait3A_1253 = tpu.memref_slice %arg4[%div3A_350, %dma_wait3A_1252, %add3A_937] : memref<26x16x16384xf32, #tpu.memory_space<hbm>> -> memref<1x16x512xf32, #tpu.memory_space<hbm>>
        %dma_wait3A_1254 = tpu.memref_squeeze %dma_wait3A_1253 : memref<1x16x512xf32, #tpu.memory_space<hbm>> -> memref<16x512xf32, #tpu.memory_space<hbm>>
        %dma_wait3A_1255 = arith.constant 0 : i32
        %dma_wait3A_1256 = tpu.memref_slice %arg4[%div3A_350, %dma_wait3A_1255, %add3A_937] : memref<26x16x16384xf32, #tpu.memory_space<hbm>> -> memref<1x16x512xf32, #tpu.memory_space<hbm>>
        %dma_wait3A_1257 = tpu.memref_squeeze %dma_wait3A_1256 : memref<1x16x512xf32, #tpu.memory_space<hbm>> -> memref<16x512xf32, #tpu.memory_space<hbm>>
        %dma_wait3A_1258 = arith.constant 0 : i32
        %dma_wait3A_1259 = arith.constant 0 : i32
        %dma_wait3A_1260 = tpu.memref_slice %arg6[%run_scoped3A, %dma_wait3A_1258, %dma_wait3A_1259] : memref<2x16x512xf32, #tpu.memory_space<vmem>> -> memref<1x16x512xf32, #tpu.memory_space<vmem>>
        %dma_wait3A_1261 = tpu.memref_squeeze %dma_wait3A_1260 : memref<1x16x512xf32, #tpu.memory_space<vmem>> -> memref<16x512xf32, #tpu.memory_space<vmem>>
        tpu.wait_dma2 semaphore(%run_scoped3A_1233 : memref<!tpu.dma_semaphore, #tpu.memory_space<semaphore_mem>>) src(%dma_wait3A_1261 : memref<16x512xf32, #tpu.memory_space<vmem>>) dst(%dma_wait3A_1257 : memref<16x512xf32, #tpu.memory_space<hbm>>)
        tpu.yield
      }) : () -> ()
      %dma_wait3A_938 = arith.constant 0 : i32
      %dma_wait3A_939 = arith.constant 1 : i32
      %dma_wait3A_940 = arith.constant 0 : i32
      %dma_wait3A_941 = arith.constant 0 : i32
      %dma_wait3A_942 = arith.constant 0 : i32
      %dma_wait3A_943 = tpu.memref_slice %arg6[%dma_wait3A_939, %dma_wait3A_941, %dma_wait3A_942] : memref<2x16x512xf32, #tpu.memory_space<vmem>> -> memref<1x16x512xf32, #tpu.memory_space<vmem>>
      %dma_wait3A_944 = tpu.memref_squeeze %dma_wait3A_943 : memref<1x16x512xf32, #tpu.memory_space<vmem>> -> memref<16x512xf32, #tpu.memory_space<vmem>>
      %dma_wait3A_945 = arith.constant 0 : i32
      %dma_wait3A_946 = tpu.memref_slice %dma_wait3A_944[%dma_wait3A_940, %dma_wait3A_945] : memref<16x512xf32, #tpu.memory_space<vmem>> -> memref<1x512xf32, #tpu.memory_space<vmem>>
      %dma_wait3A_947 = tpu.memref_squeeze %dma_wait3A_946 : memref<1x512xf32, #tpu.memory_space<vmem>> -> memref<512xf32, #tpu.memory_space<vmem>>
      %dma_wait3A_948 = arith.constant 0 : i32
      %dma_wait3A_949 = tpu.memref_slice %arg5[%div3A_355, %rem3A_359, %dma_wait3A_948] : memref<26x1x512xi32, #tpu.memory_space<vmem>> -> memref<1x1x512xi32, #tpu.memory_space<vmem>>
      %dma_wait3A_950 = tpu.memref_squeeze %dma_wait3A_949 : memref<1x1x512xi32, #tpu.memory_space<vmem>> -> memref<512xi32, #tpu.memory_space<vmem>>
      %dma_wait3A_951 = arith.constant 0 : i32
      %dma_wait3A_952 = tpu.memref_slice %arg2[%div3A_355, %dma_wait3A_938, %dma_wait3A_951] : memref<26x16x100000xf32, #tpu.memory_space<hbm>> -> memref<1x1x100000xf32, #tpu.memory_space<hbm>>
      %dma_wait3A_953 = tpu.memref_squeeze %dma_wait3A_952 : memref<1x1x100000xf32, #tpu.memory_space<hbm>> -> memref<100000xf32, #tpu.memory_space<hbm>>
      %dma_wait3A_954 = arith.constant 0 : i32
      %dma_wait3A_955 = tpu.memref_slice %dma_wait3A_953[%dma_wait3A_954] : memref<100000xf32, #tpu.memory_space<hbm>> -> memref<100000xf32, #tpu.memory_space<hbm>>
      tpu.wait_indirect_dma semaphore(%arg8 : memref<!tpu.dma_semaphore, #tpu.memory_space<semaphore_mem>>) src(%dma_wait3A_955 : memref<100000xf32, #tpu.memory_space<hbm>>) dst(%dma_wait3A_947 : memref<512xf32, #tpu.memory_space<vmem>>)
      %dma_wait3A_956 = arith.constant 1 : i32
      %dma_wait3A_957 = arith.constant 1 : i32
      %dma_wait3A_958 = arith.constant 1 : i32
      %dma_wait3A_959 = arith.constant 0 : i32
      %dma_wait3A_960 = arith.constant 0 : i32
      %dma_wait3A_961 = tpu.memref_slice %arg6[%dma_wait3A_957, %dma_wait3A_959, %dma_wait3A_960] : memref<2x16x512xf32, #tpu.memory_space<vmem>> -> memref<1x16x512xf32, #tpu.memory_space<vmem>>
      %dma_wait3A_962 = tpu.memref_squeeze %dma_wait3A_961 : memref<1x16x512xf32, #tpu.memory_space<vmem>> -> memref<16x512xf32, #tpu.memory_space<vmem>>
      %dma_wait3A_963 = arith.constant 0 : i32
      %dma_wait3A_964 = tpu.memref_slice %dma_wait3A_962[%dma_wait3A_958, %dma_wait3A_963] : memref<16x512xf32, #tpu.memory_space<vmem>> -> memref<1x512xf32, #tpu.memory_space<vmem>>
      %dma_wait3A_965 = tpu.memref_squeeze %dma_wait3A_964 : memref<1x512xf32, #tpu.memory_space<vmem>> -> memref<512xf32, #tpu.memory_space<vmem>>
      %dma_wait3A_966 = arith.constant 0 : i32
      %dma_wait3A_967 = tpu.memref_slice %arg5[%div3A_355, %rem3A_359, %dma_wait3A_966] : memref<26x1x512xi32, #tpu.memory_space<vmem>> -> memref<1x1x512xi32, #tpu.memory_space<vmem>>
      %dma_wait3A_968 = tpu.memref_squeeze %dma_wait3A_967 : memref<1x1x512xi32, #tpu.memory_space<vmem>> -> memref<512xi32, #tpu.memory_space<vmem>>
      %dma_wait3A_969 = arith.constant 0 : i32
      %dma_wait3A_970 = tpu.memref_slice %arg2[%div3A_355, %dma_wait3A_956, %dma_wait3A_969] : memref<26x16x100000xf32, #tpu.memory_space<hbm>> -> memref<1x1x100000xf32, #tpu.memory_space<hbm>>
      %dma_wait3A_971 = tpu.memref_squeeze %dma_wait3A_970 : memref<1x1x100000xf32, #tpu.memory_space<hbm>> -> memref<100000xf32, #tpu.memory_space<hbm>>
      %dma_wait3A_972 = arith.constant 0 : i32
      %dma_wait3A_973 = tpu.memref_slice %dma_wait3A_971[%dma_wait3A_972] : memref<100000xf32, #tpu.memory_space<hbm>> -> memref<100000xf32, #tpu.memory_space<hbm>>
      tpu.wait_indirect_dma semaphore(%arg8 : memref<!tpu.dma_semaphore, #tpu.memory_space<semaphore_mem>>) src(%dma_wait3A_973 : memref<100000xf32, #tpu.memory_space<hbm>>) dst(%dma_wait3A_965 : memref<512xf32, #tpu.memory_space<vmem>>)
      %dma_wait3A_974 = arith.constant 2 : i32
      %dma_wait3A_975 = arith.constant 1 : i32
      %dma_wait3A_976 = arith.constant 2 : i32
      %dma_wait3A_977 = arith.constant 0 : i32
      %dma_wait3A_978 = arith.constant 0 : i32
      %dma_wait3A_979 = tpu.memref_slice %arg6[%dma_wait3A_975, %dma_wait3A_977, %dma_wait3A_978] : memref<2x16x512xf32, #tpu.memory_space<vmem>> -> memref<1x16x512xf32, #tpu.memory_space<vmem>>
      %dma_wait3A_980 = tpu.memref_squeeze %dma_wait3A_979 : memref<1x16x512xf32, #tpu.memory_space<vmem>> -> memref<16x512xf32, #tpu.memory_space<vmem>>
      %dma_wait3A_981 = arith.constant 0 : i32
      %dma_wait3A_982 = tpu.memref_slice %dma_wait3A_980[%dma_wait3A_976, %dma_wait3A_981] : memref<16x512xf32, #tpu.memory_space<vmem>> -> memref<1x512xf32, #tpu.memory_space<vmem>>
      %dma_wait3A_983 = tpu.memref_squeeze %dma_wait3A_982 : memref<1x512xf32, #tpu.memory_space<vmem>> -> memref<512xf32, #tpu.memory_space<vmem>>
      %dma_wait3A_984 = arith.constant 0 : i32
      %dma_wait3A_985 = tpu.memref_slice %arg5[%div3A_355, %rem3A_359, %dma_wait3A_984] : memref<26x1x512xi32, #tpu.memory_space<vmem>> -> memref<1x1x512xi32, #tpu.memory_space<vmem>>
      %dma_wait3A_986 = tpu.memref_squeeze %dma_wait3A_985 : memref<1x1x512xi32, #tpu.memory_space<vmem>> -> memref<512xi32, #tpu.memory_space<vmem>>
      %dma_wait3A_987 = arith.constant 0 : i32
      %dma_wait3A_988 = tpu.memref_slice %arg2[%div3A_355, %dma_wait3A_974, %dma_wait3A_987] : memref<26x16x100000xf32, #tpu.memory_space<hbm>> -> memref<1x1x100000xf32, #tpu.memory_space<hbm>>
      %dma_wait3A_989 = tpu.memref_squeeze %dma_wait3A_988 : memref<1x1x100000xf32, #tpu.memory_space<hbm>> -> memref<100000xf32, #tpu.memory_space<hbm>>
      %dma_wait3A_990 = arith.constant 0 : i32
      %dma_wait3A_991 = tpu.memref_slice %dma_wait3A_989[%dma_wait3A_990] : memref<100000xf32, #tpu.memory_space<hbm>> -> memref<100000xf32, #tpu.memory_space<hbm>>
      tpu.wait_indirect_dma semaphore(%arg8 : memref<!tpu.dma_semaphore, #tpu.memory_space<semaphore_mem>>) src(%dma_wait3A_991 : memref<100000xf32, #tpu.memory_space<hbm>>) dst(%dma_wait3A_983 : memref<512xf32, #tpu.memory_space<vmem>>)
      %dma_wait3A_992 = arith.constant 3 : i32
      %dma_wait3A_993 = arith.constant 1 : i32
      %dma_wait3A_994 = arith.constant 3 : i32
      %dma_wait3A_995 = arith.constant 0 : i32
      %dma_wait3A_996 = arith.constant 0 : i32
      %dma_wait3A_997 = tpu.memref_slice %arg6[%dma_wait3A_993, %dma_wait3A_995, %dma_wait3A_996] : memref<2x16x512xf32, #tpu.memory_space<vmem>> -> memref<1x16x512xf32, #tpu.memory_space<vmem>>
      %dma_wait3A_998 = tpu.memref_squeeze %dma_wait3A_997 : memref<1x16x512xf32, #tpu.memory_space<vmem>> -> memref<16x512xf32, #tpu.memory_space<vmem>>
      %dma_wait3A_999 = arith.constant 0 : i32
      %dma_wait3A_1000 = tpu.memref_slice %dma_wait3A_998[%dma_wait3A_994, %dma_wait3A_999] : memref<16x512xf32, #tpu.memory_space<vmem>> -> memref<1x512xf32, #tpu.memory_space<vmem>>
      %dma_wait3A_1001 = tpu.memref_squeeze %dma_wait3A_1000 : memref<1x512xf32, #tpu.memory_space<vmem>> -> memref<512xf32, #tpu.memory_space<vmem>>
      %dma_wait3A_1002 = arith.constant 0 : i32
      %dma_wait3A_1003 = tpu.memref_slice %arg5[%div3A_355, %rem3A_359, %dma_wait3A_1002] : memref<26x1x512xi32, #tpu.memory_space<vmem>> -> memref<1x1x512xi32, #tpu.memory_space<vmem>>
      %dma_wait3A_1004 = tpu.memref_squeeze %dma_wait3A_1003 : memref<1x1x512xi32, #tpu.memory_space<vmem>> -> memref<512xi32, #tpu.memory_space<vmem>>
      %dma_wait3A_1005 = arith.constant 0 : i32
      %dma_wait3A_1006 = tpu.memref_slice %arg2[%div3A_355, %dma_wait3A_992, %dma_wait3A_1005] : memref<26x16x100000xf32, #tpu.memory_space<hbm>> -> memref<1x1x100000xf32, #tpu.memory_space<hbm>>
      %dma_wait3A_1007 = tpu.memref_squeeze %dma_wait3A_1006 : memref<1x1x100000xf32, #tpu.memory_space<hbm>> -> memref<100000xf32, #tpu.memory_space<hbm>>
      %dma_wait3A_1008 = arith.constant 0 : i32
      %dma_wait3A_1009 = tpu.memref_slice %dma_wait3A_1007[%dma_wait3A_1008] : memref<100000xf32, #tpu.memory_space<hbm>> -> memref<100000xf32, #tpu.memory_space<hbm>>
      tpu.wait_indirect_dma semaphore(%arg8 : memref<!tpu.dma_semaphore, #tpu.memory_space<semaphore_mem>>) src(%dma_wait3A_1009 : memref<100000xf32, #tpu.memory_space<hbm>>) dst(%dma_wait3A_1001 : memref<512xf32, #tpu.memory_space<vmem>>)
      %dma_wait3A_1010 = arith.constant 4 : i32
      %dma_wait3A_1011 = arith.constant 1 : i32
      %dma_wait3A_1012 = arith.constant 4 : i32
      %dma_wait3A_1013 = arith.constant 0 : i32
      %dma_wait3A_1014 = arith.constant 0 : i32
      %dma_wait3A_1015 = tpu.memref_slice %arg6[%dma_wait3A_1011, %dma_wait3A_1013, %dma_wait3A_1014] : memref<2x16x512xf32, #tpu.memory_space<vmem>> -> memref<1x16x512xf32, #tpu.memory_space<vmem>>
      %dma_wait3A_1016 = tpu.memref_squeeze %dma_wait3A_1015 : memref<1x16x512xf32, #tpu.memory_space<vmem>> -> memref<16x512xf32, #tpu.memory_space<vmem>>
      %dma_wait3A_1017 = arith.constant 0 : i32
      %dma_wait3A_1018 = tpu.memref_slice %dma_wait3A_1016[%dma_wait3A_1012, %dma_wait3A_1017] : memref<16x512xf32, #tpu.memory_space<vmem>> -> memref<1x512xf32, #tpu.memory_space<vmem>>
      %dma_wait3A_1019 = tpu.memref_squeeze %dma_wait3A_1018 : memref<1x512xf32, #tpu.memory_space<vmem>> -> memref<512xf32, #tpu.memory_space<vmem>>
      %dma_wait3A_1020 = arith.constant 0 : i32
      %dma_wait3A_1021 = tpu.memref_slice %arg5[%div3A_355, %rem3A_359, %dma_wait3A_1020] : memref<26x1x512xi32, #tpu.memory_space<vmem>> -> memref<1x1x512xi32, #tpu.memory_space<vmem>>
      %dma_wait3A_1022 = tpu.memref_squeeze %dma_wait3A_1021 : memref<1x1x512xi32, #tpu.memory_space<vmem>> -> memref<512xi32, #tpu.memory_space<vmem>>
      %dma_wait3A_1023 = arith.constant 0 : i32
      %dma_wait3A_1024 = tpu.memref_slice %arg2[%div3A_355, %dma_wait3A_1010, %dma_wait3A_1023] : memref<26x16x100000xf32, #tpu.memory_space<hbm>> -> memref<1x1x100000xf32, #tpu.memory_space<hbm>>
      %dma_wait3A_1025 = tpu.memref_squeeze %dma_wait3A_1024 : memref<1x1x100000xf32, #tpu.memory_space<hbm>> -> memref<100000xf32, #tpu.memory_space<hbm>>
      %dma_wait3A_1026 = arith.constant 0 : i32
      %dma_wait3A_1027 = tpu.memref_slice %dma_wait3A_1025[%dma_wait3A_1026] : memref<100000xf32, #tpu.memory_space<hbm>> -> memref<100000xf32, #tpu.memory_space<hbm>>
      tpu.wait_indirect_dma semaphore(%arg8 : memref<!tpu.dma_semaphore, #tpu.memory_space<semaphore_mem>>) src(%dma_wait3A_1027 : memref<100000xf32, #tpu.memory_space<hbm>>) dst(%dma_wait3A_1019 : memref<512xf32, #tpu.memory_space<vmem>>)
      %dma_wait3A_1028 = arith.constant 5 : i32
      %dma_wait3A_1029 = arith.constant 1 : i32
      %dma_wait3A_1030 = arith.constant 5 : i32
      %dma_wait3A_1031 = arith.constant 0 : i32
      %dma_wait3A_1032 = arith.constant 0 : i32
      %dma_wait3A_1033 = tpu.memref_slice %arg6[%dma_wait3A_1029, %dma_wait3A_1031, %dma_wait3A_1032] : memref<2x16x512xf32, #tpu.memory_space<vmem>> -> memref<1x16x512xf32, #tpu.memory_space<vmem>>
      %dma_wait3A_1034 = tpu.memref_squeeze %dma_wait3A_1033 : memref<1x16x512xf32, #tpu.memory_space<vmem>> -> memref<16x512xf32, #tpu.memory_space<vmem>>
      %dma_wait3A_1035 = arith.constant 0 : i32
      %dma_wait3A_1036 = tpu.memref_slice %dma_wait3A_1034[%dma_wait3A_1030, %dma_wait3A_1035] : memref<16x512xf32, #tpu.memory_space<vmem>> -> memref<1x512xf32, #tpu.memory_space<vmem>>
      %dma_wait3A_1037 = tpu.memref_squeeze %dma_wait3A_1036 : memref<1x512xf32, #tpu.memory_space<vmem>> -> memref<512xf32, #tpu.memory_space<vmem>>
      %dma_wait3A_1038 = arith.constant 0 : i32
      %dma_wait3A_1039 = tpu.memref_slice %arg5[%div3A_355, %rem3A_359, %dma_wait3A_1038] : memref<26x1x512xi32, #tpu.memory_space<vmem>> -> memref<1x1x512xi32, #tpu.memory_space<vmem>>
      %dma_wait3A_1040 = tpu.memref_squeeze %dma_wait3A_1039 : memref<1x1x512xi32, #tpu.memory_space<vmem>> -> memref<512xi32, #tpu.memory_space<vmem>>
      %dma_wait3A_1041 = arith.constant 0 : i32
      %dma_wait3A_1042 = tpu.memref_slice %arg2[%div3A_355, %dma_wait3A_1028, %dma_wait3A_1041] : memref<26x16x100000xf32, #tpu.memory_space<hbm>> -> memref<1x1x100000xf32, #tpu.memory_space<hbm>>
      %dma_wait3A_1043 = tpu.memref_squeeze %dma_wait3A_1042 : memref<1x1x100000xf32, #tpu.memory_space<hbm>> -> memref<100000xf32, #tpu.memory_space<hbm>>
      %dma_wait3A_1044 = arith.constant 0 : i32
      %dma_wait3A_1045 = tpu.memref_slice %dma_wait3A_1043[%dma_wait3A_1044] : memref<100000xf32, #tpu.memory_space<hbm>> -> memref<100000xf32, #tpu.memory_space<hbm>>
      tpu.wait_indirect_dma semaphore(%arg8 : memref<!tpu.dma_semaphore, #tpu.memory_space<semaphore_mem>>) src(%dma_wait3A_1045 : memref<100000xf32, #tpu.memory_space<hbm>>) dst(%dma_wait3A_1037 : memref<512xf32, #tpu.memory_space<vmem>>)
      %dma_wait3A_1046 = arith.constant 6 : i32
      %dma_wait3A_1047 = arith.constant 1 : i32
      %dma_wait3A_1048 = arith.constant 6 : i32
      %dma_wait3A_1049 = arith.constant 0 : i32
      %dma_wait3A_1050 = arith.constant 0 : i32
      %dma_wait3A_1051 = tpu.memref_slice %arg6[%dma_wait3A_1047, %dma_wait3A_1049, %dma_wait3A_1050] : memref<2x16x512xf32, #tpu.memory_space<vmem>> -> memref<1x16x512xf32, #tpu.memory_space<vmem>>
      %dma_wait3A_1052 = tpu.memref_squeeze %dma_wait3A_1051 : memref<1x16x512xf32, #tpu.memory_space<vmem>> -> memref<16x512xf32, #tpu.memory_space<vmem>>
      %dma_wait3A_1053 = arith.constant 0 : i32
      %dma_wait3A_1054 = tpu.memref_slice %dma_wait3A_1052[%dma_wait3A_1048, %dma_wait3A_1053] : memref<16x512xf32, #tpu.memory_space<vmem>> -> memref<1x512xf32, #tpu.memory_space<vmem>>
      %dma_wait3A_1055 = tpu.memref_squeeze %dma_wait3A_1054 : memref<1x512xf32, #tpu.memory_space<vmem>> -> memref<512xf32, #tpu.memory_space<vmem>>
      %dma_wait3A_1056 = arith.constant 0 : i32
      %dma_wait3A_1057 = tpu.memref_slice %arg5[%div3A_355, %rem3A_359, %dma_wait3A_1056] : memref<26x1x512xi32, #tpu.memory_space<vmem>> -> memref<1x1x512xi32, #tpu.memory_space<vmem>>
      %dma_wait3A_1058 = tpu.memref_squeeze %dma_wait3A_1057 : memref<1x1x512xi32, #tpu.memory_space<vmem>> -> memref<512xi32, #tpu.memory_space<vmem>>
      %dma_wait3A_1059 = arith.constant 0 : i32
      %dma_wait3A_1060 = tpu.memref_slice %arg2[%div3A_355, %dma_wait3A_1046, %dma_wait3A_1059] : memref<26x16x100000xf32, #tpu.memory_space<hbm>> -> memref<1x1x100000xf32, #tpu.memory_space<hbm>>
      %dma_wait3A_1061 = tpu.memref_squeeze %dma_wait3A_1060 : memref<1x1x100000xf32, #tpu.memory_space<hbm>> -> memref<100000xf32, #tpu.memory_space<hbm>>
      %dma_wait3A_1062 = arith.constant 0 : i32
      %dma_wait3A_1063 = tpu.memref_slice %dma_wait3A_1061[%dma_wait3A_1062] : memref<100000xf32, #tpu.memory_space<hbm>> -> memref<100000xf32, #tpu.memory_space<hbm>>
      tpu.wait_indirect_dma semaphore(%arg8 : memref<!tpu.dma_semaphore, #tpu.memory_space<semaphore_mem>>) src(%dma_wait3A_1063 : memref<100000xf32, #tpu.memory_space<hbm>>) dst(%dma_wait3A_1055 : memref<512xf32, #tpu.memory_space<vmem>>)
      %dma_wait3A_1064 = arith.constant 7 : i32
      %dma_wait3A_1065 = arith.constant 1 : i32
      %dma_wait3A_1066 = arith.constant 7 : i32
      %dma_wait3A_1067 = arith.constant 0 : i32
      %dma_wait3A_1068 = arith.constant 0 : i32
      %dma_wait3A_1069 = tpu.memref_slice %arg6[%dma_wait3A_1065, %dma_wait3A_1067, %dma_wait3A_1068] : memref<2x16x512xf32, #tpu.memory_space<vmem>> -> memref<1x16x512xf32, #tpu.memory_space<vmem>>
      %dma_wait3A_1070 = tpu.memref_squeeze %dma_wait3A_1069 : memref<1x16x512xf32, #tpu.memory_space<vmem>> -> memref<16x512xf32, #tpu.memory_space<vmem>>
      %dma_wait3A_1071 = arith.constant 0 : i32
      %dma_wait3A_1072 = tpu.memref_slice %dma_wait3A_1070[%dma_wait3A_1066, %dma_wait3A_1071] : memref<16x512xf32, #tpu.memory_space<vmem>> -> memref<1x512xf32, #tpu.memory_space<vmem>>
      %dma_wait3A_1073 = tpu.memref_squeeze %dma_wait3A_1072 : memref<1x512xf32, #tpu.memory_space<vmem>> -> memref<512xf32, #tpu.memory_space<vmem>>
      %dma_wait3A_1074 = arith.constant 0 : i32
      %dma_wait3A_1075 = tpu.memref_slice %arg5[%div3A_355, %rem3A_359, %dma_wait3A_1074] : memref<26x1x512xi32, #tpu.memory_space<vmem>> -> memref<1x1x512xi32, #tpu.memory_space<vmem>>
      %dma_wait3A_1076 = tpu.memref_squeeze %dma_wait3A_1075 : memref<1x1x512xi32, #tpu.memory_space<vmem>> -> memref<512xi32, #tpu.memory_space<vmem>>
      %dma_wait3A_1077 = arith.constant 0 : i32
      %dma_wait3A_1078 = tpu.memref_slice %arg2[%div3A_355, %dma_wait3A_1064, %dma_wait3A_1077] : memref<26x16x100000xf32, #tpu.memory_space<hbm>> -> memref<1x1x100000xf32, #tpu.memory_space<hbm>>
      %dma_wait3A_1079 = tpu.memref_squeeze %dma_wait3A_1078 : memref<1x1x100000xf32, #tpu.memory_space<hbm>> -> memref<100000xf32, #tpu.memory_space<hbm>>
      %dma_wait3A_1080 = arith.constant 0 : i32
      %dma_wait3A_1081 = tpu.memref_slice %dma_wait3A_1079[%dma_wait3A_1080] : memref<100000xf32, #tpu.memory_space<hbm>> -> memref<100000xf32, #tpu.memory_space<hbm>>
      tpu.wait_indirect_dma semaphore(%arg8 : memref<!tpu.dma_semaphore, #tpu.memory_space<semaphore_mem>>) src(%dma_wait3A_1081 : memref<100000xf32, #tpu.memory_space<hbm>>) dst(%dma_wait3A_1073 : memref<512xf32, #tpu.memory_space<vmem>>)
      %dma_wait3A_1082 = arith.constant 8 : i32
      %dma_wait3A_1083 = arith.constant 1 : i32
      %dma_wait3A_1084 = arith.constant 8 : i32
      %dma_wait3A_1085 = arith.constant 0 : i32
      %dma_wait3A_1086 = arith.constant 0 : i32
      %dma_wait3A_1087 = tpu.memref_slice %arg6[%dma_wait3A_1083, %dma_wait3A_1085, %dma_wait3A_1086] : memref<2x16x512xf32, #tpu.memory_space<vmem>> -> memref<1x16x512xf32, #tpu.memory_space<vmem>>
      %dma_wait3A_1088 = tpu.memref_squeeze %dma_wait3A_1087 : memref<1x16x512xf32, #tpu.memory_space<vmem>> -> memref<16x512xf32, #tpu.memory_space<vmem>>
      %dma_wait3A_1089 = arith.constant 0 : i32
      %dma_wait3A_1090 = tpu.memref_slice %dma_wait3A_1088[%dma_wait3A_1084, %dma_wait3A_1089] : memref<16x512xf32, #tpu.memory_space<vmem>> -> memref<1x512xf32, #tpu.memory_space<vmem>>
      %dma_wait3A_1091 = tpu.memref_squeeze %dma_wait3A_1090 : memref<1x512xf32, #tpu.memory_space<vmem>> -> memref<512xf32, #tpu.memory_space<vmem>>
      %dma_wait3A_1092 = arith.constant 0 : i32
      %dma_wait3A_1093 = tpu.memref_slice %arg5[%div3A_355, %rem3A_359, %dma_wait3A_1092] : memref<26x1x512xi32, #tpu.memory_space<vmem>> -> memref<1x1x512xi32, #tpu.memory_space<vmem>>
      %dma_wait3A_1094 = tpu.memref_squeeze %dma_wait3A_1093 : memref<1x1x512xi32, #tpu.memory_space<vmem>> -> memref<512xi32, #tpu.memory_space<vmem>>
      %dma_wait3A_1095 = arith.constant 0 : i32
      %dma_wait3A_1096 = tpu.memref_slice %arg2[%div3A_355, %dma_wait3A_1082, %dma_wait3A_1095] : memref<26x16x100000xf32, #tpu.memory_space<hbm>> -> memref<1x1x100000xf32, #tpu.memory_space<hbm>>
      %dma_wait3A_1097 = tpu.memref_squeeze %dma_wait3A_1096 : memref<1x1x100000xf32, #tpu.memory_space<hbm>> -> memref<100000xf32, #tpu.memory_space<hbm>>
      %dma_wait3A_1098 = arith.constant 0 : i32
      %dma_wait3A_1099 = tpu.memref_slice %dma_wait3A_1097[%dma_wait3A_1098] : memref<100000xf32, #tpu.memory_space<hbm>> -> memref<100000xf32, #tpu.memory_space<hbm>>
      tpu.wait_indirect_dma semaphore(%arg8 : memref<!tpu.dma_semaphore, #tpu.memory_space<semaphore_mem>>) src(%dma_wait3A_1099 : memref<100000xf32, #tpu.memory_space<hbm>>) dst(%dma_wait3A_1091 : memref<512xf32, #tpu.memory_space<vmem>>)
      %dma_wait3A_1100 = arith.constant 9 : i32
      %dma_wait3A_1101 = arith.constant 1 : i32
      %dma_wait3A_1102 = arith.constant 9 : i32
      %dma_wait3A_1103 = arith.constant 0 : i32
      %dma_wait3A_1104 = arith.constant 0 : i32
      %dma_wait3A_1105 = tpu.memref_slice %arg6[%dma_wait3A_1101, %dma_wait3A_1103, %dma_wait3A_1104] : memref<2x16x512xf32, #tpu.memory_space<vmem>> -> memref<1x16x512xf32, #tpu.memory_space<vmem>>
      %dma_wait3A_1106 = tpu.memref_squeeze %dma_wait3A_1105 : memref<1x16x512xf32, #tpu.memory_space<vmem>> -> memref<16x512xf32, #tpu.memory_space<vmem>>
      %dma_wait3A_1107 = arith.constant 0 : i32
      %dma_wait3A_1108 = tpu.memref_slice %dma_wait3A_1106[%dma_wait3A_1102, %dma_wait3A_1107] : memref<16x512xf32, #tpu.memory_space<vmem>> -> memref<1x512xf32, #tpu.memory_space<vmem>>
      %dma_wait3A_1109 = tpu.memref_squeeze %dma_wait3A_1108 : memref<1x512xf32, #tpu.memory_space<vmem>> -> memref<512xf32, #tpu.memory_space<vmem>>
      %dma_wait3A_1110 = arith.constant 0 : i32
      %dma_wait3A_1111 = tpu.memref_slice %arg5[%div3A_355, %rem3A_359, %dma_wait3A_1110] : memref<26x1x512xi32, #tpu.memory_space<vmem>> -> memref<1x1x512xi32, #tpu.memory_space<vmem>>
      %dma_wait3A_1112 = tpu.memref_squeeze %dma_wait3A_1111 : memref<1x1x512xi32, #tpu.memory_space<vmem>> -> memref<512xi32, #tpu.memory_space<vmem>>
      %dma_wait3A_1113 = arith.constant 0 : i32
      %dma_wait3A_1114 = tpu.memref_slice %arg2[%div3A_355, %dma_wait3A_1100, %dma_wait3A_1113] : memref<26x16x100000xf32, #tpu.memory_space<hbm>> -> memref<1x1x100000xf32, #tpu.memory_space<hbm>>
      %dma_wait3A_1115 = tpu.memref_squeeze %dma_wait3A_1114 : memref<1x1x100000xf32, #tpu.memory_space<hbm>> -> memref<100000xf32, #tpu.memory_space<hbm>>
      %dma_wait3A_1116 = arith.constant 0 : i32
      %dma_wait3A_1117 = tpu.memref_slice %dma_wait3A_1115[%dma_wait3A_1116] : memref<100000xf32, #tpu.memory_space<hbm>> -> memref<100000xf32, #tpu.memory_space<hbm>>
      tpu.wait_indirect_dma semaphore(%arg8 : memref<!tpu.dma_semaphore, #tpu.memory_space<semaphore_mem>>) src(%dma_wait3A_1117 : memref<100000xf32, #tpu.memory_space<hbm>>) dst(%dma_wait3A_1109 : memref<512xf32, #tpu.memory_space<vmem>>)
      %dma_wait3A_1118 = arith.constant 10 : i32
      %dma_wait3A_1119 = arith.constant 1 : i32
      %dma_wait3A_1120 = arith.constant 10 : i32
      %dma_wait3A_1121 = arith.constant 0 : i32
      %dma_wait3A_1122 = arith.constant 0 : i32
      %dma_wait3A_1123 = tpu.memref_slice %arg6[%dma_wait3A_1119, %dma_wait3A_1121, %dma_wait3A_1122] : memref<2x16x512xf32, #tpu.memory_space<vmem>> -> memref<1x16x512xf32, #tpu.memory_space<vmem>>
      %dma_wait3A_1124 = tpu.memref_squeeze %dma_wait3A_1123 : memref<1x16x512xf32, #tpu.memory_space<vmem>> -> memref<16x512xf32, #tpu.memory_space<vmem>>
      %dma_wait3A_1125 = arith.constant 0 : i32
      %dma_wait3A_1126 = tpu.memref_slice %dma_wait3A_1124[%dma_wait3A_1120, %dma_wait3A_1125] : memref<16x512xf32, #tpu.memory_space<vmem>> -> memref<1x512xf32, #tpu.memory_space<vmem>>
      %dma_wait3A_1127 = tpu.memref_squeeze %dma_wait3A_1126 : memref<1x512xf32, #tpu.memory_space<vmem>> -> memref<512xf32, #tpu.memory_space<vmem>>
      %dma_wait3A_1128 = arith.constant 0 : i32
      %dma_wait3A_1129 = tpu.memref_slice %arg5[%div3A_355, %rem3A_359, %dma_wait3A_1128] : memref<26x1x512xi32, #tpu.memory_space<vmem>> -> memref<1x1x512xi32, #tpu.memory_space<vmem>>
      %dma_wait3A_1130 = tpu.memref_squeeze %dma_wait3A_1129 : memref<1x1x512xi32, #tpu.memory_space<vmem>> -> memref<512xi32, #tpu.memory_space<vmem>>
      %dma_wait3A_1131 = arith.constant 0 : i32
      %dma_wait3A_1132 = tpu.memref_slice %arg2[%div3A_355, %dma_wait3A_1118, %dma_wait3A_1131] : memref<26x16x100000xf32, #tpu.memory_space<hbm>> -> memref<1x1x100000xf32, #tpu.memory_space<hbm>>
      %dma_wait3A_1133 = tpu.memref_squeeze %dma_wait3A_1132 : memref<1x1x100000xf32, #tpu.memory_space<hbm>> -> memref<100000xf32, #tpu.memory_space<hbm>>
      %dma_wait3A_1134 = arith.constant 0 : i32
      %dma_wait3A_1135 = tpu.memref_slice %dma_wait3A_1133[%dma_wait3A_1134] : memref<100000xf32, #tpu.memory_space<hbm>> -> memref<100000xf32, #tpu.memory_space<hbm>>
      tpu.wait_indirect_dma semaphore(%arg8 : memref<!tpu.dma_semaphore, #tpu.memory_space<semaphore_mem>>) src(%dma_wait3A_1135 : memref<100000xf32, #tpu.memory_space<hbm>>) dst(%dma_wait3A_1127 : memref<512xf32, #tpu.memory_space<vmem>>)
      %dma_wait3A_1136 = arith.constant 11 : i32
      %dma_wait3A_1137 = arith.constant 1 : i32
      %dma_wait3A_1138 = arith.constant 11 : i32
      %dma_wait3A_1139 = arith.constant 0 : i32
      %dma_wait3A_1140 = arith.constant 0 : i32
      %dma_wait3A_1141 = tpu.memref_slice %arg6[%dma_wait3A_1137, %dma_wait3A_1139, %dma_wait3A_1140] : memref<2x16x512xf32, #tpu.memory_space<vmem>> -> memref<1x16x512xf32, #tpu.memory_space<vmem>>
      %dma_wait3A_1142 = tpu.memref_squeeze %dma_wait3A_1141 : memref<1x16x512xf32, #tpu.memory_space<vmem>> -> memref<16x512xf32, #tpu.memory_space<vmem>>
      %dma_wait3A_1143 = arith.constant 0 : i32
      %dma_wait3A_1144 = tpu.memref_slice %dma_wait3A_1142[%dma_wait3A_1138, %dma_wait3A_1143] : memref<16x512xf32, #tpu.memory_space<vmem>> -> memref<1x512xf32, #tpu.memory_space<vmem>>
      %dma_wait3A_1145 = tpu.memref_squeeze %dma_wait3A_1144 : memref<1x512xf32, #tpu.memory_space<vmem>> -> memref<512xf32, #tpu.memory_space<vmem>>
      %dma_wait3A_1146 = arith.constant 0 : i32
      %dma_wait3A_1147 = tpu.memref_slice %arg5[%div3A_355, %rem3A_359, %dma_wait3A_1146] : memref<26x1x512xi32, #tpu.memory_space<vmem>> -> memref<1x1x512xi32, #tpu.memory_space<vmem>>
      %dma_wait3A_1148 = tpu.memref_squeeze %dma_wait3A_1147 : memref<1x1x512xi32, #tpu.memory_space<vmem>> -> memref<512xi32, #tpu.memory_space<vmem>>
      %dma_wait3A_1149 = arith.constant 0 : i32
      %dma_wait3A_1150 = tpu.memref_slice %arg2[%div3A_355, %dma_wait3A_1136, %dma_wait3A_1149] : memref<26x16x100000xf32, #tpu.memory_space<hbm>> -> memref<1x1x100000xf32, #tpu.memory_space<hbm>>
      %dma_wait3A_1151 = tpu.memref_squeeze %dma_wait3A_1150 : memref<1x1x100000xf32, #tpu.memory_space<hbm>> -> memref<100000xf32, #tpu.memory_space<hbm>>
      %dma_wait3A_1152 = arith.constant 0 : i32
      %dma_wait3A_1153 = tpu.memref_slice %dma_wait3A_1151[%dma_wait3A_1152] : memref<100000xf32, #tpu.memory_space<hbm>> -> memref<100000xf32, #tpu.memory_space<hbm>>
      tpu.wait_indirect_dma semaphore(%arg8 : memref<!tpu.dma_semaphore, #tpu.memory_space<semaphore_mem>>) src(%dma_wait3A_1153 : memref<100000xf32, #tpu.memory_space<hbm>>) dst(%dma_wait3A_1145 : memref<512xf32, #tpu.memory_space<vmem>>)
      %dma_wait3A_1154 = arith.constant 12 : i32
      %dma_wait3A_1155 = arith.constant 1 : i32
      %dma_wait3A_1156 = arith.constant 12 : i32
      %dma_wait3A_1157 = arith.constant 0 : i32
      %dma_wait3A_1158 = arith.constant 0 : i32
      %dma_wait3A_1159 = tpu.memref_slice %arg6[%dma_wait3A_1155, %dma_wait3A_1157, %dma_wait3A_1158] : memref<2x16x512xf32, #tpu.memory_space<vmem>> -> memref<1x16x512xf32, #tpu.memory_space<vmem>>
      %dma_wait3A_1160 = tpu.memref_squeeze %dma_wait3A_1159 : memref<1x16x512xf32, #tpu.memory_space<vmem>> -> memref<16x512xf32, #tpu.memory_space<vmem>>
      %dma_wait3A_1161 = arith.constant 0 : i32
      %dma_wait3A_1162 = tpu.memref_slice %dma_wait3A_1160[%dma_wait3A_1156, %dma_wait3A_1161] : memref<16x512xf32, #tpu.memory_space<vmem>> -> memref<1x512xf32, #tpu.memory_space<vmem>>
      %dma_wait3A_1163 = tpu.memref_squeeze %dma_wait3A_1162 : memref<1x512xf32, #tpu.memory_space<vmem>> -> memref<512xf32, #tpu.memory_space<vmem>>
      %dma_wait3A_1164 = arith.constant 0 : i32
      %dma_wait3A_1165 = tpu.memref_slice %arg5[%div3A_355, %rem3A_359, %dma_wait3A_1164] : memref<26x1x512xi32, #tpu.memory_space<vmem>> -> memref<1x1x512xi32, #tpu.memory_space<vmem>>
      %dma_wait3A_1166 = tpu.memref_squeeze %dma_wait3A_1165 : memref<1x1x512xi32, #tpu.memory_space<vmem>> -> memref<512xi32, #tpu.memory_space<vmem>>
      %dma_wait3A_1167 = arith.constant 0 : i32
      %dma_wait3A_1168 = tpu.memref_slice %arg2[%div3A_355, %dma_wait3A_1154, %dma_wait3A_1167] : memref<26x16x100000xf32, #tpu.memory_space<hbm>> -> memref<1x1x100000xf32, #tpu.memory_space<hbm>>
      %dma_wait3A_1169 = tpu.memref_squeeze %dma_wait3A_1168 : memref<1x1x100000xf32, #tpu.memory_space<hbm>> -> memref<100000xf32, #tpu.memory_space<hbm>>
      %dma_wait3A_1170 = arith.constant 0 : i32
      %dma_wait3A_1171 = tpu.memref_slice %dma_wait3A_1169[%dma_wait3A_1170] : memref<100000xf32, #tpu.memory_space<hbm>> -> memref<100000xf32, #tpu.memory_space<hbm>>
      tpu.wait_indirect_dma semaphore(%arg8 : memref<!tpu.dma_semaphore, #tpu.memory_space<semaphore_mem>>) src(%dma_wait3A_1171 : memref<100000xf32, #tpu.memory_space<hbm>>) dst(%dma_wait3A_1163 : memref<512xf32, #tpu.memory_space<vmem>>)
      %dma_wait3A_1172 = arith.constant 13 : i32
      %dma_wait3A_1173 = arith.constant 1 : i32
      %dma_wait3A_1174 = arith.constant 13 : i32
      %dma_wait3A_1175 = arith.constant 0 : i32
      %dma_wait3A_1176 = arith.constant 0 : i32
      %dma_wait3A_1177 = tpu.memref_slice %arg6[%dma_wait3A_1173, %dma_wait3A_1175, %dma_wait3A_1176] : memref<2x16x512xf32, #tpu.memory_space<vmem>> -> memref<1x16x512xf32, #tpu.memory_space<vmem>>
      %dma_wait3A_1178 = tpu.memref_squeeze %dma_wait3A_1177 : memref<1x16x512xf32, #tpu.memory_space<vmem>> -> memref<16x512xf32, #tpu.memory_space<vmem>>
      %dma_wait3A_1179 = arith.constant 0 : i32
      %dma_wait3A_1180 = tpu.memref_slice %dma_wait3A_1178[%dma_wait3A_1174, %dma_wait3A_1179] : memref<16x512xf32, #tpu.memory_space<vmem>> -> memref<1x512xf32, #tpu.memory_space<vmem>>
      %dma_wait3A_1181 = tpu.memref_squeeze %dma_wait3A_1180 : memref<1x512xf32, #tpu.memory_space<vmem>> -> memref<512xf32, #tpu.memory_space<vmem>>
      %dma_wait3A_1182 = arith.constant 0 : i32
      %dma_wait3A_1183 = tpu.memref_slice %arg5[%div3A_355, %rem3A_359, %dma_wait3A_1182] : memref<26x1x512xi32, #tpu.memory_space<vmem>> -> memref<1x1x512xi32, #tpu.memory_space<vmem>>
      %dma_wait3A_1184 = tpu.memref_squeeze %dma_wait3A_1183 : memref<1x1x512xi32, #tpu.memory_space<vmem>> -> memref<512xi32, #tpu.memory_space<vmem>>
      %dma_wait3A_1185 = arith.constant 0 : i32
      %dma_wait3A_1186 = tpu.memref_slice %arg2[%div3A_355, %dma_wait3A_1172, %dma_wait3A_1185] : memref<26x16x100000xf32, #tpu.memory_space<hbm>> -> memref<1x1x100000xf32, #tpu.memory_space<hbm>>
      %dma_wait3A_1187 = tpu.memref_squeeze %dma_wait3A_1186 : memref<1x1x100000xf32, #tpu.memory_space<hbm>> -> memref<100000xf32, #tpu.memory_space<hbm>>
      %dma_wait3A_1188 = arith.constant 0 : i32
      %dma_wait3A_1189 = tpu.memref_slice %dma_wait3A_1187[%dma_wait3A_1188] : memref<100000xf32, #tpu.memory_space<hbm>> -> memref<100000xf32, #tpu.memory_space<hbm>>
      tpu.wait_indirect_dma semaphore(%arg8 : memref<!tpu.dma_semaphore, #tpu.memory_space<semaphore_mem>>) src(%dma_wait3A_1189 : memref<100000xf32, #tpu.memory_space<hbm>>) dst(%dma_wait3A_1181 : memref<512xf32, #tpu.memory_space<vmem>>)
      %dma_wait3A_1190 = arith.constant 14 : i32
      %dma_wait3A_1191 = arith.constant 1 : i32
      %dma_wait3A_1192 = arith.constant 14 : i32
      %dma_wait3A_1193 = arith.constant 0 : i32
      %dma_wait3A_1194 = arith.constant 0 : i32
      %dma_wait3A_1195 = tpu.memref_slice %arg6[%dma_wait3A_1191, %dma_wait3A_1193, %dma_wait3A_1194] : memref<2x16x512xf32, #tpu.memory_space<vmem>> -> memref<1x16x512xf32, #tpu.memory_space<vmem>>
      %dma_wait3A_1196 = tpu.memref_squeeze %dma_wait3A_1195 : memref<1x16x512xf32, #tpu.memory_space<vmem>> -> memref<16x512xf32, #tpu.memory_space<vmem>>
      %dma_wait3A_1197 = arith.constant 0 : i32
      %dma_wait3A_1198 = tpu.memref_slice %dma_wait3A_1196[%dma_wait3A_1192, %dma_wait3A_1197] : memref<16x512xf32, #tpu.memory_space<vmem>> -> memref<1x512xf32, #tpu.memory_space<vmem>>
      %dma_wait3A_1199 = tpu.memref_squeeze %dma_wait3A_1198 : memref<1x512xf32, #tpu.memory_space<vmem>> -> memref<512xf32, #tpu.memory_space<vmem>>
      %dma_wait3A_1200 = arith.constant 0 : i32
      %dma_wait3A_1201 = tpu.memref_slice %arg5[%div3A_355, %rem3A_359, %dma_wait3A_1200] : memref<26x1x512xi32, #tpu.memory_space<vmem>> -> memref<1x1x512xi32, #tpu.memory_space<vmem>>
      %dma_wait3A_1202 = tpu.memref_squeeze %dma_wait3A_1201 : memref<1x1x512xi32, #tpu.memory_space<vmem>> -> memref<512xi32, #tpu.memory_space<vmem>>
      %dma_wait3A_1203 = arith.constant 0 : i32
      %dma_wait3A_1204 = tpu.memref_slice %arg2[%div3A_355, %dma_wait3A_1190, %dma_wait3A_1203] : memref<26x16x100000xf32, #tpu.memory_space<hbm>> -> memref<1x1x100000xf32, #tpu.memory_space<hbm>>
      %dma_wait3A_1205 = tpu.memref_squeeze %dma_wait3A_1204 : memref<1x1x100000xf32, #tpu.memory_space<hbm>> -> memref<100000xf32, #tpu.memory_space<hbm>>
      %dma_wait3A_1206 = arith.constant 0 : i32
      %dma_wait3A_1207 = tpu.memref_slice %dma_wait3A_1205[%dma_wait3A_1206] : memref<100000xf32, #tpu.memory_space<hbm>> -> memref<100000xf32, #tpu.memory_space<hbm>>
      tpu.wait_indirect_dma semaphore(%arg8 : memref<!tpu.dma_semaphore, #tpu.memory_space<semaphore_mem>>) src(%dma_wait3A_1207 : memref<100000xf32, #tpu.memory_space<hbm>>) dst(%dma_wait3A_1199 : memref<512xf32, #tpu.memory_space<vmem>>)
      %dma_wait3A_1208 = arith.constant 15 : i32
      %dma_wait3A_1209 = arith.constant 1 : i32
      %dma_wait3A_1210 = arith.constant 15 : i32
      %dma_wait3A_1211 = arith.constant 0 : i32
      %dma_wait3A_1212 = arith.constant 0 : i32
      %dma_wait3A_1213 = tpu.memref_slice %arg6[%dma_wait3A_1209, %dma_wait3A_1211, %dma_wait3A_1212] : memref<2x16x512xf32, #tpu.memory_space<vmem>> -> memref<1x16x512xf32, #tpu.memory_space<vmem>>
      %dma_wait3A_1214 = tpu.memref_squeeze %dma_wait3A_1213 : memref<1x16x512xf32, #tpu.memory_space<vmem>> -> memref<16x512xf32, #tpu.memory_space<vmem>>
      %dma_wait3A_1215 = arith.constant 0 : i32
      %dma_wait3A_1216 = tpu.memref_slice %dma_wait3A_1214[%dma_wait3A_1210, %dma_wait3A_1215] : memref<16x512xf32, #tpu.memory_space<vmem>> -> memref<1x512xf32, #tpu.memory_space<vmem>>
      %dma_wait3A_1217 = tpu.memref_squeeze %dma_wait3A_1216 : memref<1x512xf32, #tpu.memory_space<vmem>> -> memref<512xf32, #tpu.memory_space<vmem>>
      %dma_wait3A_1218 = arith.constant 0 : i32
      %dma_wait3A_1219 = tpu.memref_slice %arg5[%div3A_355, %rem3A_359, %dma_wait3A_1218] : memref<26x1x512xi32, #tpu.memory_space<vmem>> -> memref<1x1x512xi32, #tpu.memory_space<vmem>>
      %dma_wait3A_1220 = tpu.memref_squeeze %dma_wait3A_1219 : memref<1x1x512xi32, #tpu.memory_space<vmem>> -> memref<512xi32, #tpu.memory_space<vmem>>
      %dma_wait3A_1221 = arith.constant 0 : i32
      %dma_wait3A_1222 = tpu.memref_slice %arg2[%div3A_355, %dma_wait3A_1208, %dma_wait3A_1221] : memref<26x16x100000xf32, #tpu.memory_space<hbm>> -> memref<1x1x100000xf32, #tpu.memory_space<hbm>>
      %dma_wait3A_1223 = tpu.memref_squeeze %dma_wait3A_1222 : memref<1x1x100000xf32, #tpu.memory_space<hbm>> -> memref<100000xf32, #tpu.memory_space<hbm>>
      %dma_wait3A_1224 = arith.constant 0 : i32
      %dma_wait3A_1225 = tpu.memref_slice %dma_wait3A_1223[%dma_wait3A_1224] : memref<100000xf32, #tpu.memory_space<hbm>> -> memref<100000xf32, #tpu.memory_space<hbm>>
      tpu.wait_indirect_dma semaphore(%arg8 : memref<!tpu.dma_semaphore, #tpu.memory_space<semaphore_mem>>) src(%dma_wait3A_1225 : memref<100000xf32, #tpu.memory_space<hbm>>) dst(%dma_wait3A_1217 : memref<512xf32, #tpu.memory_space<vmem>>)
      %lt3A = arith.constant 12 : i32
      %lt3A_1226 = arith.cmpi slt, %scan3A_346, %lt3A : i32
      %convert_element_type3A = arith.extui %lt3A_1226 : i1 to i32
      %cond3A = arith.constant 0 : i32
      %cond3A_1227 = arith.cmpi ne, %convert_element_type3A, %cond3A : i32
      scf.if %cond3A_1227 {
        %add3A_1233 = arith.constant 2 : i32
        %add3A_1234 = arith.addi %mul3A_349, %add3A_1233 : i32
        %div3A_1235 = arith.constant 1 : i32
        %div3A_1236 = arith.divsi %add3A_1234, %div3A_1235 : i32
        %add3A_1237 = arith.constant 2 : i32
        %add3A_1238 = arith.addi %mul3A_349, %add3A_1237 : i32
        %rem3A_1239 = arith.constant 1 : i32
        %rem3A_1240 = arith.remsi %add3A_1238, %rem3A_1239 : i32
        %dma_start3A_1241 = arith.constant 0 : i32
        %dma_start3A_1242 = arith.constant 0 : i32
        %dma_start3A_1243 = arith.constant 0 : i32
        %dma_start3A_1244 = arith.constant 0 : i32
        %dma_start3A_1245 = arith.constant 0 : i32
        %dma_start3A_1246 = tpu.memref_slice %arg6[%dma_start3A_1242, %dma_start3A_1244, %dma_start3A_1245] : memref<2x16x512xf32, #tpu.memory_space<vmem>> -> memref<1x16x512xf32, #tpu.memory_space<vmem>>
        %dma_start3A_1247 = tpu.memref_squeeze %dma_start3A_1246 : memref<1x16x512xf32, #tpu.memory_space<vmem>> -> memref<16x512xf32, #tpu.memory_space<vmem>>
        %dma_start3A_1248 = arith.constant 0 : i32
        %dma_start3A_1249 = tpu.memref_slice %dma_start3A_1247[%dma_start3A_1243, %dma_start3A_1248] : memref<16x512xf32, #tpu.memory_space<vmem>> -> memref<1x512xf32, #tpu.memory_space<vmem>>
        %dma_start3A_1250 = tpu.memref_squeeze %dma_start3A_1249 : memref<1x512xf32, #tpu.memory_space<vmem>> -> memref<512xf32, #tpu.memory_space<vmem>>
        %dma_start3A_1251 = arith.constant 0 : i32
        %dma_start3A_1252 = tpu.memref_slice %arg5[%div3A_1236, %rem3A_1240, %dma_start3A_1251] : memref<26x1x512xi32, #tpu.memory_space<vmem>> -> memref<1x1x512xi32, #tpu.memory_space<vmem>>
        %dma_start3A_1253 = tpu.memref_squeeze %dma_start3A_1252 : memref<1x1x512xi32, #tpu.memory_space<vmem>> -> memref<512xi32, #tpu.memory_space<vmem>>
        %dma_start3A_1254 = arith.constant 0 : i32
        %dma_start3A_1255 = tpu.memref_slice %arg2[%div3A_1236, %dma_start3A_1241, %dma_start3A_1254] : memref<26x16x100000xf32, #tpu.memory_space<hbm>> -> memref<1x1x100000xf32, #tpu.memory_space<hbm>>
        %dma_start3A_1256 = tpu.memref_squeeze %dma_start3A_1255 : memref<1x1x100000xf32, #tpu.memory_space<hbm>> -> memref<100000xf32, #tpu.memory_space<hbm>>
        %dma_start3A_1257 = arith.constant 0 : i32
        %dma_start3A_1258 = tpu.memref_slice %dma_start3A_1256[%dma_start3A_1257] : memref<100000xf32, #tpu.memory_space<hbm>> -> memref<100000xf32, #tpu.memory_space<hbm>>
        tpu.enqueue_indirect_dma source(%dma_start3A_1258 : memref<100000xf32, #tpu.memory_space<hbm>>) target(%dma_start3A_1250 : memref<512xf32, #tpu.memory_space<vmem>>) offsets(%dma_start3A_1253 : memref<512xi32, #tpu.memory_space<vmem>>) semaphore(%arg7 : memref<!tpu.dma_semaphore, #tpu.memory_space<semaphore_mem>>)
        %dma_start3A_1259 = arith.constant 1 : i32
        %dma_start3A_1260 = arith.constant 0 : i32
        %dma_start3A_1261 = arith.constant 1 : i32
        %dma_start3A_1262 = arith.constant 0 : i32
        %dma_start3A_1263 = arith.constant 0 : i32
        %dma_start3A_1264 = tpu.memref_slice %arg6[%dma_start3A_1260, %dma_start3A_1262, %dma_start3A_1263] : memref<2x16x512xf32, #tpu.memory_space<vmem>> -> memref<1x16x512xf32, #tpu.memory_space<vmem>>
        %dma_start3A_1265 = tpu.memref_squeeze %dma_start3A_1264 : memref<1x16x512xf32, #tpu.memory_space<vmem>> -> memref<16x512xf32, #tpu.memory_space<vmem>>
        %dma_start3A_1266 = arith.constant 0 : i32
        %dma_start3A_1267 = tpu.memref_slice %dma_start3A_1265[%dma_start3A_1261, %dma_start3A_1266] : memref<16x512xf32, #tpu.memory_space<vmem>> -> memref<1x512xf32, #tpu.memory_space<vmem>>
        %dma_start3A_1268 = tpu.memref_squeeze %dma_start3A_1267 : memref<1x512xf32, #tpu.memory_space<vmem>> -> memref<512xf32, #tpu.memory_space<vmem>>
        %dma_start3A_1269 = arith.constant 0 : i32
        %dma_start3A_1270 = tpu.memref_slice %arg5[%div3A_1236, %rem3A_1240, %dma_start3A_1269] : memref<26x1x512xi32, #tpu.memory_space<vmem>> -> memref<1x1x512xi32, #tpu.memory_space<vmem>>
        %dma_start3A_1271 = tpu.memref_squeeze %dma_start3A_1270 : memref<1x1x512xi32, #tpu.memory_space<vmem>> -> memref<512xi32, #tpu.memory_space<vmem>>
        %dma_start3A_1272 = arith.constant 0 : i32
        %dma_start3A_1273 = tpu.memref_slice %arg2[%div3A_1236, %dma_start3A_1259, %dma_start3A_1272] : memref<26x16x100000xf32, #tpu.memory_space<hbm>> -> memref<1x1x100000xf32, #tpu.memory_space<hbm>>
        %dma_start3A_1274 = tpu.memref_squeeze %dma_start3A_1273 : memref<1x1x100000xf32, #tpu.memory_space<hbm>> -> memref<100000xf32, #tpu.memory_space<hbm>>
        %dma_start3A_1275 = arith.constant 0 : i32
        %dma_start3A_1276 = tpu.memref_slice %dma_start3A_1274[%dma_start3A_1275] : memref<100000xf32, #tpu.memory_space<hbm>> -> memref<100000xf32, #tpu.memory_space<hbm>>
        tpu.enqueue_indirect_dma source(%dma_start3A_1276 : memref<100000xf32, #tpu.memory_space<hbm>>) target(%dma_start3A_1268 : memref<512xf32, #tpu.memory_space<vmem>>) offsets(%dma_start3A_1271 : memref<512xi32, #tpu.memory_space<vmem>>) semaphore(%arg7 : memref<!tpu.dma_semaphore, #tpu.memory_space<semaphore_mem>>)
        %dma_start3A_1277 = arith.constant 2 : i32
        %dma_start3A_1278 = arith.constant 0 : i32
        %dma_start3A_1279 = arith.constant 2 : i32
        %dma_start3A_1280 = arith.constant 0 : i32
        %dma_start3A_1281 = arith.constant 0 : i32
        %dma_start3A_1282 = tpu.memref_slice %arg6[%dma_start3A_1278, %dma_start3A_1280, %dma_start3A_1281] : memref<2x16x512xf32, #tpu.memory_space<vmem>> -> memref<1x16x512xf32, #tpu.memory_space<vmem>>
        %dma_start3A_1283 = tpu.memref_squeeze %dma_start3A_1282 : memref<1x16x512xf32, #tpu.memory_space<vmem>> -> memref<16x512xf32, #tpu.memory_space<vmem>>
        %dma_start3A_1284 = arith.constant 0 : i32
        %dma_start3A_1285 = tpu.memref_slice %dma_start3A_1283[%dma_start3A_1279, %dma_start3A_1284] : memref<16x512xf32, #tpu.memory_space<vmem>> -> memref<1x512xf32, #tpu.memory_space<vmem>>
        %dma_start3A_1286 = tpu.memref_squeeze %dma_start3A_1285 : memref<1x512xf32, #tpu.memory_space<vmem>> -> memref<512xf32, #tpu.memory_space<vmem>>
        %dma_start3A_1287 = arith.constant 0 : i32
        %dma_start3A_1288 = tpu.memref_slice %arg5[%div3A_1236, %rem3A_1240, %dma_start3A_1287] : memref<26x1x512xi32, #tpu.memory_space<vmem>> -> memref<1x1x512xi32, #tpu.memory_space<vmem>>
        %dma_start3A_1289 = tpu.memref_squeeze %dma_start3A_1288 : memref<1x1x512xi32, #tpu.memory_space<vmem>> -> memref<512xi32, #tpu.memory_space<vmem>>
        %dma_start3A_1290 = arith.constant 0 : i32
        %dma_start3A_1291 = tpu.memref_slice %arg2[%div3A_1236, %dma_start3A_1277, %dma_start3A_1290] : memref<26x16x100000xf32, #tpu.memory_space<hbm>> -> memref<1x1x100000xf32, #tpu.memory_space<hbm>>
        %dma_start3A_1292 = tpu.memref_squeeze %dma_start3A_1291 : memref<1x1x100000xf32, #tpu.memory_space<hbm>> -> memref<100000xf32, #tpu.memory_space<hbm>>
        %dma_start3A_1293 = arith.constant 0 : i32
        %dma_start3A_1294 = tpu.memref_slice %dma_start3A_1292[%dma_start3A_1293] : memref<100000xf32, #tpu.memory_space<hbm>> -> memref<100000xf32, #tpu.memory_space<hbm>>
        tpu.enqueue_indirect_dma source(%dma_start3A_1294 : memref<100000xf32, #tpu.memory_space<hbm>>) target(%dma_start3A_1286 : memref<512xf32, #tpu.memory_space<vmem>>) offsets(%dma_start3A_1289 : memref<512xi32, #tpu.memory_space<vmem>>) semaphore(%arg7 : memref<!tpu.dma_semaphore, #tpu.memory_space<semaphore_mem>>)
        %dma_start3A_1295 = arith.constant 3 : i32
        %dma_start3A_1296 = arith.constant 0 : i32
        %dma_start3A_1297 = arith.constant 3 : i32
        %dma_start3A_1298 = arith.constant 0 : i32
        %dma_start3A_1299 = arith.constant 0 : i32
        %dma_start3A_1300 = tpu.memref_slice %arg6[%dma_start3A_1296, %dma_start3A_1298, %dma_start3A_1299] : memref<2x16x512xf32, #tpu.memory_space<vmem>> -> memref<1x16x512xf32, #tpu.memory_space<vmem>>
        %dma_start3A_1301 = tpu.memref_squeeze %dma_start3A_1300 : memref<1x16x512xf32, #tpu.memory_space<vmem>> -> memref<16x512xf32, #tpu.memory_space<vmem>>
        %dma_start3A_1302 = arith.constant 0 : i32
        %dma_start3A_1303 = tpu.memref_slice %dma_start3A_1301[%dma_start3A_1297, %dma_start3A_1302] : memref<16x512xf32, #tpu.memory_space<vmem>> -> memref<1x512xf32, #tpu.memory_space<vmem>>
        %dma_start3A_1304 = tpu.memref_squeeze %dma_start3A_1303 : memref<1x512xf32, #tpu.memory_space<vmem>> -> memref<512xf32, #tpu.memory_space<vmem>>
        %dma_start3A_1305 = arith.constant 0 : i32
        %dma_start3A_1306 = tpu.memref_slice %arg5[%div3A_1236, %rem3A_1240, %dma_start3A_1305] : memref<26x1x512xi32, #tpu.memory_space<vmem>> -> memref<1x1x512xi32, #tpu.memory_space<vmem>>
        %dma_start3A_1307 = tpu.memref_squeeze %dma_start3A_1306 : memref<1x1x512xi32, #tpu.memory_space<vmem>> -> memref<512xi32, #tpu.memory_space<vmem>>
        %dma_start3A_1308 = arith.constant 0 : i32
        %dma_start3A_1309 = tpu.memref_slice %arg2[%div3A_1236, %dma_start3A_1295, %dma_start3A_1308] : memref<26x16x100000xf32, #tpu.memory_space<hbm>> -> memref<1x1x100000xf32, #tpu.memory_space<hbm>>
        %dma_start3A_1310 = tpu.memref_squeeze %dma_start3A_1309 : memref<1x1x100000xf32, #tpu.memory_space<hbm>> -> memref<100000xf32, #tpu.memory_space<hbm>>
        %dma_start3A_1311 = arith.constant 0 : i32
        %dma_start3A_1312 = tpu.memref_slice %dma_start3A_1310[%dma_start3A_1311] : memref<100000xf32, #tpu.memory_space<hbm>> -> memref<100000xf32, #tpu.memory_space<hbm>>
        tpu.enqueue_indirect_dma source(%dma_start3A_1312 : memref<100000xf32, #tpu.memory_space<hbm>>) target(%dma_start3A_1304 : memref<512xf32, #tpu.memory_space<vmem>>) offsets(%dma_start3A_1307 : memref<512xi32, #tpu.memory_space<vmem>>) semaphore(%arg7 : memref<!tpu.dma_semaphore, #tpu.memory_space<semaphore_mem>>)
        %dma_start3A_1313 = arith.constant 4 : i32
        %dma_start3A_1314 = arith.constant 0 : i32
        %dma_start3A_1315 = arith.constant 4 : i32
        %dma_start3A_1316 = arith.constant 0 : i32
        %dma_start3A_1317 = arith.constant 0 : i32
        %dma_start3A_1318 = tpu.memref_slice %arg6[%dma_start3A_1314, %dma_start3A_1316, %dma_start3A_1317] : memref<2x16x512xf32, #tpu.memory_space<vmem>> -> memref<1x16x512xf32, #tpu.memory_space<vmem>>
        %dma_start3A_1319 = tpu.memref_squeeze %dma_start3A_1318 : memref<1x16x512xf32, #tpu.memory_space<vmem>> -> memref<16x512xf32, #tpu.memory_space<vmem>>
        %dma_start3A_1320 = arith.constant 0 : i32
        %dma_start3A_1321 = tpu.memref_slice %dma_start3A_1319[%dma_start3A_1315, %dma_start3A_1320] : memref<16x512xf32, #tpu.memory_space<vmem>> -> memref<1x512xf32, #tpu.memory_space<vmem>>
        %dma_start3A_1322 = tpu.memref_squeeze %dma_start3A_1321 : memref<1x512xf32, #tpu.memory_space<vmem>> -> memref<512xf32, #tpu.memory_space<vmem>>
        %dma_start3A_1323 = arith.constant 0 : i32
        %dma_start3A_1324 = tpu.memref_slice %arg5[%div3A_1236, %rem3A_1240, %dma_start3A_1323] : memref<26x1x512xi32, #tpu.memory_space<vmem>> -> memref<1x1x512xi32, #tpu.memory_space<vmem>>
        %dma_start3A_1325 = tpu.memref_squeeze %dma_start3A_1324 : memref<1x1x512xi32, #tpu.memory_space<vmem>> -> memref<512xi32, #tpu.memory_space<vmem>>
        %dma_start3A_1326 = arith.constant 0 : i32
        %dma_start3A_1327 = tpu.memref_slice %arg2[%div3A_1236, %dma_start3A_1313, %dma_start3A_1326] : memref<26x16x100000xf32, #tpu.memory_space<hbm>> -> memref<1x1x100000xf32, #tpu.memory_space<hbm>>
        %dma_start3A_1328 = tpu.memref_squeeze %dma_start3A_1327 : memref<1x1x100000xf32, #tpu.memory_space<hbm>> -> memref<100000xf32, #tpu.memory_space<hbm>>
        %dma_start3A_1329 = arith.constant 0 : i32
        %dma_start3A_1330 = tpu.memref_slice %dma_start3A_1328[%dma_start3A_1329] : memref<100000xf32, #tpu.memory_space<hbm>> -> memref<100000xf32, #tpu.memory_space<hbm>>
        tpu.enqueue_indirect_dma source(%dma_start3A_1330 : memref<100000xf32, #tpu.memory_space<hbm>>) target(%dma_start3A_1322 : memref<512xf32, #tpu.memory_space<vmem>>) offsets(%dma_start3A_1325 : memref<512xi32, #tpu.memory_space<vmem>>) semaphore(%arg7 : memref<!tpu.dma_semaphore, #tpu.memory_space<semaphore_mem>>)
        %dma_start3A_1331 = arith.constant 5 : i32
        %dma_start3A_1332 = arith.constant 0 : i32
        %dma_start3A_1333 = arith.constant 5 : i32
        %dma_start3A_1334 = arith.constant 0 : i32
        %dma_start3A_1335 = arith.constant 0 : i32
        %dma_start3A_1336 = tpu.memref_slice %arg6[%dma_start3A_1332, %dma_start3A_1334, %dma_start3A_1335] : memref<2x16x512xf32, #tpu.memory_space<vmem>> -> memref<1x16x512xf32, #tpu.memory_space<vmem>>
        %dma_start3A_1337 = tpu.memref_squeeze %dma_start3A_1336 : memref<1x16x512xf32, #tpu.memory_space<vmem>> -> memref<16x512xf32, #tpu.memory_space<vmem>>
        %dma_start3A_1338 = arith.constant 0 : i32
        %dma_start3A_1339 = tpu.memref_slice %dma_start3A_1337[%dma_start3A_1333, %dma_start3A_1338] : memref<16x512xf32, #tpu.memory_space<vmem>> -> memref<1x512xf32, #tpu.memory_space<vmem>>
        %dma_start3A_1340 = tpu.memref_squeeze %dma_start3A_1339 : memref<1x512xf32, #tpu.memory_space<vmem>> -> memref<512xf32, #tpu.memory_space<vmem>>
        %dma_start3A_1341 = arith.constant 0 : i32
        %dma_start3A_1342 = tpu.memref_slice %arg5[%div3A_1236, %rem3A_1240, %dma_start3A_1341] : memref<26x1x512xi32, #tpu.memory_space<vmem>> -> memref<1x1x512xi32, #tpu.memory_space<vmem>>
        %dma_start3A_1343 = tpu.memref_squeeze %dma_start3A_1342 : memref<1x1x512xi32, #tpu.memory_space<vmem>> -> memref<512xi32, #tpu.memory_space<vmem>>
        %dma_start3A_1344 = arith.constant 0 : i32
        %dma_start3A_1345 = tpu.memref_slice %arg2[%div3A_1236, %dma_start3A_1331, %dma_start3A_1344] : memref<26x16x100000xf32, #tpu.memory_space<hbm>> -> memref<1x1x100000xf32, #tpu.memory_space<hbm>>
        %dma_start3A_1346 = tpu.memref_squeeze %dma_start3A_1345 : memref<1x1x100000xf32, #tpu.memory_space<hbm>> -> memref<100000xf32, #tpu.memory_space<hbm>>
        %dma_start3A_1347 = arith.constant 0 : i32
        %dma_start3A_1348 = tpu.memref_slice %dma_start3A_1346[%dma_start3A_1347] : memref<100000xf32, #tpu.memory_space<hbm>> -> memref<100000xf32, #tpu.memory_space<hbm>>
        tpu.enqueue_indirect_dma source(%dma_start3A_1348 : memref<100000xf32, #tpu.memory_space<hbm>>) target(%dma_start3A_1340 : memref<512xf32, #tpu.memory_space<vmem>>) offsets(%dma_start3A_1343 : memref<512xi32, #tpu.memory_space<vmem>>) semaphore(%arg7 : memref<!tpu.dma_semaphore, #tpu.memory_space<semaphore_mem>>)
        %dma_start3A_1349 = arith.constant 6 : i32
        %dma_start3A_1350 = arith.constant 0 : i32
        %dma_start3A_1351 = arith.constant 6 : i32
        %dma_start3A_1352 = arith.constant 0 : i32
        %dma_start3A_1353 = arith.constant 0 : i32
        %dma_start3A_1354 = tpu.memref_slice %arg6[%dma_start3A_1350, %dma_start3A_1352, %dma_start3A_1353] : memref<2x16x512xf32, #tpu.memory_space<vmem>> -> memref<1x16x512xf32, #tpu.memory_space<vmem>>
        %dma_start3A_1355 = tpu.memref_squeeze %dma_start3A_1354 : memref<1x16x512xf32, #tpu.memory_space<vmem>> -> memref<16x512xf32, #tpu.memory_space<vmem>>
        %dma_start3A_1356 = arith.constant 0 : i32
        %dma_start3A_1357 = tpu.memref_slice %dma_start3A_1355[%dma_start3A_1351, %dma_start3A_1356] : memref<16x512xf32, #tpu.memory_space<vmem>> -> memref<1x512xf32, #tpu.memory_space<vmem>>
        %dma_start3A_1358 = tpu.memref_squeeze %dma_start3A_1357 : memref<1x512xf32, #tpu.memory_space<vmem>> -> memref<512xf32, #tpu.memory_space<vmem>>
        %dma_start3A_1359 = arith.constant 0 : i32
        %dma_start3A_1360 = tpu.memref_slice %arg5[%div3A_1236, %rem3A_1240, %dma_start3A_1359] : memref<26x1x512xi32, #tpu.memory_space<vmem>> -> memref<1x1x512xi32, #tpu.memory_space<vmem>>
        %dma_start3A_1361 = tpu.memref_squeeze %dma_start3A_1360 : memref<1x1x512xi32, #tpu.memory_space<vmem>> -> memref<512xi32, #tpu.memory_space<vmem>>
        %dma_start3A_1362 = arith.constant 0 : i32
        %dma_start3A_1363 = tpu.memref_slice %arg2[%div3A_1236, %dma_start3A_1349, %dma_start3A_1362] : memref<26x16x100000xf32, #tpu.memory_space<hbm>> -> memref<1x1x100000xf32, #tpu.memory_space<hbm>>
        %dma_start3A_1364 = tpu.memref_squeeze %dma_start3A_1363 : memref<1x1x100000xf32, #tpu.memory_space<hbm>> -> memref<100000xf32, #tpu.memory_space<hbm>>
        %dma_start3A_1365 = arith.constant 0 : i32
        %dma_start3A_1366 = tpu.memref_slice %dma_start3A_1364[%dma_start3A_1365] : memref<100000xf32, #tpu.memory_space<hbm>> -> memref<100000xf32, #tpu.memory_space<hbm>>
        tpu.enqueue_indirect_dma source(%dma_start3A_1366 : memref<100000xf32, #tpu.memory_space<hbm>>) target(%dma_start3A_1358 : memref<512xf32, #tpu.memory_space<vmem>>) offsets(%dma_start3A_1361 : memref<512xi32, #tpu.memory_space<vmem>>) semaphore(%arg7 : memref<!tpu.dma_semaphore, #tpu.memory_space<semaphore_mem>>)
        %dma_start3A_1367 = arith.constant 7 : i32
        %dma_start3A_1368 = arith.constant 0 : i32
        %dma_start3A_1369 = arith.constant 7 : i32
        %dma_start3A_1370 = arith.constant 0 : i32
        %dma_start3A_1371 = arith.constant 0 : i32
        %dma_start3A_1372 = tpu.memref_slice %arg6[%dma_start3A_1368, %dma_start3A_1370, %dma_start3A_1371] : memref<2x16x512xf32, #tpu.memory_space<vmem>> -> memref<1x16x512xf32, #tpu.memory_space<vmem>>
        %dma_start3A_1373 = tpu.memref_squeeze %dma_start3A_1372 : memref<1x16x512xf32, #tpu.memory_space<vmem>> -> memref<16x512xf32, #tpu.memory_space<vmem>>
        %dma_start3A_1374 = arith.constant 0 : i32
        %dma_start3A_1375 = tpu.memref_slice %dma_start3A_1373[%dma_start3A_1369, %dma_start3A_1374] : memref<16x512xf32, #tpu.memory_space<vmem>> -> memref<1x512xf32, #tpu.memory_space<vmem>>
        %dma_start3A_1376 = tpu.memref_squeeze %dma_start3A_1375 : memref<1x512xf32, #tpu.memory_space<vmem>> -> memref<512xf32, #tpu.memory_space<vmem>>
        %dma_start3A_1377 = arith.constant 0 : i32
        %dma_start3A_1378 = tpu.memref_slice %arg5[%div3A_1236, %rem3A_1240, %dma_start3A_1377] : memref<26x1x512xi32, #tpu.memory_space<vmem>> -> memref<1x1x512xi32, #tpu.memory_space<vmem>>
        %dma_start3A_1379 = tpu.memref_squeeze %dma_start3A_1378 : memref<1x1x512xi32, #tpu.memory_space<vmem>> -> memref<512xi32, #tpu.memory_space<vmem>>
        %dma_start3A_1380 = arith.constant 0 : i32
        %dma_start3A_1381 = tpu.memref_slice %arg2[%div3A_1236, %dma_start3A_1367, %dma_start3A_1380] : memref<26x16x100000xf32, #tpu.memory_space<hbm>> -> memref<1x1x100000xf32, #tpu.memory_space<hbm>>
        %dma_start3A_1382 = tpu.memref_squeeze %dma_start3A_1381 : memref<1x1x100000xf32, #tpu.memory_space<hbm>> -> memref<100000xf32, #tpu.memory_space<hbm>>
        %dma_start3A_1383 = arith.constant 0 : i32
        %dma_start3A_1384 = tpu.memref_slice %dma_start3A_1382[%dma_start3A_1383] : memref<100000xf32, #tpu.memory_space<hbm>> -> memref<100000xf32, #tpu.memory_space<hbm>>
        tpu.enqueue_indirect_dma source(%dma_start3A_1384 : memref<100000xf32, #tpu.memory_space<hbm>>) target(%dma_start3A_1376 : memref<512xf32, #tpu.memory_space<vmem>>) offsets(%dma_start3A_1379 : memref<512xi32, #tpu.memory_space<vmem>>) semaphore(%arg7 : memref<!tpu.dma_semaphore, #tpu.memory_space<semaphore_mem>>)
        %dma_start3A_1385 = arith.constant 8 : i32
        %dma_start3A_1386 = arith.constant 0 : i32
        %dma_start3A_1387 = arith.constant 8 : i32
        %dma_start3A_1388 = arith.constant 0 : i32
        %dma_start3A_1389 = arith.constant 0 : i32
        %dma_start3A_1390 = tpu.memref_slice %arg6[%dma_start3A_1386, %dma_start3A_1388, %dma_start3A_1389] : memref<2x16x512xf32, #tpu.memory_space<vmem>> -> memref<1x16x512xf32, #tpu.memory_space<vmem>>
        %dma_start3A_1391 = tpu.memref_squeeze %dma_start3A_1390 : memref<1x16x512xf32, #tpu.memory_space<vmem>> -> memref<16x512xf32, #tpu.memory_space<vmem>>
        %dma_start3A_1392 = arith.constant 0 : i32
        %dma_start3A_1393 = tpu.memref_slice %dma_start3A_1391[%dma_start3A_1387, %dma_start3A_1392] : memref<16x512xf32, #tpu.memory_space<vmem>> -> memref<1x512xf32, #tpu.memory_space<vmem>>
        %dma_start3A_1394 = tpu.memref_squeeze %dma_start3A_1393 : memref<1x512xf32, #tpu.memory_space<vmem>> -> memref<512xf32, #tpu.memory_space<vmem>>
        %dma_start3A_1395 = arith.constant 0 : i32
        %dma_start3A_1396 = tpu.memref_slice %arg5[%div3A_1236, %rem3A_1240, %dma_start3A_1395] : memref<26x1x512xi32, #tpu.memory_space<vmem>> -> memref<1x1x512xi32, #tpu.memory_space<vmem>>
        %dma_start3A_1397 = tpu.memref_squeeze %dma_start3A_1396 : memref<1x1x512xi32, #tpu.memory_space<vmem>> -> memref<512xi32, #tpu.memory_space<vmem>>
        %dma_start3A_1398 = arith.constant 0 : i32
        %dma_start3A_1399 = tpu.memref_slice %arg2[%div3A_1236, %dma_start3A_1385, %dma_start3A_1398] : memref<26x16x100000xf32, #tpu.memory_space<hbm>> -> memref<1x1x100000xf32, #tpu.memory_space<hbm>>
        %dma_start3A_1400 = tpu.memref_squeeze %dma_start3A_1399 : memref<1x1x100000xf32, #tpu.memory_space<hbm>> -> memref<100000xf32, #tpu.memory_space<hbm>>
        %dma_start3A_1401 = arith.constant 0 : i32
        %dma_start3A_1402 = tpu.memref_slice %dma_start3A_1400[%dma_start3A_1401] : memref<100000xf32, #tpu.memory_space<hbm>> -> memref<100000xf32, #tpu.memory_space<hbm>>
        tpu.enqueue_indirect_dma source(%dma_start3A_1402 : memref<100000xf32, #tpu.memory_space<hbm>>) target(%dma_start3A_1394 : memref<512xf32, #tpu.memory_space<vmem>>) offsets(%dma_start3A_1397 : memref<512xi32, #tpu.memory_space<vmem>>) semaphore(%arg7 : memref<!tpu.dma_semaphore, #tpu.memory_space<semaphore_mem>>)
        %dma_start3A_1403 = arith.constant 9 : i32
        %dma_start3A_1404 = arith.constant 0 : i32
        %dma_start3A_1405 = arith.constant 9 : i32
        %dma_start3A_1406 = arith.constant 0 : i32
        %dma_start3A_1407 = arith.constant 0 : i32
        %dma_start3A_1408 = tpu.memref_slice %arg6[%dma_start3A_1404, %dma_start3A_1406, %dma_start3A_1407] : memref<2x16x512xf32, #tpu.memory_space<vmem>> -> memref<1x16x512xf32, #tpu.memory_space<vmem>>
        %dma_start3A_1409 = tpu.memref_squeeze %dma_start3A_1408 : memref<1x16x512xf32, #tpu.memory_space<vmem>> -> memref<16x512xf32, #tpu.memory_space<vmem>>
        %dma_start3A_1410 = arith.constant 0 : i32
        %dma_start3A_1411 = tpu.memref_slice %dma_start3A_1409[%dma_start3A_1405, %dma_start3A_1410] : memref<16x512xf32, #tpu.memory_space<vmem>> -> memref<1x512xf32, #tpu.memory_space<vmem>>
        %dma_start3A_1412 = tpu.memref_squeeze %dma_start3A_1411 : memref<1x512xf32, #tpu.memory_space<vmem>> -> memref<512xf32, #tpu.memory_space<vmem>>
        %dma_start3A_1413 = arith.constant 0 : i32
        %dma_start3A_1414 = tpu.memref_slice %arg5[%div3A_1236, %rem3A_1240, %dma_start3A_1413] : memref<26x1x512xi32, #tpu.memory_space<vmem>> -> memref<1x1x512xi32, #tpu.memory_space<vmem>>
        %dma_start3A_1415 = tpu.memref_squeeze %dma_start3A_1414 : memref<1x1x512xi32, #tpu.memory_space<vmem>> -> memref<512xi32, #tpu.memory_space<vmem>>
        %dma_start3A_1416 = arith.constant 0 : i32
        %dma_start3A_1417 = tpu.memref_slice %arg2[%div3A_1236, %dma_start3A_1403, %dma_start3A_1416] : memref<26x16x100000xf32, #tpu.memory_space<hbm>> -> memref<1x1x100000xf32, #tpu.memory_space<hbm>>
        %dma_start3A_1418 = tpu.memref_squeeze %dma_start3A_1417 : memref<1x1x100000xf32, #tpu.memory_space<hbm>> -> memref<100000xf32, #tpu.memory_space<hbm>>
        %dma_start3A_1419 = arith.constant 0 : i32
        %dma_start3A_1420 = tpu.memref_slice %dma_start3A_1418[%dma_start3A_1419] : memref<100000xf32, #tpu.memory_space<hbm>> -> memref<100000xf32, #tpu.memory_space<hbm>>
        tpu.enqueue_indirect_dma source(%dma_start3A_1420 : memref<100000xf32, #tpu.memory_space<hbm>>) target(%dma_start3A_1412 : memref<512xf32, #tpu.memory_space<vmem>>) offsets(%dma_start3A_1415 : memref<512xi32, #tpu.memory_space<vmem>>) semaphore(%arg7 : memref<!tpu.dma_semaphore, #tpu.memory_space<semaphore_mem>>)
        %dma_start3A_1421 = arith.constant 10 : i32
        %dma_start3A_1422 = arith.constant 0 : i32
        %dma_start3A_1423 = arith.constant 10 : i32
        %dma_start3A_1424 = arith.constant 0 : i32
        %dma_start3A_1425 = arith.constant 0 : i32
        %dma_start3A_1426 = tpu.memref_slice %arg6[%dma_start3A_1422, %dma_start3A_1424, %dma_start3A_1425] : memref<2x16x512xf32, #tpu.memory_space<vmem>> -> memref<1x16x512xf32, #tpu.memory_space<vmem>>
        %dma_start3A_1427 = tpu.memref_squeeze %dma_start3A_1426 : memref<1x16x512xf32, #tpu.memory_space<vmem>> -> memref<16x512xf32, #tpu.memory_space<vmem>>
        %dma_start3A_1428 = arith.constant 0 : i32
        %dma_start3A_1429 = tpu.memref_slice %dma_start3A_1427[%dma_start3A_1423, %dma_start3A_1428] : memref<16x512xf32, #tpu.memory_space<vmem>> -> memref<1x512xf32, #tpu.memory_space<vmem>>
        %dma_start3A_1430 = tpu.memref_squeeze %dma_start3A_1429 : memref<1x512xf32, #tpu.memory_space<vmem>> -> memref<512xf32, #tpu.memory_space<vmem>>
        %dma_start3A_1431 = arith.constant 0 : i32
        %dma_start3A_1432 = tpu.memref_slice %arg5[%div3A_1236, %rem3A_1240, %dma_start3A_1431] : memref<26x1x512xi32, #tpu.memory_space<vmem>> -> memref<1x1x512xi32, #tpu.memory_space<vmem>>
        %dma_start3A_1433 = tpu.memref_squeeze %dma_start3A_1432 : memref<1x1x512xi32, #tpu.memory_space<vmem>> -> memref<512xi32, #tpu.memory_space<vmem>>
        %dma_start3A_1434 = arith.constant 0 : i32
        %dma_start3A_1435 = tpu.memref_slice %arg2[%div3A_1236, %dma_start3A_1421, %dma_start3A_1434] : memref<26x16x100000xf32, #tpu.memory_space<hbm>> -> memref<1x1x100000xf32, #tpu.memory_space<hbm>>
        %dma_start3A_1436 = tpu.memref_squeeze %dma_start3A_1435 : memref<1x1x100000xf32, #tpu.memory_space<hbm>> -> memref<100000xf32, #tpu.memory_space<hbm>>
        %dma_start3A_1437 = arith.constant 0 : i32
        %dma_start3A_1438 = tpu.memref_slice %dma_start3A_1436[%dma_start3A_1437] : memref<100000xf32, #tpu.memory_space<hbm>> -> memref<100000xf32, #tpu.memory_space<hbm>>
        tpu.enqueue_indirect_dma source(%dma_start3A_1438 : memref<100000xf32, #tpu.memory_space<hbm>>) target(%dma_start3A_1430 : memref<512xf32, #tpu.memory_space<vmem>>) offsets(%dma_start3A_1433 : memref<512xi32, #tpu.memory_space<vmem>>) semaphore(%arg7 : memref<!tpu.dma_semaphore, #tpu.memory_space<semaphore_mem>>)
        %dma_start3A_1439 = arith.constant 11 : i32
        %dma_start3A_1440 = arith.constant 0 : i32
        %dma_start3A_1441 = arith.constant 11 : i32
        %dma_start3A_1442 = arith.constant 0 : i32
        %dma_start3A_1443 = arith.constant 0 : i32
        %dma_start3A_1444 = tpu.memref_slice %arg6[%dma_start3A_1440, %dma_start3A_1442, %dma_start3A_1443] : memref<2x16x512xf32, #tpu.memory_space<vmem>> -> memref<1x16x512xf32, #tpu.memory_space<vmem>>
        %dma_start3A_1445 = tpu.memref_squeeze %dma_start3A_1444 : memref<1x16x512xf32, #tpu.memory_space<vmem>> -> memref<16x512xf32, #tpu.memory_space<vmem>>
        %dma_start3A_1446 = arith.constant 0 : i32
        %dma_start3A_1447 = tpu.memref_slice %dma_start3A_1445[%dma_start3A_1441, %dma_start3A_1446] : memref<16x512xf32, #tpu.memory_space<vmem>> -> memref<1x512xf32, #tpu.memory_space<vmem>>
        %dma_start3A_1448 = tpu.memref_squeeze %dma_start3A_1447 : memref<1x512xf32, #tpu.memory_space<vmem>> -> memref<512xf32, #tpu.memory_space<vmem>>
        %dma_start3A_1449 = arith.constant 0 : i32
        %dma_start3A_1450 = tpu.memref_slice %arg5[%div3A_1236, %rem3A_1240, %dma_start3A_1449] : memref<26x1x512xi32, #tpu.memory_space<vmem>> -> memref<1x1x512xi32, #tpu.memory_space<vmem>>
        %dma_start3A_1451 = tpu.memref_squeeze %dma_start3A_1450 : memref<1x1x512xi32, #tpu.memory_space<vmem>> -> memref<512xi32, #tpu.memory_space<vmem>>
        %dma_start3A_1452 = arith.constant 0 : i32
        %dma_start3A_1453 = tpu.memref_slice %arg2[%div3A_1236, %dma_start3A_1439, %dma_start3A_1452] : memref<26x16x100000xf32, #tpu.memory_space<hbm>> -> memref<1x1x100000xf32, #tpu.memory_space<hbm>>
        %dma_start3A_1454 = tpu.memref_squeeze %dma_start3A_1453 : memref<1x1x100000xf32, #tpu.memory_space<hbm>> -> memref<100000xf32, #tpu.memory_space<hbm>>
        %dma_start3A_1455 = arith.constant 0 : i32
        %dma_start3A_1456 = tpu.memref_slice %dma_start3A_1454[%dma_start3A_1455] : memref<100000xf32, #tpu.memory_space<hbm>> -> memref<100000xf32, #tpu.memory_space<hbm>>
        tpu.enqueue_indirect_dma source(%dma_start3A_1456 : memref<100000xf32, #tpu.memory_space<hbm>>) target(%dma_start3A_1448 : memref<512xf32, #tpu.memory_space<vmem>>) offsets(%dma_start3A_1451 : memref<512xi32, #tpu.memory_space<vmem>>) semaphore(%arg7 : memref<!tpu.dma_semaphore, #tpu.memory_space<semaphore_mem>>)
        %dma_start3A_1457 = arith.constant 12 : i32
        %dma_start3A_1458 = arith.constant 0 : i32
        %dma_start3A_1459 = arith.constant 12 : i32
        %dma_start3A_1460 = arith.constant 0 : i32
        %dma_start3A_1461 = arith.constant 0 : i32
        %dma_start3A_1462 = tpu.memref_slice %arg6[%dma_start3A_1458, %dma_start3A_1460, %dma_start3A_1461] : memref<2x16x512xf32, #tpu.memory_space<vmem>> -> memref<1x16x512xf32, #tpu.memory_space<vmem>>
        %dma_start3A_1463 = tpu.memref_squeeze %dma_start3A_1462 : memref<1x16x512xf32, #tpu.memory_space<vmem>> -> memref<16x512xf32, #tpu.memory_space<vmem>>
        %dma_start3A_1464 = arith.constant 0 : i32
        %dma_start3A_1465 = tpu.memref_slice %dma_start3A_1463[%dma_start3A_1459, %dma_start3A_1464] : memref<16x512xf32, #tpu.memory_space<vmem>> -> memref<1x512xf32, #tpu.memory_space<vmem>>
        %dma_start3A_1466 = tpu.memref_squeeze %dma_start3A_1465 : memref<1x512xf32, #tpu.memory_space<vmem>> -> memref<512xf32, #tpu.memory_space<vmem>>
        %dma_start3A_1467 = arith.constant 0 : i32
        %dma_start3A_1468 = tpu.memref_slice %arg5[%div3A_1236, %rem3A_1240, %dma_start3A_1467] : memref<26x1x512xi32, #tpu.memory_space<vmem>> -> memref<1x1x512xi32, #tpu.memory_space<vmem>>
        %dma_start3A_1469 = tpu.memref_squeeze %dma_start3A_1468 : memref<1x1x512xi32, #tpu.memory_space<vmem>> -> memref<512xi32, #tpu.memory_space<vmem>>
        %dma_start3A_1470 = arith.constant 0 : i32
        %dma_start3A_1471 = tpu.memref_slice %arg2[%div3A_1236, %dma_start3A_1457, %dma_start3A_1470] : memref<26x16x100000xf32, #tpu.memory_space<hbm>> -> memref<1x1x100000xf32, #tpu.memory_space<hbm>>
        %dma_start3A_1472 = tpu.memref_squeeze %dma_start3A_1471 : memref<1x1x100000xf32, #tpu.memory_space<hbm>> -> memref<100000xf32, #tpu.memory_space<hbm>>
        %dma_start3A_1473 = arith.constant 0 : i32
        %dma_start3A_1474 = tpu.memref_slice %dma_start3A_1472[%dma_start3A_1473] : memref<100000xf32, #tpu.memory_space<hbm>> -> memref<100000xf32, #tpu.memory_space<hbm>>
        tpu.enqueue_indirect_dma source(%dma_start3A_1474 : memref<100000xf32, #tpu.memory_space<hbm>>) target(%dma_start3A_1466 : memref<512xf32, #tpu.memory_space<vmem>>) offsets(%dma_start3A_1469 : memref<512xi32, #tpu.memory_space<vmem>>) semaphore(%arg7 : memref<!tpu.dma_semaphore, #tpu.memory_space<semaphore_mem>>)
        %dma_start3A_1475 = arith.constant 13 : i32
        %dma_start3A_1476 = arith.constant 0 : i32
        %dma_start3A_1477 = arith.constant 13 : i32
        %dma_start3A_1478 = arith.constant 0 : i32
        %dma_start3A_1479 = arith.constant 0 : i32
        %dma_start3A_1480 = tpu.memref_slice %arg6[%dma_start3A_1476, %dma_start3A_1478, %dma_start3A_1479] : memref<2x16x512xf32, #tpu.memory_space<vmem>> -> memref<1x16x512xf32, #tpu.memory_space<vmem>>
        %dma_start3A_1481 = tpu.memref_squeeze %dma_start3A_1480 : memref<1x16x512xf32, #tpu.memory_space<vmem>> -> memref<16x512xf32, #tpu.memory_space<vmem>>
        %dma_start3A_1482 = arith.constant 0 : i32
        %dma_start3A_1483 = tpu.memref_slice %dma_start3A_1481[%dma_start3A_1477, %dma_start3A_1482] : memref<16x512xf32, #tpu.memory_space<vmem>> -> memref<1x512xf32, #tpu.memory_space<vmem>>
        %dma_start3A_1484 = tpu.memref_squeeze %dma_start3A_1483 : memref<1x512xf32, #tpu.memory_space<vmem>> -> memref<512xf32, #tpu.memory_space<vmem>>
        %dma_start3A_1485 = arith.constant 0 : i32
        %dma_start3A_1486 = tpu.memref_slice %arg5[%div3A_1236, %rem3A_1240, %dma_start3A_1485] : memref<26x1x512xi32, #tpu.memory_space<vmem>> -> memref<1x1x512xi32, #tpu.memory_space<vmem>>
        %dma_start3A_1487 = tpu.memref_squeeze %dma_start3A_1486 : memref<1x1x512xi32, #tpu.memory_space<vmem>> -> memref<512xi32, #tpu.memory_space<vmem>>
        %dma_start3A_1488 = arith.constant 0 : i32
        %dma_start3A_1489 = tpu.memref_slice %arg2[%div3A_1236, %dma_start3A_1475, %dma_start3A_1488] : memref<26x16x100000xf32, #tpu.memory_space<hbm>> -> memref<1x1x100000xf32, #tpu.memory_space<hbm>>
        %dma_start3A_1490 = tpu.memref_squeeze %dma_start3A_1489 : memref<1x1x100000xf32, #tpu.memory_space<hbm>> -> memref<100000xf32, #tpu.memory_space<hbm>>
        %dma_start3A_1491 = arith.constant 0 : i32
        %dma_start3A_1492 = tpu.memref_slice %dma_start3A_1490[%dma_start3A_1491] : memref<100000xf32, #tpu.memory_space<hbm>> -> memref<100000xf32, #tpu.memory_space<hbm>>
        tpu.enqueue_indirect_dma source(%dma_start3A_1492 : memref<100000xf32, #tpu.memory_space<hbm>>) target(%dma_start3A_1484 : memref<512xf32, #tpu.memory_space<vmem>>) offsets(%dma_start3A_1487 : memref<512xi32, #tpu.memory_space<vmem>>) semaphore(%arg7 : memref<!tpu.dma_semaphore, #tpu.memory_space<semaphore_mem>>)
        %dma_start3A_1493 = arith.constant 14 : i32
        %dma_start3A_1494 = arith.constant 0 : i32
        %dma_start3A_1495 = arith.constant 14 : i32
        %dma_start3A_1496 = arith.constant 0 : i32
        %dma_start3A_1497 = arith.constant 0 : i32
        %dma_start3A_1498 = tpu.memref_slice %arg6[%dma_start3A_1494, %dma_start3A_1496, %dma_start3A_1497] : memref<2x16x512xf32, #tpu.memory_space<vmem>> -> memref<1x16x512xf32, #tpu.memory_space<vmem>>
        %dma_start3A_1499 = tpu.memref_squeeze %dma_start3A_1498 : memref<1x16x512xf32, #tpu.memory_space<vmem>> -> memref<16x512xf32, #tpu.memory_space<vmem>>
        %dma_start3A_1500 = arith.constant 0 : i32
        %dma_start3A_1501 = tpu.memref_slice %dma_start3A_1499[%dma_start3A_1495, %dma_start3A_1500] : memref<16x512xf32, #tpu.memory_space<vmem>> -> memref<1x512xf32, #tpu.memory_space<vmem>>
        %dma_start3A_1502 = tpu.memref_squeeze %dma_start3A_1501 : memref<1x512xf32, #tpu.memory_space<vmem>> -> memref<512xf32, #tpu.memory_space<vmem>>
        %dma_start3A_1503 = arith.constant 0 : i32
        %dma_start3A_1504 = tpu.memref_slice %arg5[%div3A_1236, %rem3A_1240, %dma_start3A_1503] : memref<26x1x512xi32, #tpu.memory_space<vmem>> -> memref<1x1x512xi32, #tpu.memory_space<vmem>>
        %dma_start3A_1505 = tpu.memref_squeeze %dma_start3A_1504 : memref<1x1x512xi32, #tpu.memory_space<vmem>> -> memref<512xi32, #tpu.memory_space<vmem>>
        %dma_start3A_1506 = arith.constant 0 : i32
        %dma_start3A_1507 = tpu.memref_slice %arg2[%div3A_1236, %dma_start3A_1493, %dma_start3A_1506] : memref<26x16x100000xf32, #tpu.memory_space<hbm>> -> memref<1x1x100000xf32, #tpu.memory_space<hbm>>
        %dma_start3A_1508 = tpu.memref_squeeze %dma_start3A_1507 : memref<1x1x100000xf32, #tpu.memory_space<hbm>> -> memref<100000xf32, #tpu.memory_space<hbm>>
        %dma_start3A_1509 = arith.constant 0 : i32
        %dma_start3A_1510 = tpu.memref_slice %dma_start3A_1508[%dma_start3A_1509] : memref<100000xf32, #tpu.memory_space<hbm>> -> memref<100000xf32, #tpu.memory_space<hbm>>
        tpu.enqueue_indirect_dma source(%dma_start3A_1510 : memref<100000xf32, #tpu.memory_space<hbm>>) target(%dma_start3A_1502 : memref<512xf32, #tpu.memory_space<vmem>>) offsets(%dma_start3A_1505 : memref<512xi32, #tpu.memory_space<vmem>>) semaphore(%arg7 : memref<!tpu.dma_semaphore, #tpu.memory_space<semaphore_mem>>)
        %dma_start3A_1511 = arith.constant 15 : i32
        %dma_start3A_1512 = arith.constant 0 : i32
        %dma_start3A_1513 = arith.constant 15 : i32
        %dma_start3A_1514 = arith.constant 0 : i32
        %dma_start3A_1515 = arith.constant 0 : i32
        %dma_start3A_1516 = tpu.memref_slice %arg6[%dma_start3A_1512, %dma_start3A_1514, %dma_start3A_1515] : memref<2x16x512xf32, #tpu.memory_space<vmem>> -> memref<1x16x512xf32, #tpu.memory_space<vmem>>
        %dma_start3A_1517 = tpu.memref_squeeze %dma_start3A_1516 : memref<1x16x512xf32, #tpu.memory_space<vmem>> -> memref<16x512xf32, #tpu.memory_space<vmem>>
        %dma_start3A_1518 = arith.constant 0 : i32
        %dma_start3A_1519 = tpu.memref_slice %dma_start3A_1517[%dma_start3A_1513, %dma_start3A_1518] : memref<16x512xf32, #tpu.memory_space<vmem>> -> memref<1x512xf32, #tpu.memory_space<vmem>>
        %dma_start3A_1520 = tpu.memref_squeeze %dma_start3A_1519 : memref<1x512xf32, #tpu.memory_space<vmem>> -> memref<512xf32, #tpu.memory_space<vmem>>
        %dma_start3A_1521 = arith.constant 0 : i32
        %dma_start3A_1522 = tpu.memref_slice %arg5[%div3A_1236, %rem3A_1240, %dma_start3A_1521] : memref<26x1x512xi32, #tpu.memory_space<vmem>> -> memref<1x1x512xi32, #tpu.memory_space<vmem>>
        %dma_start3A_1523 = tpu.memref_squeeze %dma_start3A_1522 : memref<1x1x512xi32, #tpu.memory_space<vmem>> -> memref<512xi32, #tpu.memory_space<vmem>>
        %dma_start3A_1524 = arith.constant 0 : i32
        %dma_start3A_1525 = tpu.memref_slice %arg2[%div3A_1236, %dma_start3A_1511, %dma_start3A_1524] : memref<26x16x100000xf32, #tpu.memory_space<hbm>> -> memref<1x1x100000xf32, #tpu.memory_space<hbm>>
        %dma_start3A_1526 = tpu.memref_squeeze %dma_start3A_1525 : memref<1x1x100000xf32, #tpu.memory_space<hbm>> -> memref<100000xf32, #tpu.memory_space<hbm>>
        %dma_start3A_1527 = arith.constant 0 : i32
        %dma_start3A_1528 = tpu.memref_slice %dma_start3A_1526[%dma_start3A_1527] : memref<100000xf32, #tpu.memory_space<hbm>> -> memref<100000xf32, #tpu.memory_space<hbm>>
        tpu.enqueue_indirect_dma source(%dma_start3A_1528 : memref<100000xf32, #tpu.memory_space<hbm>>) target(%dma_start3A_1520 : memref<512xf32, #tpu.memory_space<vmem>>) offsets(%dma_start3A_1523 : memref<512xi32, #tpu.memory_space<vmem>>) semaphore(%arg7 : memref<!tpu.dma_semaphore, #tpu.memory_space<semaphore_mem>>)
      } else {
      }
      %mul3A_1228 = arith.constant 512 : i32
      %mul3A_1229 = arith.muli %rem3A_359, %mul3A_1228 : i32
      %add3A_1230 = arith.addi %mul3A_2, %mul3A_1229 : i32
      %run_scoped3A_1231 = arith.constant 1 : i32
      "tpu.region"() ({
        %run_scoped3A_1233 = tpu.sem_alloc : memref<!tpu.dma_semaphore, #tpu.memory_space<semaphore_mem>>
        %dma_start3A_1234 = arith.constant 0 : i32
        %dma_start3A_1235 = arith.constant 0 : i32
        %dma_start3A_1236 = tpu.memref_slice %arg6[%run_scoped3A_1231, %dma_start3A_1234, %dma_start3A_1235] : memref<2x16x512xf32, #tpu.memory_space<vmem>> -> memref<1x16x512xf32, #tpu.memory_space<vmem>>
        %dma_start3A_1237 = tpu.memref_squeeze %dma_start3A_1236 : memref<1x16x512xf32, #tpu.memory_space<vmem>> -> memref<16x512xf32, #tpu.memory_space<vmem>>
        %dma_start3A_1238 = arith.constant 0 : i32
        %dma_start3A_1239 = tpu.memref_slice %arg4[%div3A_355, %dma_start3A_1238, %add3A_1230] : memref<26x16x16384xf32, #tpu.memory_space<hbm>> -> memref<1x16x512xf32, #tpu.memory_space<hbm>>
        %dma_start3A_1240 = tpu.memref_squeeze %dma_start3A_1239 : memref<1x16x512xf32, #tpu.memory_space<hbm>> -> memref<16x512xf32, #tpu.memory_space<hbm>>
        %dma_start3A_1241 = arith.constant 0 : i32
        %dma_start3A_1242 = tpu.memref_slice %arg4[%div3A_355, %dma_start3A_1241, %add3A_1230] : memref<26x16x16384xf32, #tpu.memory_space<hbm>> -> memref<1x16x512xf32, #tpu.memory_space<hbm>>
        %dma_start3A_1243 = tpu.memref_squeeze %dma_start3A_1242 : memref<1x16x512xf32, #tpu.memory_space<hbm>> -> memref<16x512xf32, #tpu.memory_space<hbm>>
        %dma_start3A_1244 = arith.constant 0 : i32
        %dma_start3A_1245 = arith.constant 0 : i32
        %dma_start3A_1246 = tpu.memref_slice %arg6[%run_scoped3A_1231, %dma_start3A_1244, %dma_start3A_1245] : memref<2x16x512xf32, #tpu.memory_space<vmem>> -> memref<1x16x512xf32, #tpu.memory_space<vmem>>
        %dma_start3A_1247 = tpu.memref_squeeze %dma_start3A_1246 : memref<1x16x512xf32, #tpu.memory_space<vmem>> -> memref<16x512xf32, #tpu.memory_space<vmem>>
        tpu.enqueue_dma source(%dma_start3A_1247 : memref<16x512xf32, #tpu.memory_space<vmem>>) target(%dma_start3A_1243 : memref<16x512xf32, #tpu.memory_space<hbm>>) target_semaphore(%run_scoped3A_1233 : memref<!tpu.dma_semaphore, #tpu.memory_space<semaphore_mem>>)
        %dma_wait3A_1248 = arith.constant 0 : i32
        %dma_wait3A_1249 = arith.constant 0 : i32
        %dma_wait3A_1250 = tpu.memref_slice %arg6[%run_scoped3A_1231, %dma_wait3A_1248, %dma_wait3A_1249] : memref<2x16x512xf32, #tpu.memory_space<vmem>> -> memref<1x16x512xf32, #tpu.memory_space<vmem>>
        %dma_wait3A_1251 = tpu.memref_squeeze %dma_wait3A_1250 : memref<1x16x512xf32, #tpu.memory_space<vmem>> -> memref<16x512xf32, #tpu.memory_space<vmem>>
        %dma_wait3A_1252 = arith.constant 0 : i32
        %dma_wait3A_1253 = tpu.memref_slice %arg4[%div3A_355, %dma_wait3A_1252, %add3A_1230] : memref<26x16x16384xf32, #tpu.memory_space<hbm>> -> memref<1x16x512xf32, #tpu.memory_space<hbm>>
        %dma_wait3A_1254 = tpu.memref_squeeze %dma_wait3A_1253 : memref<1x16x512xf32, #tpu.memory_space<hbm>> -> memref<16x512xf32, #tpu.memory_space<hbm>>
        %dma_wait3A_1255 = arith.constant 0 : i32
        %dma_wait3A_1256 = tpu.memref_slice %arg4[%div3A_355, %dma_wait3A_1255, %add3A_1230] : memref<26x16x16384xf32, #tpu.memory_space<hbm>> -> memref<1x16x512xf32, #tpu.memory_space<hbm>>
        %dma_wait3A_1257 = tpu.memref_squeeze %dma_wait3A_1256 : memref<1x16x512xf32, #tpu.memory_space<hbm>> -> memref<16x512xf32, #tpu.memory_space<hbm>>
        %dma_wait3A_1258 = arith.constant 0 : i32
        %dma_wait3A_1259 = arith.constant 0 : i32
        %dma_wait3A_1260 = tpu.memref_slice %arg6[%run_scoped3A_1231, %dma_wait3A_1258, %dma_wait3A_1259] : memref<2x16x512xf32, #tpu.memory_space<vmem>> -> memref<1x16x512xf32, #tpu.memory_space<vmem>>
        %dma_wait3A_1261 = tpu.memref_squeeze %dma_wait3A_1260 : memref<1x16x512xf32, #tpu.memory_space<vmem>> -> memref<16x512xf32, #tpu.memory_space<vmem>>
        tpu.wait_dma2 semaphore(%run_scoped3A_1233 : memref<!tpu.dma_semaphore, #tpu.memory_space<semaphore_mem>>) src(%dma_wait3A_1261 : memref<16x512xf32, #tpu.memory_space<vmem>>) dst(%dma_wait3A_1257 : memref<16x512xf32, #tpu.memory_space<hbm>>)
        tpu.yield
      }) : () -> ()
      %scan3A_1232 = arith.constant 0 : i32
      scf.yield %scan3A_1232 : i32
    }
    %scan3A_345 = arith.constant 13 : i32
    return
  }
}

module attributes {stable_mosaic.version = 14 : i64} {
  func.func @_mlp_body(%arg0: i32, %arg1: memref<416x2048xf32, #tpu.memory_space<vmem>>, %arg2: memref<128x416xf32, #tpu.memory_space<vmem>>, %arg3: memref<128x1xf32, #tpu.memory_space<vmem>>, %arg4: memref<64x128xf32, #tpu.memory_space<vmem>>, %arg5: memref<64x1xf32, #tpu.memory_space<vmem>>, %arg6: memref<1x64xf32, #tpu.memory_space<vmem>>, %arg7: memref<1x1xf32, #tpu.memory_space<vmem>>, %arg8: memref<1x2048xf32, #tpu.memory_space<vmem>>) attributes {dimension_semantics = [#tpu.dimension_semantics<arbitrary>], iteration_bounds = array<i64: 8>, scalar_prefetch = 0 : i64, scratch_operands = 0 : i64, tpu.core_type = #tpu.core_type<tc>, window_params = [{transform_indices = @transform_0, window_bounds = array<i64: 416, 2048>}, {pipeline_mode = #tpu.pipeline_mode<synchronous>, transform_indices = @transform_1, window_bounds = array<i64: 128, 416>}, {pipeline_mode = #tpu.pipeline_mode<synchronous>, transform_indices = @transform_2, window_bounds = array<i64: 128, 1>}, {pipeline_mode = #tpu.pipeline_mode<synchronous>, transform_indices = @transform_3, window_bounds = array<i64: 64, 128>}, {pipeline_mode = #tpu.pipeline_mode<synchronous>, transform_indices = @transform_4, window_bounds = array<i64: 64, 1>}, {pipeline_mode = #tpu.pipeline_mode<synchronous>, transform_indices = @transform_5, window_bounds = array<i64: 1, 64>}, {pipeline_mode = #tpu.pipeline_mode<synchronous>, transform_indices = @transform_6, window_bounds = array<i64: 1, 1>}, {transform_indices = @transform_7, window_bounds = array<i64: 1, 2048>}]} {
    %get3A = arith.constant 0 : index
    %get3A_0 = arith.constant 0 : index
    %get3A_1 = vector.load %arg2[%get3A, %get3A_0] : memref<128x416xf32, #tpu.memory_space<vmem>>, vector<128x416xf32>
    %get3A_2 = arith.constant 0 : index
    %get3A_3 = arith.constant 0 : index
    %get3A_4 = vector.load %arg1[%get3A_2, %get3A_3] : memref<416x2048xf32, #tpu.memory_space<vmem>>, vector<416x2048xf32>
    %dot_general3A = arith.constant dense<0.000000e+00> : vector<128x2048xf32>
    %dot_general3A_5 = tpu.matmul %get3A_1, %get3A_4, %dot_general3A {dimension_numbers = #tpu.dot_dimension_numbers<[1], [0], [0], [1], [0, 0, 1, 1], [], []>, transpose_lhs_hint = false} : vector<128x416xf32>, vector<416x2048xf32>, vector<128x2048xf32> -> vector<128x2048xf32>
    %get3A_6 = arith.constant 0 : index
    %get3A_7 = arith.constant 0 : index
    %get3A_8 = vector.load %arg3[%get3A_6, %get3A_7] : memref<128x1xf32, #tpu.memory_space<vmem>>, vector<128x1xf32>
    %add3A = vector.broadcast %get3A_8 : vector<128x1xf32> to vector<128x2048xf32>
    %add3A_9 = arith.addf %dot_general3A_5, %add3A : vector<128x2048xf32>
    %max3A = arith.constant 0.000000e+00 : f32
    %max3A_10 = vector.broadcast %max3A : f32 to vector<128x2048xf32>
    %max3A_11 = arith.maximumf %add3A_9, %max3A_10 : vector<128x2048xf32>
    %get3A_12 = arith.constant 0 : index
    %get3A_13 = arith.constant 0 : index
    %get3A_14 = vector.load %arg4[%get3A_12, %get3A_13] : memref<64x128xf32, #tpu.memory_space<vmem>>, vector<64x128xf32>
    %dot_general3A_15 = arith.constant dense<0.000000e+00> : vector<64x2048xf32>
    %dot_general3A_16 = tpu.matmul %get3A_14, %max3A_11, %dot_general3A_15 {dimension_numbers = #tpu.dot_dimension_numbers<[1], [0], [0], [1], [0, 0, 1, 1], [], []>, transpose_lhs_hint = false} : vector<64x128xf32>, vector<128x2048xf32>, vector<64x2048xf32> -> vector<64x2048xf32>
    %get3A_17 = arith.constant 0 : index
    %get3A_18 = arith.constant 0 : index
    %get3A_19 = vector.load %arg5[%get3A_17, %get3A_18] : memref<64x1xf32, #tpu.memory_space<vmem>>, vector<64x1xf32>
    %add3A_20 = vector.broadcast %get3A_19 : vector<64x1xf32> to vector<64x2048xf32>
    %add3A_21 = arith.addf %dot_general3A_16, %add3A_20 : vector<64x2048xf32>
    %max3A_22 = arith.constant 0.000000e+00 : f32
    %max3A_23 = vector.broadcast %max3A_22 : f32 to vector<64x2048xf32>
    %max3A_24 = arith.maximumf %add3A_21, %max3A_23 : vector<64x2048xf32>
    %get3A_25 = arith.constant 0 : index
    %get3A_26 = arith.constant 0 : index
    %get3A_27 = vector.load %arg6[%get3A_25, %get3A_26] : memref<1x64xf32, #tpu.memory_space<vmem>>, vector<1x64xf32>
    %dot_general3A_28 = arith.constant dense<0.000000e+00> : vector<1x2048xf32>
    %dot_general3A_29 = tpu.matmul %get3A_27, %max3A_24, %dot_general3A_28 {dimension_numbers = #tpu.dot_dimension_numbers<[1], [0], [0], [1], [0, 0, 1, 1], [], []>, transpose_lhs_hint = false} : vector<1x64xf32>, vector<64x2048xf32>, vector<1x2048xf32> -> vector<1x2048xf32>
    %get3A_30 = arith.constant 0 : index
    %get3A_31 = arith.constant 0 : index
    %get3A_32 = vector.load %arg7[%get3A_30, %get3A_31] : memref<1x1xf32, #tpu.memory_space<vmem>>, vector<1x1xf32>
    %add3A_33 = vector.broadcast %get3A_32 : vector<1x1xf32> to vector<1x2048xf32>
    %add3A_34 = arith.addf %dot_general3A_29, %add3A_33 : vector<1x2048xf32>
    %swap3A = arith.constant 0 : index
    %swap3A_35 = arith.constant 0 : index
    %swap3A_36 = vector.load %arg8[%swap3A, %swap3A_35] : memref<1x2048xf32, #tpu.memory_space<vmem>>, vector<1x2048xf32>
    tpu.vector_store %arg8[%swap3A, %swap3A_35], %add3A_34 {strides = array<i32>} : memref<1x2048xf32, #tpu.memory_space<vmem>>, vector<1x2048xf32>,
    return
  }
  func.func @transform_0(%arg0: i32) -> (i32, i32) {
    %c0_i32 = arith.constant 0 : i32
    %c0_i32_0 = arith.constant 0 : i32
    return %c0_i32, %arg0 : i32, i32
  }
  func.func @transform_1(%arg0: i32) -> (i32, i32) {
    %c0_i32 = arith.constant 0 : i32
    %c0_i32_0 = arith.constant 0 : i32
    %c0_i32_1 = arith.constant 0 : i32
    return %c0_i32, %c0_i32_0 : i32, i32
  }
  func.func @transform_2(%arg0: i32) -> (i32, i32) {
    %c0_i32 = arith.constant 0 : i32
    %c0_i32_0 = arith.constant 0 : i32
    %c0_i32_1 = arith.constant 0 : i32
    return %c0_i32, %c0_i32_0 : i32, i32
  }
  func.func @transform_3(%arg0: i32) -> (i32, i32) {
    %c0_i32 = arith.constant 0 : i32
    %c0_i32_0 = arith.constant 0 : i32
    %c0_i32_1 = arith.constant 0 : i32
    return %c0_i32, %c0_i32_0 : i32, i32
  }
  func.func @transform_4(%arg0: i32) -> (i32, i32) {
    %c0_i32 = arith.constant 0 : i32
    %c0_i32_0 = arith.constant 0 : i32
    %c0_i32_1 = arith.constant 0 : i32
    return %c0_i32, %c0_i32_0 : i32, i32
  }
  func.func @transform_5(%arg0: i32) -> (i32, i32) {
    %c0_i32 = arith.constant 0 : i32
    %c0_i32_0 = arith.constant 0 : i32
    %c0_i32_1 = arith.constant 0 : i32
    return %c0_i32, %c0_i32_0 : i32, i32
  }
  func.func @transform_6(%arg0: i32) -> (i32, i32) {
    %c0_i32 = arith.constant 0 : i32
    %c0_i32_0 = arith.constant 0 : i32
    %c0_i32_1 = arith.constant 0 : i32
    return %c0_i32, %c0_i32_0 : i32, i32
  }
  func.func @transform_7(%arg0: i32) -> (i32, i32) {
    %c0_i32 = arith.constant 0 : i32
    %c0_i32_0 = arith.constant 0 : i32
    return %c0_i32, %arg0 : i32, i32
  }
}

</mosaic_0001>

<sc_bundles>
// kernel: kernel.4.cloned.1.call-start
scs
__scs_entry_jumppad:
0x0: {  	(pc) =	sbr.rel $0x88, $3  }
0x1: {  	(tag) =	ssettag $0x0;
	lr =	simm.s32 $0x1  }
0x2: {  	[smem:$0x3F99] =	sst lr;
	_ =	strace $0xD0000000  }
0x3: {  	_ = 	snop  }
0x4: {  	_ = 	snop  }
0x5: {  	_ = 	snop  }
0x6: {  	_ = 	snop  }
0x7: {  	_ = 	snop  }
__scs_overlays_trampoline_lowered:
0x8: {  	[smem:$0x3FA8] =	sst s0  }
0x9: {  	[smem:$0x3FA9] =	sst s1  }
0xa: {  	[smem:$0x3FAA] =	sst s2  }
0xb: {  	[smem:$0x3FAB] =	sst s3  }
0xc: {  	[smem:$0x3FAC] =	sst s4  }
0xd: {  	[smem:$0x3FAD] =	sst s5  }
0xe: {  	[smem:$0x3FAE] =	sst s6  }
0xf: {  	[smem:$0x3FAF] =	sst s7  }
0x10: {  	[smem:$0x3FB0] =	sst s8  }
0x11: {  	[smem:$0x3FB1] =	sst s9;
	s0 =	simm.s32 @!p0 $0x0  }
0x12: {  	s1 =	sld [smem:$0x3F97];
	s0 =	simm.s32 @p0 $0x1  }
0x13: {  	[smem:$0x3FB2] =	sst s0;
	s0 =	simm.s32 @!p1 $0x0  }
0x14: {  	s2 =	sld [smem:$0x3F96];
	s0 =	simm.s32 @p1 $0x1  }
0x15: {  	[smem:$0x3FB3] =	sst s0;
	s0 =	simm.s32 @!p2 $0x0  }
0x16: {  	s3 =	sld [smem:$0x3FDB];
	s0 =	simm.s32 @p2 $0x1  }
0x17: {  	s4 =	simm.s32 $0x1BF5;
	[smem:$0x3FB5] =	sst s0  }
0x18: {  	s0 =	sld [smem:$0x3F98];
	_ =	swait.ge [sflag:s4], $0x0  }
0x19: {  	s7 =	sld [smem:$0x3F99]  }
0x1a: {  	s8 =	sadd.s32 $0xFFFFE003, lr  }
0x1b: {  	s9 =	sadd.s32 $0xFFFFFEF7, lr;
	s5 =	simm.s32 $0xFFFFFFFF;
	p2 =	slt.u32 s8, $0xFFFFF086  }
0x1c: {  	p1 =	slt.u32 s9, $0xF7A;
	s5 =	simm.s32 @!p2 $0x0  }
0x1d: {  	s5 =	simm.s32 @p1 $0x1;
	p0 =	seq.s32 s7, s2  }
0x1e: {  	s7 =	smul.u32 @!p0 $0xF7A, s2;
	p2 =	seq.s32 @!p0 s5, $0x0  }
0x1f: {  	s9 =	smul.u32 $0xF7A, s1;
	s8 =	simm.s32 @!p0 $0x1BF5;
	p2 =	por !p2, p0  }
0x20: {  	[sflag:s8] =	ssyncset.s32 @!p0 $0xFFFFF086;
	s6 =	sadd.s32 @!p0 s3, s7;
	s7 =	simm.s32 @!p0 $0x108  }
0x21: {  	s3 =	sadd.s32 s3, s9;
	s6 =	sadd.s32 @!p0 $0x88, s6;
	s7 =	simm.s32 @p2 $0x1082  }
0x22: {  	[simem:s7], [sflag:s8] =	dma.local @!p0 [hbm:s6], $0xF7A  }
0x23: {  	s9 =	sor.u32 $0xD0000000, s2;
	s6 =	simm.s32 $0x108;
	_ =	swait.ge @!p0 [sflag:s8], $0x0  }
0x24: {  	s3 =	sadd.s32 $0x88, s3;
	s6 =	simm.s32 @!p1 $0x1082;
	[sflag:s4] =	ssyncset.s32 $0xFFFFF086  }
0x25: {  	[simem:s6], [sflag:s4] =	dma.local [hbm:s3], $0xF7A  }
0x26: {  	[smem:$0x3F99] =	sst s1;
	(tag) =	ssettag s2;
	_ =	strace s9  }
0x27: {  	s1 =	sld [smem:$0x3FA9]  }
0x28: {  	s2 =	sld [smem:$0x3FAA]  }
0x29: {  	s4 =	sld [smem:$0x3FAC]  }
0x2a: {  	p0 =	seq.s32 s5, $0x0;
	s5 =	sld [smem:$0x3FAD]  }
0x2b: {  	s6 =	sld [smem:$0x3FAE]  }
0x2c: {  	s7 =	sld [smem:$0x3FAF]  }
0x2d: {  	s3 =	simm.s32 $0x108;
	s8 =	sld [smem:$0x3FB0]  }
0x2e: {  	s3 =	simm.s32 @!p0 $0x1082;
	s9 =	sld [smem:$0x3FB1]  }
0x2f: {  	lr =	sadd.s32 s0, s3;
	s0 =	sld [smem:$0x3FA8]  }
0x30: {  	s3 =	sld [smem:$0x3FAB]  }
0x31: {  	[smem:$0x3FB4] =	sst s10  }
0x32: {  	s10 =	sld [smem:$0x3FB2];
	_ =	sdelay $0x3  }
0x33: {  	p0 =	seq.s32 s10, $0x1;
	s10 =	sld [smem:$0x3FB4];
	_ =	sdelay $0x3  }
0x34: {  	[smem:$0x3FB4] =	sst s10  }
0x35: {  	s10 =	sld [smem:$0x3FB3];
	_ =	sdelay $0x3  }
0x36: {  	p1 =	seq.s32 s10, $0x1;
	s10 =	sld [smem:$0x3FB4];
	_ =	sdelay $0x3  }
0x37: {  	[smem:$0x3FB4] =	sst s10  }
0x38: {  	s10 =	sld [smem:$0x3FB5]  }
0x39: {  	_ = 	snop;
	(pc) =	sbr.ind lr, $3  }
0x3a: {  	_ = 	snop  }
0x3b: {  	_ = 	snop  }
0x3c: {  	p2 =	seq.s32 s10, $0x1;
	s10 =	sld [smem:$0x3FB4]  }
0x3d: {  	_ =	shalt  }
0x3e: {  	_ =	shalt  }
0x3f: {  	_ =	shalt  }
0x40: {  	_ =	shalt  }
0x41: {  	_ =	shalt  }
0x42: {  	_ =	shalt  }
0x43: {  	_ =	shalt  }
0x44: {  	_ =	shalt  }
0x45: {  	_ =	shalt  }
0x46: {  	_ =	shalt  }
0x47: {  	_ =	shalt  }
0x48: {  	_ =	shalt  }
0x49: {  	_ =	shalt  }
0x4a: {  	_ =	shalt  }
0x4b: {  	_ =	shalt  }
0x4c: {  	_ =	shalt  }
0x4d: {  	_ =	shalt  }
0x4e: {  	_ =	shalt  }
0x4f: {  	_ =	shalt  }
0x50: {  	_ =	shalt  }
0x51: {  	_ =	shalt  }
0x52: {  	_ =	shalt  }
0x53: {  	_ =	shalt  }
0x54: {  	_ =	shalt  }
0x55: {  	_ =	shalt  }
0x56: {  	_ =	shalt  }
0x57: {  	_ =	shalt  }
0x58: {  	_ =	shalt  }
0x59: {  	_ =	shalt  }
0x5a: {  	_ =	shalt  }
0x5b: {  	_ =	shalt  }
0x5c: {  	_ =	shalt  }
0x5d: {  	_ =	shalt  }
0x5e: {  	_ =	shalt  }
0x5f: {  	_ =	shalt  }
0x60: {  	_ =	shalt  }
0x61: {  	_ =	shalt  }
0x62: {  	_ =	shalt  }
0x63: {  	_ =	shalt  }
0x64: {  	_ =	shalt  }
0x65: {  	_ =	shalt  }
0x66: {  	_ =	shalt  }
0x67: {  	_ =	shalt  }
0x68: {  	_ =	shalt  }
0x69: {  	_ =	shalt  }
0x6a: {  	_ =	shalt  }
0x6b: {  	_ =	shalt  }
0x6c: {  	_ =	shalt  }
0x6d: {  	_ =	shalt  }
0x6e: {  	_ =	shalt  }
0x6f: {  	_ =	shalt  }
0x70: {  	_ =	shalt  }
0x71: {  	_ =	shalt  }
0x72: {  	_ =	shalt  }
0x73: {  	_ =	shalt  }
0x74: {  	_ =	shalt  }
0x75: {  	_ =	shalt  }
0x76: {  	_ =	shalt  }
0x77: {  	_ =	shalt  }
0x78: {  	_ =	shalt  }
0x79: {  	_ =	shalt  }
0x7a: {  	_ =	shalt  }
0x7b: {  	_ =	shalt  }
0x7c: {  	_ =	shalt  }
0x7d: {  	_ =	shalt  }
0x7e: {  	_ =	shalt  }
0x7f: {  	_ =	shalt  }
0x80: {  	_ =	shalt  }
0x81: {  	_ =	shalt  }
0x82: {  	_ =	shalt  }
0x83: {  	_ =	shalt  }
0x84: {  	_ =	shalt  }
0x85: {  	_ =	shalt  }
0x86: {  	_ =	shalt  }
0x87: {  	_ =	shalt  }
.Lfunc_end0:
.L_simem_size_0:
called_computation_lowered:
.L_overlay_start_0:
0x88: {  	s2 =	sld [smem:$0x3FD9]  }
0x89: {  	s3 =	sld [smem:$0x3FFE];
	_ =	sdelay $0x1  }
0x8a: {  	s1 =	srdreg.scid  }
0x8b: {  	s0 =	sand.u32 $0x1, s1  }
0x8c: {  	s16 =	sshll.u32 s0, $0xA;
	s2 =	sadd.s32 s3, s2  }
0x8d: {  	s2 =	sadd.s32 s2, s16  }
0x8e: {  	[smem:$0x3FC0] =	sst s2  }
0x8f: {  	_ = 	snop  }
0x90: {  	(tm) =	ssettm $0x1  }
0x91: {  	s17 =	sld [smem:$0x3FFB];
	_ =	sdelay $0x3  }
0x92: {  	_ =	strace s17  }
0x93: {  	s2 =	sld [smem:$0x3FFC];
	_ =	sdelay $0x3  }
0x94: {  	_ =	strace s2  }
0x95: {  	s2 =	sld [smem:$0x3FFD];
	_ =	sdelay $0x3  }
0x96: {  	_ =	strace s2  }
0x97: {  	_ =	strace $0x8FFFFFFF  }
0x98: {  	s18 =	sld [smem:$0x3FDB];
	_ =	sdelay $0x1  }
0x99: {  	s19 =	simm.s32 $_scs_section_size  }
0x9a: {  	s4 =	simm.s32 $_size__tile_overlayer_lowered;
	s5 =	simm.s32 $_tile_overlayer_lowered  }
0x9b: {  	s22 =	simm.s32 $0x1BFF;
	s21 =	sshll.u32 s5, $0x1;
	s2 =	sadd.s32 s19, s18  }
0x9c: {  	s6 =	simm.s32 $0x0;
	s20 =	sshll.u32 s4, $0x1;
	s4 =	sadd.s32 s21, s2  }
0x9d: {  	[timem:s6], [sflag:s22] =	dma.local [hbm:s4], s20  }
0x9e: {  	_ =	swait.ge [sflag:s22], s20  }
0x9f: {  	s3 =	ssub.s32 $0x0, s20;
	[sflag:s22] =	ssyncset.done $0x0  }
0xa0: {  	[sflag:s22] =	ssyncadd.s32 s3;
	_ =	sdelay $0x1  }
0xa1: {  	s23 =	simm.s32 $0x1B8B  }
0xa2: {  	_ =	swait.ge [sflag:s23], $0x1  }
0xa3: {  	[sflag:s23] =	ssyncset.done $0x0  }
0xa4: {  	s25 =	simm.s32 $0x1B8E;
	s24 =	sld [smem:$0x3FFE];
	[sflag:s23] =	ssyncadd.s32 $0xFFFFFFFF  }
0xa5: {  	s26 =	simm.s32 $execute0_lowered;
	[smem:$0x3FD2] =	sst s25  }
0xa6: {  	s4 =	sshll.u32 s26, $0x1;
	_ =	strace $0x80000046;
	[dreg:$0x1] =	wrdreg $0xFFFFFFFF  }
0xa7: {  	s28 =	simm.s32 $_size_execute0_lowered;
	s2 =	sadd.s32 s2, s4;
	[dreg:$0x0] =	wrdreg $0x0  }
0xa8: {  	s4 =	sshll.u32 s28, $0x1;
	[dreg:$0x2] =	wrdreg s2  }
0xa9: {  	[dreg:$0x3] =	wrdreg s4  }
0xaa: {  	[dreg:$0x4] =	wrdreg $0xC0  }
0xab: {  	_ =	task [dreg:s6], $0x5FFFF  }
0xac: {  	[dreg:$0x1] =	wrdreg $0xFFFFFFFF  }
0xad: {  	[dreg:$0x0] =	wrdreg $0x60  }
0xae: {  	[dreg:$0x2] =	wrdreg s24  }
0xaf: {  	[dreg:$0x3] =	wrdreg $0x9  }
0xb0: {  	_ =	task.clear_ibuf [dreg:s6], $0x4FFFF;
	_ =	strace $0x90000046  }
0xb1: {  	s29 =	simm.s32 $0x9;
	_ =	strace $0x80000048  }
0xb2: {  	_ =	swait.ge [sflag:s29], $0x1  }
0xb3: {  	[sflag:s29] =	ssyncadd.s32 $0xFFFFFFFF  }
0xb4: {  	_ =	strace $0x90000048  }
0xb5: {  	_ =	sfence  }
0xb6: {  	s30 =	sld [smem:$0x0];
	_ =	sdelay $0x2  }
0xb7: {  	s31 =	sshll.u32 s1, $0xD;
	s1 =	sshrl.u32 s1, $0x2  }
0xb8: {  	s3 =	sand.u32 $0x4000, s31;
	s1 =	sadd.s32 s1, s30  }
0xb9: {  	s0 =	sor.u32 s3, s0;
	s1 =	sshll.u32 s1, $0x11  }
0xba: {  	s0 =	sor.u32 s1, s0  }
0xbb: {  	s0 =	sadd.s32 $0x8F2B, s0  }
0xbc: {  	[sflag:s0] =	ssyncadd.remote.s32 $0x1  }
0xbd: {  	_ =	sfence.sel $0xFFFF  }
0xbe: {  	[dreg:$0x0] =	wrdreg $0xFFFFFFFF;
	(pc) =	sbr.abs _section_cstart, $3  }
0xbf: {  	[dreg:$0x1] =	wrdreg $0xFFFFFFFF  }
0xc0: {  	_ =	task.clear_ibuf [dreg:s6], $0x2FFFF;
	_ =	strace $0x9FFFFFFF  }
0xc1: {  	(tm) =	ssettm $0x7FFFFFFF  }
tec
execute0_lowered:
.L_overlay_start_1:
0x0: {  	(tag) =	ssettag $0x1  }
0x1: {  	s0 =	rddreg [dreg:$0x0];
	s2 =	simm.s32 $0x0  }
0x2: {  	[smem:$0x7FF] =	sst s2;
	s12 =	sadd.s32 $0x40D4, s0  }
0x3: {  	s13 =	sadd.s32 $0x71A8, s0;
	_ =	strace $0x80000047;
	[dreg:$0x12] =	wrdreg s12  }
0x4: {  	s14 =	sadd.s32 $0xA27C, s0;
	[dreg:$0x13] =	wrdreg s13  }
0x5: {  	s15 =	sadd.s32 $0xD350, s0;
	[dreg:$0x14] =	wrdreg s14  }
0x6: {  	s16 =	sadd.s32 $0x10424, s0;
	[dreg:$0x15] =	wrdreg s15  }
0x7: {  	s17 =	sadd.s32 $0x134F8, s0;
	[dreg:$0x16] =	wrdreg s16  }
0x8: {  	s18 =	sadd.s32 $0x165CC, s0;
	[dreg:$0x17] =	wrdreg s17  }
0x9: {  	s19 =	sadd.s32 $0x196A0, s0;
	[dreg:$0x18] =	wrdreg s18  }
0xa: {  	s22 =	sadd.s32 $0x1C774, s0;
	[dreg:$0x19] =	wrdreg s19  }
0xb: {  	s20 =	simm.s32 $0x5600;
	[dreg:$0x1a] =	wrdreg s22  }
0xc: {  	s24 =	sadd.s32 $0x1F848, s0;
	[dreg:$0x2] =	wrdreg s20  }
0xd: {  	s23 =	simm.s32 $0x5800;
	[dreg:$0x1b] =	wrdreg s24  }
0xe: {  	s26 =	sadd.s32 $0x2291C, s0;
	[dreg:$0x3] =	wrdreg s23  }
0xf: {  	s25 =	simm.s32 $0x5A00;
	[dreg:$0x1c] =	wrdreg s26  }
0x10: {  	s1 =	srdreg.scid;
	s9 =	sadd.s32 $0x259F0, s0;
	[dreg:$0x4] =	wrdreg s25  }
0x11: {  	s3 =	stileid.u32;
	s8 =	simm.s32 $0x5C00;
	[dreg:$0x1d] =	wrdreg s9  }
0x12: {  	s10 =	simm.s32 $0x5E00;
	s11 =	sadd.s32 $0x28AC4, s0;
	[dreg:$0x5] =	wrdreg s8  }
0x13: {  	s28 =	simm.s32 $0x200;
	s29 =	simm.s32 $0x5400;
	[dreg:$0x1e] =	wrdreg s11  }
0x14: {  	s30 =	simm.s32 $0x2;
	[dreg:$0x6] =	wrdreg s10;
	s13 =	sadd.s32 $0x2BB98, s0  }
0x15: {  	s31 =	simm.s32 $0x0;
	s12 =	simm.s32 $0x6000;
	[dreg:$0x1f] =	wrdreg s13  }
0x16: {  	s1 =	sand.u32 $0x1, s1;
	s14 =	simm.s32 $0x6200;
	[dreg:$0x7] =	wrdreg s12  }
0x17: {  	s3 =	sshll.u32 s3, $0xA;
	s15 =	simm.s32 $0x6400;
	[dreg:$0x8] =	wrdreg s14  }
0x18: {  	s21 =	sadd.s32 $0x503A00, s0;
	s16 =	simm.s32 $0x6600;
	[dreg:$0x9] =	wrdreg s15  }
0x19: {  	s4 =	sshll.u32 s1, $0x9;
	s17 =	simm.s32 $0x6800;
	[dreg:$0xa] =	wrdreg s16  }
0x1a: {  	s1 =	ssub.s32 $0x2, s1;
	s22 =	simm.s32 $0x6A00;
	[dreg:$0xb] =	wrdreg s17  }
0x1b: {  	s19 =	sadd.s32 $0x2EC6C, s0;
	s23 =	simm.s32 $0x6C00;
	[dreg:$0xc] =	wrdreg s22  }
0x1c: {  	s24 =	simm.s32 $0x6E00;
	s25 =	simm.s32 $0x7000;
	[dreg:$0xd] =	wrdreg s23  }
0x1d: {  	s26 =	simm.s32 $0x7200;
	s4 =	sor.u32 s4, s3;
	[dreg:$0xe] =	wrdreg s24  }
0x1e: {  	s3 =	sadd.s32 $0x1000, s0;
	s7 =	sshrl.u32 s1, $0x1;
	[dreg:$0xf] =	wrdreg s25  }
0x1f: {  	s23 =	simm.s32 $0x4000;
	s24 =	simm.s32 $0x3;
	[dreg:$0x10] =	wrdreg s26  }
0x20: {  	s25 =	simm.s32 $0x3400;
	s26 =	simm.s32 $0x1;
	s5 =	sshrl.u32 s4, $0x3  }
0x21: {  	s1 =	ssub.s32 s1, s7;
	s18 =	sor.u32 $0x40000, s4;
	s6 =	sadd.s32 s5, s0  }
0x22: {  	s20 =	smax.u32 s1, $0x1;
	s1 =	sshrl.u32 s18, $0x3;
	s6 =	sadd.s32 $0x4F6A00, s6  }
0x23: {  	s5 =	sadd.s32 s5, s21;
	s22 =	sadd.s32 s1, s21;
	[dreg:$0x11] =	wrdreg s6  }
.LBB2_1:
0x24: {  	s0 =	rddreg [dreg:$0x11]  }
0x25: {  	[tilespmem:s2], [sflag:$0x3] =	stream.strided.gather [hbm4b:s0+s28], $0x3400, s23, s28, $0x38;
	[tilespmem:$0x7400] =	vst v63  }
0x26: {  	_ =	swait.ge [sflag:s24], $0x3400  }
0x27: {  	[sflag:s24] =	ssyncset.done $0x0  }
0x28: {  	[sflag:s24] =	ssyncadd.s32 $0xFFFFCC00  }
0x29: {  	[tilespmem:s25], [sflag:$0x1] =	stream.indirect.gather [hbm4b:s3+s28], $0x1, s2, s28, $0xb8;
	[tilespmem:$0x7400] =	vst v63  }
0x2a: {  	s1 =	simm.s32 $0x3600;
	s10 =	rddreg [dreg:$0x12]  }
0x2b: {  	[tilespmem:s1], [sflag:$0x1] =	stream.indirect.gather [hbm4b:s10+s28], $0x1, s2, s28, $0xb8;
	[tilespmem:$0x7400] =	vst v63  }
0x2c: {  	s12 =	simm.s32 $0x3800;
	s11 =	rddreg [dreg:$0x13]  }
0x2d: {  	[tilespmem:s12], [sflag:$0x1] =	stream.indirect.gather [hbm4b:s11+s28], $0x1, s2, s28, $0xb8;
	[tilespmem:$0x7400] =	vst v63  }
0x2e: {  	s14 =	simm.s32 $0x3A00;
	s13 =	rddreg [dreg:$0x14]  }
0x2f: {  	[tilespmem:s14], [sflag:$0x1] =	stream.indirect.gather [hbm4b:s13+s28], $0x1, s2, s28, $0xb8;
	[tilespmem:$0x7400] =	vst v63  }
0x30: {  	s16 =	simm.s32 $0x3C00;
	s15 =	rddreg [dreg:$0x15]  }
0x31: {  	[tilespmem:s16], [sflag:$0x1] =	stream.indirect.gather [hbm4b:s15+s28], $0x1, s2, s28, $0xb8;
	[tilespmem:$0x7400] =	vst v63  }
0x32: {  	s18 =	simm.s32 $0x3E00;
	s17 =	rddreg [dreg:$0x16]  }
0x33: {  	[tilespmem:s18], [sflag:$0x1] =	stream.indirect.gather [hbm4b:s17+s28], $0x1, s2, s28, $0xb8;
	[tilespmem:$0x7400] =	vst v63  }
0x34: {  	s21 =	rddreg [dreg:$0x17]  }
0x35: {  	[tilespmem:s23], [sflag:$0x1] =	stream.indirect.gather [hbm4b:s21+s28], $0x1, s2, s28, $0xb8;
	[tilespmem:$0x7400] =	vst v63  }
0x36: {  	s4 =	simm.s32 $0x4200;
	s1 =	rddreg [dreg:$0x18]  }
0x37: {  	[tilespmem:s4], [sflag:$0x1] =	stream.indirect.gather [hbm4b:s1+s28], $0x1, s2, s28, $0xb8;
	[tilespmem:$0x7400] =	vst v63  }
0x38: {  	s7 =	simm.s32 $0x4400;
	s6 =	rddreg [dreg:$0x19]  }
0x39: {  	[tilespmem:s7], [sflag:$0x1] =	stream.indirect.gather [hbm4b:s6+s28], $0x1, s2, s28, $0xb8;
	[tilespmem:$0x7400] =	vst v63  }
0x3a: {  	s9 =	simm.s32 $0x4600;
	s8 =	rddreg [dreg:$0x1a]  }
0x3b: {  	[tilespmem:s9], [sflag:$0x1] =	stream.indirect.gather [hbm4b:s8+s28], $0x1, s2, s28, $0xb8;
	[tilespmem:$0x7400] =	vst v63  }
0x3c: {  	s10 =	rddreg [dreg:$0x1b];
	s11 =	simm.s32 $0x4800  }
0x3d: {  	[tilespmem:s11], [sflag:$0x1] =	stream.indirect.gather [hbm4b:s10+s28], $0x1, s2, s28, $0xb8;
	[tilespmem:$0x7400] =	vst v63  }
0x3e: {  	s12 =	rddreg [dreg:$0x1c];
	s13 =	simm.s32 $0x4A00  }
0x3f: {  	[tilespmem:s13], [sflag:$0x1] =	stream.indirect.gather [hbm4b:s12+s28], $0x1, s2, s28, $0xb8;
	[tilespmem:$0x7400] =	vst v63  }
0x40: {  	s14 =	rddreg [dreg:$0x1d];
	s15 =	simm.s32 $0x4C00  }
0x41: {  	[tilespmem:s15], [sflag:$0x1] =	stream.indirect.gather [hbm4b:s14+s28], $0x1, s2, s28, $0xb8;
	[tilespmem:$0x7400] =	vst v63  }
0x42: {  	s16 =	rddreg [dreg:$0x1e];
	s17 =	simm.s32 $0x4E00  }
0x43: {  	[tilespmem:s17], [sflag:$0x1] =	stream.indirect.gather [hbm4b:s16+s28], $0x1, s2, s28, $0xb8;
	[tilespmem:$0x7400] =	vst v63  }
0x44: {  	s18 =	rddreg [dreg:$0x1f];
	s21 =	simm.s32 $0x5000  }
0x45: {  	[tilespmem:s21], [sflag:$0x1] =	stream.indirect.gather [hbm4b:s18+s28], $0x1, s2, s28, $0xb8;
	[tilespmem:$0x7400] =	vst v63  }
0x46: {  	s4 =	simm.s32 $0x5200  }
0x47: {  	[tilespmem:s4], [sflag:$0x1] =	stream.indirect.gather [hbm4b:s19+s28], $0x1, s2, s28, $0xb8;
	[tilespmem:$0x7400] =	vst v63  }
0x48: {  	_ =	swait.ge [sflag:s26], $0x200  }
0x49: {  	[sflag:s26] =	ssyncset.done $0x0  }
0x4a: {  	[sflag:s26] =	ssyncadd.s32 $0xFFFFFE00  }
0x4b: {  	_ =	swait.ge [sflag:s26], $0x200  }
0x4c: {  	[sflag:s26] =	ssyncset.done $0x0  }
0x4d: {  	[sflag:s26] =	ssyncadd.s32 $0xFFFFFE00  }
0x4e: {  	_ =	swait.ge [sflag:s26], $0x200  }
0x4f: {  	[sflag:s26] =	ssyncset.done $0x0  }
0x50: {  	[sflag:s26] =	ssyncadd.s32 $0xFFFFFE00  }
0x51: {  	_ =	swait.ge [sflag:s26], $0x200  }
0x52: {  	[sflag:s26] =	ssyncset.done $0x0  }
0x53: {  	[sflag:s26] =	ssyncadd.s32 $0xFFFFFE00  }
0x54: {  	_ =	swait.ge [sflag:s26], $0x200  }
0x55: {  	[sflag:s26] =	ssyncset.done $0x0  }
0x56: {  	[sflag:s26] =	ssyncadd.s32 $0xFFFFFE00  }
0x57: {  	_ =	swait.ge [sflag:s26], $0x200  }
0x58: {  	[sflag:s26] =	ssyncset.done $0x0  }
0x59: {  	[sflag:s26] =	ssyncadd.s32 $0xFFFFFE00  }
0x5a: {  	_ =	swait.ge [sflag:s26], $0x200  }
0x5b: {  	[sflag:s26] =	ssyncset.done $0x0  }
0x5c: {  	[sflag:s26] =	ssyncadd.s32 $0xFFFFFE00  }
0x5d: {  	_ =	swait.ge [sflag:s26], $0x200  }
0x5e: {  	[sflag:s26] =	ssyncset.done $0x0  }
0x5f: {  	[sflag:s26] =	ssyncadd.s32 $0xFFFFFE00  }
0x60: {  	_ =	swait.ge [sflag:s26], $0x200  }
0x61: {  	[sflag:s26] =	ssyncset.done $0x0  }
0x62: {  	[sflag:s26] =	ssyncadd.s32 $0xFFFFFE00  }
0x63: {  	_ =	swait.ge [sflag:s26], $0x200  }
0x64: {  	[sflag:s26] =	ssyncset.done $0x0  }
0x65: {  	[sflag:s26] =	ssyncadd.s32 $0xFFFFFE00  }
0x66: {  	_ =	swait.ge [sflag:s26], $0x200  }
0x67: {  	[sflag:s26] =	ssyncset.done $0x0  }
0x68: {  	[sflag:s26] =	ssyncadd.s32 $0xFFFFFE00  }
0x69: {  	_ =	swait.ge [sflag:s26], $0x200  }
0x6a: {  	[sflag:s26] =	ssyncset.done $0x0  }
0x6b: {  	[sflag:s26] =	ssyncadd.s32 $0xFFFFFE00  }
0x6c: {  	_ =	swait.ge [sflag:s26], $0x200  }
0x6d: {  	[sflag:s26] =	ssyncset.done $0x0  }
0x6e: {  	[sflag:s26] =	ssyncadd.s32 $0xFFFFFE00  }
0x6f: {  	_ =	swait.ge [sflag:s26], $0x200  }
0x70: {  	[sflag:s26] =	ssyncset.done $0x0  }
0x71: {  	[sflag:s26] =	ssyncadd.s32 $0xFFFFFE00  }
0x72: {  	_ =	swait.ge [sflag:s26], $0x200  }
0x73: {  	[sflag:s26] =	ssyncset.done $0x0  }
0x74: {  	[sflag:s26] =	ssyncadd.s32 $0xFFFFFE00  }
0x75: {  	_ =	swait.ge [sflag:s26], $0x200  }
0x76: {  	s0 =	sadd.s32 $0x0, s3;
	[sflag:s26] =	ssyncset.done $0x0  }
0x77: {  	s6 =	sadd.s32 $0x30D40, s0;
	[sflag:s26] =	ssyncadd.s32 $0xFFFFFE00  }
0x78: {  	[tilespmem:s29], [sflag:$0x2] =	stream.indirect.gather [hbm4b:s6+s28], $0x1, s28, s28, $0xb8;
	[tilespmem:$0x7400] =	vst v63  }
0x79: {  	s7 =	sadd.s32 $0x33E14, s0;
	s4 =	rddreg [dreg:$0x2]  }
0x7a: {  	[tilespmem:s4], [sflag:$0x2] =	stream.indirect.gather [hbm4b:s7+s28], $0x1, s28, s28, $0xb8;
	[tilespmem:$0x7400] =	vst v63  }
0x7b: {  	s8 =	sadd.s32 $0x36EE8, s0;
	s6 =	rddreg [dreg:$0x3]  }
0x7c: {  	[tilespmem:s6], [sflag:$0x2] =	stream.indirect.gather [hbm4b:s8+s28], $0x1, s28, s28, $0xb8;
	[tilespmem:$0x7400] =	vst v63  }
0x7d: {  	s10 =	sadd.s32 $0x39FBC, s0;
	s9 =	rddreg [dreg:$0x4]  }
0x7e: {  	[tilespmem:s9], [sflag:$0x2] =	stream.indirect.gather [hbm4b:s10+s28], $0x1, s28, s28, $0xb8;
	[tilespmem:$0x7400] =	vst v63  }
0x7f: {  	s12 =	sadd.s32 $0x3D090, s0;
	s11 =	rddreg [dreg:$0x5]  }
0x80: {  	[tilespmem:s11], [sflag:$0x2] =	stream.indirect.gather [hbm4b:s12+s28], $0x1, s28, s28, $0xb8;
	[tilespmem:$0x7400] =	vst v63  }
0x81: {  	s14 =	sadd.s32 $0x40164, s0;
	s13 =	rddreg [dreg:$0x6]  }
0x82: {  	[tilespmem:s13], [sflag:$0x2] =	stream.indirect.gather [hbm4b:s14+s28], $0x1, s28, s28, $0xb8;
	[tilespmem:$0x7400] =	vst v63  }
0x83: {  	s16 =	sadd.s32 $0x43238, s0;
	s15 =	rddreg [dreg:$0x7]  }
0x84: {  	[tilespmem:s15], [sflag:$0x2] =	stream.indirect.gather [hbm4b:s16+s28], $0x1, s28, s28, $0xb8;
	[tilespmem:$0x7400] =	vst v63  }
0x85: {  	s18 =	sadd.s32 $0x4630C, s0;
	s17 =	rddreg [dreg:$0x8]  }
0x86: {  	[tilespmem:s17], [sflag:$0x2] =	stream.indirect.gather [hbm4b:s18+s28], $0x1, s28, s28, $0xb8;
	[tilespmem:$0x7400] =	vst v63  }
0x87: {  	s21 =	rddreg [dreg:$0x9];
	s4 =	sadd.s32 $0x493E0, s0  }
0x88: {  	[tilespmem:s21], [sflag:$0x2] =	stream.indirect.gather [hbm4b:s4+s28], $0x1, s28, s28, $0xb8;
	[tilespmem:$0x7400] =	vst v63  }
0x89: {  	s7 =	rddreg [dreg:$0xa];
	s8 =	sadd.s32 $0x4C4B4, s0  }
0x8a: {  	[tilespmem:s7], [sflag:$0x2] =	stream.indirect.gather [hbm4b:s8+s28], $0x1, s28, s28, $0xb8;
	[tilespmem:$0x7400] =	vst v63  }
0x8b: {  	s9 =	rddreg [dreg:$0xb];
	s10 =	sadd.s32 $0x4F588, s0  }
0x8c: {  	[tilespmem:s9], [sflag:$0x2] =	stream.indirect.gather [hbm4b:s10+s28], $0x1, s28, s28, $0xb8;
	[tilespmem:$0x7400] =	vst v63  }
0x8d: {  	s11 =	rddreg [dreg:$0xc];
	s12 =	sadd.s32 $0x5265C, s0  }
0x8e: {  	[tilespmem:s11], [sflag:$0x2] =	stream.indirect.gather [hbm4b:s12+s28], $0x1, s28, s28, $0xb8;
	[tilespmem:$0x7400] =	vst v63  }
0x8f: {  	s13 =	rddreg [dreg:$0xd];
	s14 =	sadd.s32 $0x55730, s0  }
0x90: {  	[tilespmem:s13], [sflag:$0x2] =	stream.indirect.gather [hbm4b:s14+s28], $0x1, s28, s28, $0xb8;
	[tilespmem:$0x7400] =	vst v63  }
0x91: {  	s15 =	rddreg [dreg:$0xe];
	s16 =	sadd.s32 $0x58804, s0  }
0x92: {  	[tilespmem:s15], [sflag:$0x2] =	stream.indirect.gather [hbm4b:s16+s28], $0x1, s28, s28, $0xb8;
	[tilespmem:$0x7400] =	vst v63  }
0x93: {  	s17 =	rddreg [dreg:$0xf];
	s18 =	sadd.s32 $0x5B8D8, s0  }
0x94: {  	[tilespmem:s17], [sflag:$0x2] =	stream.indirect.gather [hbm4b:s18+s28], $0x1, s28, s28, $0xb8;
	[tilespmem:$0x7400] =	vst v63  }
0x95: {  	s0 =	sadd.s32 $0x5E9AC, s0;
	s21 =	rddreg [dreg:$0x10]  }
0x96: {  	[tilespmem:s21], [sflag:$0x2] =	stream.indirect.gather [hbm4b:s0+s28], $0x1, s28, s28, $0xb8;
	[tilespmem:$0x7400] =	vst v63  }
0x97: {  	_ = 	snop  }
0x98: {  	[hbm4b:s5+s28] =	stream.strided.scatter [tilespmem:s25], [sflag:$0x3], $0x2000, s23, s28, $0x38;
	[tilespmem:$0x7400] =	vst v63  }
0x99: {  	_ =	swait.ge [sflag:s24], $0x2000  }
0x9a: {  	[sflag:s24] =	ssyncset.done $0x0  }
0x9b: {  	[sflag:s24] =	ssyncadd.s32 $0xFFFFE000  }
0x9c: {  	_ =	swait.ge [sflag:s30], $0x200  }
0x9d: {  	[sflag:s30] =	ssyncset.done $0x0  }
0x9e: {  	[sflag:s30] =	ssyncadd.s32 $0xFFFFFE00  }
0x9f: {  	_ =	swait.ge [sflag:s30], $0x200  }
0xa0: {  	[sflag:s30] =	ssyncset.done $0x0  }
0xa1: {  	[sflag:s30] =	ssyncadd.s32 $0xFFFFFE00  }
0xa2: {  	_ =	swait.ge [sflag:s30], $0x200  }
0xa3: {  	[sflag:s30] =	ssyncset.done $0x0  }
0xa4: {  	[sflag:s30] =	ssyncadd.s32 $0xFFFFFE00  }
0xa5: {  	_ =	swait.ge [sflag:s30], $0x200  }
0xa6: {  	[sflag:s30] =	ssyncset.done $0x0  }
0xa7: {  	[sflag:s30] =	ssyncadd.s32 $0xFFFFFE00  }
0xa8: {  	_ =	swait.ge [sflag:s30], $0x200  }
0xa9: {  	[sflag:s30] =	ssyncset.done $0x0  }
0xaa: {  	[sflag:s30] =	ssyncadd.s32 $0xFFFFFE00  }
0xab: {  	_ =	swait.ge [sflag:s30], $0x200  }
0xac: {  	[sflag:s30] =	ssyncset.done $0x0  }
0xad: {  	[sflag:s30] =	ssyncadd.s32 $0xFFFFFE00  }
0xae: {  	_ =	swait.ge [sflag:s30], $0x200  }
0xaf: {  	[sflag:s30] =	ssyncset.done $0x0  }
0xb0: {  	[sflag:s30] =	ssyncadd.s32 $0xFFFFFE00  }
0xb1: {  	_ =	swait.ge [sflag:s30], $0x200  }
0xb2: {  	[sflag:s30] =	ssyncset.done $0x0  }
0xb3: {  	[sflag:s30] =	ssyncadd.s32 $0xFFFFFE00  }
0xb4: {  	_ =	swait.ge [sflag:s30], $0x200  }
0xb5: {  	[sflag:s30] =	ssyncset.done $0x0  }
0xb6: {  	[sflag:s30] =	ssyncadd.s32 $0xFFFFFE00  }
0xb7: {  	_ =	swait.ge [sflag:s30], $0x200  }
0xb8: {  	[sflag:s30] =	ssyncset.done $0x0  }
0xb9: {  	[sflag:s30] =	ssyncadd.s32 $0xFFFFFE00  }
0xba: {  	_ =	swait.ge [sflag:s30], $0x200  }
0xbb: {  	[sflag:s30] =	ssyncset.done $0x0  }
0xbc: {  	[sflag:s30] =	ssyncadd.s32 $0xFFFFFE00  }
0xbd: {  	_ =	swait.ge [sflag:s30], $0x200  }
0xbe: {  	[sflag:s30] =	ssyncset.done $0x0  }
0xbf: {  	[sflag:s30] =	ssyncadd.s32 $0xFFFFFE00  }
0xc0: {  	_ =	swait.ge [sflag:s30], $0x200  }
0xc1: {  	[sflag:s30] =	ssyncset.done $0x0  }
0xc2: {  	[sflag:s30] =	ssyncadd.s32 $0xFFFFFE00  }
0xc3: {  	_ =	swait.ge [sflag:s30], $0x200  }
0xc4: {  	[sflag:s30] =	ssyncset.done $0x0  }
0xc5: {  	[sflag:s30] =	ssyncadd.s32 $0xFFFFFE00  }
0xc6: {  	_ =	swait.ge [sflag:s30], $0x200  }
0xc7: {  	[sflag:s30] =	ssyncset.done $0x0  }
0xc8: {  	p0 =	por $0x0, $0x0;
	[sflag:s30] =	ssyncadd.s32 $0xFFFFFE00  }
0xc9: {  	s1 =	sadd.s32 @!p0 $0x0, s3;
	_ =	swait.ge [sflag:s30], $0x200  }
0xca: {  	s6 =	simm.s32 @!p0 $0x200;
	s4 =	sadd.s32 @!p0 $0x61A80, s1;
	[sflag:s30] =	ssyncset.done $0x0  }
0xcb: {  	s7 =	simm.s32 @!p0 $0x3400;
	s0 =	simm.s32 @!p0 $0x400;
	[sflag:s30] =	ssyncadd.s32 $0xFFFFFE00  }
0xcc: {  	[tilespmem:s7], [sflag:$0x1] =	stream.indirect.gather @!p0 [hbm4b:s4+s6], $0x1, s0, s6, $0xb8;
	[tilespmem:$0x7400] =	vst v63  }
0xcd: {  	s4 =	sadd.s32 @!p0 $0x64B54, s1;
	s7 =	simm.s32 @!p0 $0x3600  }
0xce: {  	[tilespmem:s7], [sflag:$0x1] =	stream.indirect.gather @!p0 [hbm4b:s4+s6], $0x1, s0, s6, $0xb8;
	[tilespmem:$0x7400] =	vst v63  }
0xcf: {  	s4 =	sadd.s32 @!p0 $0x67C28, s1;
	s7 =	simm.s32 @!p0 $0x3800  }
0xd0: {  	[tilespmem:s7], [sflag:$0x1] =	stream.indirect.gather @!p0 [hbm4b:s4+s6], $0x1, s0, s6, $0xb8;
	[tilespmem:$0x7400] =	vst v63  }
0xd1: {  	s4 =	sadd.s32 @!p0 $0x6ACFC, s1;
	s7 =	simm.s32 @!p0 $0x3A00  }
0xd2: {  	[tilespmem:s7], [sflag:$0x1] =	stream.indirect.gather @!p0 [hbm4b:s4+s6], $0x1, s0, s6, $0xb8;
	[tilespmem:$0x7400] =	vst v63  }
0xd3: {  	s4 =	sadd.s32 @!p0 $0x6DDD0, s1;
	s7 =	simm.s32 @!p0 $0x3C00  }
0xd4: {  	[tilespmem:s7], [sflag:$0x1] =	stream.indirect.gather @!p0 [hbm4b:s4+s6], $0x1, s0, s6, $0xb8;
	[tilespmem:$0x7400] =	vst v63  }
0xd5: {  	s4 =	sadd.s32 @!p0 $0x70EA4, s1;
	s7 =	simm.s32 @!p0 $0x3E00  }
0xd6: {  	[tilespmem:s7], [sflag:$0x1] =	stream.indirect.gather @!p0 [hbm4b:s4+s6], $0x1, s0, s6, $0xb8;
	[tilespmem:$0x7400] =	vst v63  }
0xd7: {  	s4 =	sadd.s32 @!p0 $0x73F78, s1;
	s7 =	simm.s32 @!p0 $0x4000  }
0xd8: {  	[tilespmem:s7], [sflag:$0x1] =	stream.indirect.gather @!p0 [hbm4b:s4+s6], $0x1, s0, s6, $0xb8;
	[tilespmem:$0x7400] =	vst v63  }
0xd9: {  	s4 =	sadd.s32 @!p0 $0x7704C, s1;
	s7 =	simm.s32 @!p0 $0x4200  }
0xda: {  	[tilespmem:s7], [sflag:$0x1] =	stream.indirect.gather @!p0 [hbm4b:s4+s6], $0x1, s0, s6, $0xb8;
	[tilespmem:$0x7400] =	vst v63  }
0xdb: {  	s4 =	sadd.s32 @!p0 $0x7A120, s1;
	s7 =	simm.s32 @!p0 $0x4400  }
0xdc: {  	[tilespmem:s7], [sflag:$0x1] =	stream.indirect.gather @!p0 [hbm4b:s4+s6], $0x1, s0, s6, $0xb8;
	[tilespmem:$0x7400] =	vst v63  }
0xdd: {  	s4 =	sadd.s32 @!p0 $0x7D1F4, s1;
	s7 =	simm.s32 @!p0 $0x4600  }
0xde: {  	[tilespmem:s7], [sflag:$0x1] =	stream.indirect.gather @!p0 [hbm4b:s4+s6], $0x1, s0, s6, $0xb8;
	[tilespmem:$0x7400] =	vst v63  }
0xdf: {  	s4 =	sadd.s32 @!p0 $0x802C8, s1;
	s7 =	simm.s32 @!p0 $0x4800  }
0xe0: {  	[tilespmem:s7], [sflag:$0x1] =	stream.indirect.gather @!p0 [hbm4b:s4+s6], $0x1, s0, s6, $0xb8;
	[tilespmem:$0x7400] =	vst v63  }
0xe1: {  	s4 =	sadd.s32 @!p0 $0x8339C, s1;
	s7 =	simm.s32 @!p0 $0x4A00  }
0xe2: {  	[tilespmem:s7], [sflag:$0x1] =	stream.indirect.gather @!p0 [hbm4b:s4+s6], $0x1, s0, s6, $0xb8;
	[tilespmem:$0x7400] =	vst v63  }
0xe3: {  	s4 =	sadd.s32 @!p0 $0x86470, s1;
	s7 =	simm.s32 @!p0 $0x4C00  }
0xe4: {  	[tilespmem:s7], [sflag:$0x1] =	stream.indirect.gather @!p0 [hbm4b:s4+s6], $0x1, s0, s6, $0xb8;
	[tilespmem:$0x7400] =	vst v63  }
0xe5: {  	s4 =	sadd.s32 @!p0 $0x89544, s1;
	s7 =	simm.s32 @!p0 $0x4E00  }
0xe6: {  	[tilespmem:s7], [sflag:$0x1] =	stream.indirect.gather @!p0 [hbm4b:s4+s6], $0x1, s0, s6, $0xb8;
	[tilespmem:$0x7400] =	vst v63  }
0xe7: {  	s4 =	sadd.s32 @!p0 $0x8C618, s1;
	s7 =	simm.s32 @!p0 $0x5000  }
0xe8: {  	[tilespmem:s7], [sflag:$0x1] =	stream.indirect.gather @!p0 [hbm4b:s4+s6], $0x1, s0, s6, $0xb8;
	[tilespmem:$0x7400] =	vst v63  }
0xe9: {  	s1 =	sadd.s32 @!p0 $0x8F6EC, s1;
	s4 =	simm.s32 @!p0 $0x5200  }
0xea: {  	[tilespmem:s4], [sflag:$0x1] =	stream.indirect.gather @!p0 [hbm4b:s1+s6], $0x1, s0, s6, $0xb8;
	[tilespmem:$0x7400] =	vst v63  }
0xeb: {  	s21 =	smov.u32 s5;
	s0 =	simm.s32 $0x61A80  }
0xec: {  	[hbm4b:s22+s28] =	stream.strided.scatter [tilespmem:s29], [sflag:$0x3], $0x2000, s23, s28, $0x38;
	[tilespmem:$0x7400] =	vst v63  }
0xed: {  	s1 =	sadd.s32 $0x10000, s22;
	s4 =	simm.s32 $0x600;
	_ =	swait.ge [sflag:s24], $0x2000  }
.LBB2_2:
0xee: {  	[sflag:s24] =	ssyncset.done $0x0  }
0xef: {  	[sflag:s24] =	ssyncadd.s32 $0xFFFFE000  }
0xf0: {  	_ =	swait.ge [sflag:s26], $0x200  }
0xf1: {  	[sflag:s26] =	ssyncset.done $0x0  }
0xf2: {  	[sflag:s26] =	ssyncadd.s32 $0xFFFFFE00  }
0xf3: {  	_ =	swait.ge [sflag:s26], $0x200  }
0xf4: {  	[sflag:s26] =	ssyncset.done $0x0  }
0xf5: {  	[sflag:s26] =	ssyncadd.s32 $0xFFFFFE00  }
0xf6: {  	_ =	swait.ge [sflag:s26], $0x200  }
0xf7: {  	[sflag:s26] =	ssyncset.done $0x0  }
0xf8: {  	[sflag:s26] =	ssyncadd.s32 $0xFFFFFE00  }
0xf9: {  	_ =	swait.ge [sflag:s26], $0x200  }
0xfa: {  	[sflag:s26] =	ssyncset.done $0x0  }
0xfb: {  	[sflag:s26] =	ssyncadd.s32 $0xFFFFFE00  }
0xfc: {  	_ =	swait.ge [sflag:s26], $0x200  }
0xfd: {  	[sflag:s26] =	ssyncset.done $0x0  }
0xfe: {  	[sflag:s26] =	ssyncadd.s32 $0xFFFFFE00  }
0xff: {  	_ =	swait.ge [sflag:s26], $0x200  }
0x100: {  	[sflag:s26] =	ssyncset.done $0x0  }
0x101: {  	[sflag:s26] =	ssyncadd.s32 $0xFFFFFE00  }
0x102: {  	_ =	swait.ge [sflag:s26], $0x200  }
0x103: {  	[sflag:s26] =	ssyncset.done $0x0  }
0x104: {  	[sflag:s26] =	ssyncadd.s32 $0xFFFFFE00  }
0x105: {  	_ =	swait.ge [sflag:s26], $0x200  }
0x106: {  	[sflag:s26] =	ssyncset.done $0x0  }
0x107: {  	[sflag:s26] =	ssyncadd.s32 $0xFFFFFE00  }
0x108: {  	_ =	swait.ge [sflag:s26], $0x200  }
0x109: {  	[sflag:s26] =	ssyncset.done $0x0  }
0x10a: {  	[sflag:s26] =	ssyncadd.s32 $0xFFFFFE00  }
0x10b: {  	_ =	swait.ge [sflag:s26], $0x200  }
0x10c: {  	[sflag:s26] =	ssyncset.done $0x0  }
0x10d: {  	[sflag:s26] =	ssyncadd.s32 $0xFFFFFE00  }
0x10e: {  	_ =	swait.ge [sflag:s26], $0x200  }
0x10f: {  	[sflag:s26] =	ssyncset.done $0x0  }
0x110: {  	[sflag:s26] =	ssyncadd.s32 $0xFFFFFE00  }
0x111: {  	_ =	swait.ge [sflag:s26], $0x200  }
0x112: {  	[sflag:s26] =	ssyncset.done $0x0  }
0x113: {  	[sflag:s26] =	ssyncadd.s32 $0xFFFFFE00  }
0x114: {  	_ =	swait.ge [sflag:s26], $0x200  }
0x115: {  	[sflag:s26] =	ssyncset.done $0x0  }
0x116: {  	[sflag:s26] =	ssyncadd.s32 $0xFFFFFE00  }
0x117: {  	_ =	swait.ge [sflag:s26], $0x200  }
0x118: {  	[sflag:s26] =	ssyncset.done $0x0  }
0x119: {  	[sflag:s26] =	ssyncadd.s32 $0xFFFFFE00  }
0x11a: {  	_ =	swait.ge [sflag:s26], $0x200  }
0x11b: {  	[sflag:s26] =	ssyncset.done $0x0  }
0x11c: {  	[sflag:s26] =	ssyncadd.s32 $0xFFFFFE00  }
0x11d: {  	s6 =	smov.u32 s0;
	_ =	swait.ge [sflag:s26], $0x200  }
0x11e: {  	s7 =	sadd.s32 s6, s3;
	[sflag:s26] =	ssyncset.done $0x0  }
0x11f: {  	s8 =	sadd.s32 $0x30D40, s7;
	[sflag:s26] =	ssyncadd.s32 $0xFFFFFE00  }
0x120: {  	[tilespmem:s29], [sflag:$0x2] =	stream.indirect.gather [hbm4b:s8+s28], $0x1, s4, s28, $0xb8;
	[tilespmem:$0x7400] =	vst v63  }
0x121: {  	s16 =	sadd.s32 $0x33E14, s7;
	s9 =	rddreg [dreg:$0x2]  }
0x122: {  	[tilespmem:s9], [sflag:$0x2] =	stream.indirect.gather [hbm4b:s16+s28], $0x1, s4, s28, $0xb8;
	[tilespmem:$0x7400] =	vst v63  }
0x123: {  	s17 =	sadd.s32 $0x36EE8, s7;
	s10 =	rddreg [dreg:$0x3]  }
0x124: {  	[tilespmem:s10], [sflag:$0x2] =	stream.indirect.gather [hbm4b:s17+s28], $0x1, s4, s28, $0xb8;
	[tilespmem:$0x7400] =	vst v63  }
0x125: {  	s11 =	sadd.s32 $0x39FBC, s7;
	s18 =	rddreg [dreg:$0x4]  }
0x126: {  	[tilespmem:s18], [sflag:$0x2] =	stream.indirect.gather [hbm4b:s11+s28], $0x1, s4, s28, $0xb8;
	[tilespmem:$0x7400] =	vst v63  }
0x127: {  	s13 =	sadd.s32 $0x3D090, s7;
	s12 =	rddreg [dreg:$0x5]  }
0x128: {  	[tilespmem:s12], [sflag:$0x2] =	stream.indirect.gather [hbm4b:s13+s28], $0x1, s4, s28, $0xb8;
	[tilespmem:$0x7400] =	vst v63  }
0x129: {  	s15 =	sadd.s32 $0x40164, s7;
	s14 =	rddreg [dreg:$0x6]  }
0x12a: {  	[tilespmem:s14], [sflag:$0x2] =	stream.indirect.gather [hbm4b:s15+s28], $0x1, s4, s28, $0xb8;
	[tilespmem:$0x7400] =	vst v63  }
0x12b: {  	s16 =	rddreg [dreg:$0x7];
	s17 =	sadd.s32 $0x43238, s7  }
0x12c: {  	[tilespmem:s16], [sflag:$0x2] =	stream.indirect.gather [hbm4b:s17+s28], $0x1, s4, s28, $0xb8;
	[tilespmem:$0x7400] =	vst v63  }
0x12d: {  	s18 =	rddreg [dreg:$0x8];
	s11 =	sadd.s32 $0x4630C, s7  }
0x12e: {  	[tilespmem:s18], [sflag:$0x2] =	stream.indirect.gather [hbm4b:s11+s28], $0x1, s4, s28, $0xb8;
	[tilespmem:$0x7400] =	vst v63  }
0x12f: {  	s12 =	rddreg [dreg:$0x9];
	s13 =	sadd.s32 $0x493E0, s7  }
0x130: {  	[tilespmem:s12], [sflag:$0x2] =	stream.indirect.gather [hbm4b:s13+s28], $0x1, s4, s28, $0xb8;
	[tilespmem:$0x7400] =	vst v63  }
0x131: {  	s14 =	rddreg [dreg:$0xa];
	s15 =	sadd.s32 $0x4C4B4, s7  }
0x132: {  	[tilespmem:s14], [sflag:$0x2] =	stream.indirect.gather [hbm4b:s15+s28], $0x1, s4, s28, $0xb8;
	[tilespmem:$0x7400] =	vst v63  }
0x133: {  	s16 =	rddreg [dreg:$0xb];
	s17 =	sadd.s32 $0x4F588, s7  }
0x134: {  	[tilespmem:s16], [sflag:$0x2] =	stream.indirect.gather [hbm4b:s17+s28], $0x1, s4, s28, $0xb8;
	[tilespmem:$0x7400] =	vst v63  }
0x135: {  	s18 =	rddreg [dreg:$0xc];
	s11 =	sadd.s32 $0x5265C, s7  }
0x136: {  	[tilespmem:s18], [sflag:$0x2] =	stream.indirect.gather [hbm4b:s11+s28], $0x1, s4, s28, $0xb8;
	[tilespmem:$0x7400] =	vst v63  }
0x137: {  	s12 =	rddreg [dreg:$0xd];
	s13 =	sadd.s32 $0x55730, s7  }
0x138: {  	[tilespmem:s12], [sflag:$0x2] =	stream.indirect.gather [hbm4b:s13+s28], $0x1, s4, s28, $0xb8;
	[tilespmem:$0x7400] =	vst v63  }
0x139: {  	s14 =	rddreg [dreg:$0xe];
	s15 =	sadd.s32 $0x58804, s7  }
0x13a: {  	[tilespmem:s14], [sflag:$0x2] =	stream.indirect.gather [hbm4b:s15+s28], $0x1, s4, s28, $0xb8;
	[tilespmem:$0x7400] =	vst v63  }
0x13b: {  	s16 =	rddreg [dreg:$0xf];
	s17 =	sadd.s32 $0x5B8D8, s7  }
0x13c: {  	[tilespmem:s16], [sflag:$0x2] =	stream.indirect.gather [hbm4b:s17+s28], $0x1, s4, s28, $0xb8;
	[tilespmem:$0x7400] =	vst v63  }
0x13d: {  	s7 =	sadd.s32 $0x5E9AC, s7;
	s18 =	rddreg [dreg:$0x10]  }
0x13e: {  	[tilespmem:s18], [sflag:$0x2] =	stream.indirect.gather [hbm4b:s7+s28], $0x1, s4, s28, $0xb8;
	[tilespmem:$0x7400] =	vst v63  }
0x13f: {  	s21 =	sadd.s32 $0x10000, s21  }
0x140: {  	[hbm4b:s21+s28] =	stream.strided.scatter [tilespmem:s25], [sflag:$0x3], $0x2000, s23, s28, $0x38;
	[tilespmem:$0x7400] =	vst v63  }
0x141: {  	_ =	swait.ge [sflag:s24], $0x2000  }
0x142: {  	[sflag:s24] =	ssyncset.done $0x0  }
0x143: {  	[sflag:s24] =	ssyncadd.s32 $0xFFFFE000  }
0x144: {  	_ =	swait.ge [sflag:s30], $0x200  }
0x145: {  	[sflag:s30] =	ssyncset.done $0x0  }
0x146: {  	[sflag:s30] =	ssyncadd.s32 $0xFFFFFE00  }
0x147: {  	_ =	swait.ge [sflag:s30], $0x200  }
0x148: {  	[sflag:s30] =	ssyncset.done $0x0  }
0x149: {  	[sflag:s30] =	ssyncadd.s32 $0xFFFFFE00  }
0x14a: {  	_ =	swait.ge [sflag:s30], $0x200  }
0x14b: {  	[sflag:s30] =	ssyncset.done $0x0  }
0x14c: {  	[sflag:s30] =	ssyncadd.s32 $0xFFFFFE00  }
0x14d: {  	_ =	swait.ge [sflag:s30], $0x200  }
0x14e: {  	[sflag:s30] =	ssyncset.done $0x0  }
0x14f: {  	[sflag:s30] =	ssyncadd.s32 $0xFFFFFE00  }
0x150: {  	_ =	swait.ge [sflag:s30], $0x200  }
0x151: {  	[sflag:s30] =	ssyncset.done $0x0  }
0x152: {  	[sflag:s30] =	ssyncadd.s32 $0xFFFFFE00  }
0x153: {  	_ =	swait.ge [sflag:s30], $0x200  }
0x154: {  	[sflag:s30] =	ssyncset.done $0x0  }
0x155: {  	[sflag:s30] =	ssyncadd.s32 $0xFFFFFE00  }
0x156: {  	_ =	swait.ge [sflag:s30], $0x200  }
0x157: {  	[sflag:s30] =	ssyncset.done $0x0  }
0x158: {  	[sflag:s30] =	ssyncadd.s32 $0xFFFFFE00  }
0x159: {  	_ =	swait.ge [sflag:s30], $0x200  }
0x15a: {  	[sflag:s30] =	ssyncset.done $0x0  }
0x15b: {  	[sflag:s30] =	ssyncadd.s32 $0xFFFFFE00  }
0x15c: {  	_ =	swait.ge [sflag:s30], $0x200  }
0x15d: {  	[sflag:s30] =	ssyncset.done $0x0  }
0x15e: {  	[sflag:s30] =	ssyncadd.s32 $0xFFFFFE00  }
0x15f: {  	_ =	swait.ge [sflag:s30], $0x200  }
0x160: {  	[sflag:s30] =	ssyncset.done $0x0  }
0x161: {  	[sflag:s30] =	ssyncadd.s32 $0xFFFFFE00  }
0x162: {  	_ =	swait.ge [sflag:s30], $0x200  }
0x163: {  	[sflag:s30] =	ssyncset.done $0x0  }
0x164: {  	[sflag:s30] =	ssyncadd.s32 $0xFFFFFE00  }
0x165: {  	_ =	swait.ge [sflag:s30], $0x200  }
0x166: {  	[sflag:s30] =	ssyncset.done $0x0  }
0x167: {  	[sflag:s30] =	ssyncadd.s32 $0xFFFFFE00  }
0x168: {  	_ =	swait.ge [sflag:s30], $0x200  }
0x169: {  	[sflag:s30] =	ssyncset.done $0x0  }
0x16a: {  	[sflag:s30] =	ssyncadd.s32 $0xFFFFFE00  }
0x16b: {  	_ =	swait.ge [sflag:s30], $0x200  }
0x16c: {  	[sflag:s30] =	ssyncset.done $0x0  }
0x16d: {  	[sflag:s30] =	ssyncadd.s32 $0xFFFFFE00  }
0x16e: {  	_ =	swait.ge [sflag:s30], $0x200  }
0x16f: {  	[sflag:s30] =	ssyncset.done $0x0  }
0x170: {  	p1 =	seq.s32 s6, $0x493E00;
	[sflag:s30] =	ssyncadd.s32 $0xFFFFFE00  }
0x171: {  	s8 =	sadd.s32 @!p1 s6, s3;
	_ =	swait.ge [sflag:s30], $0x200  }
0x172: {  	s6 =	simm.s32 @!p1 $0x200;
	s9 =	sadd.s32 @!p1 $0x61A80, s8;
	[sflag:s30] =	ssyncset.done $0x0  }
0x173: {  	s10 =	simm.s32 @!p1 $0x3400;
	s7 =	sadd.s32 @!p1 $0x200, s4;
	[sflag:s30] =	ssyncadd.s32 $0xFFFFFE00  }
0x174: {  	[tilespmem:s10], [sflag:$0x1] =	stream.indirect.gather @!p1 [hbm4b:s9+s6], $0x1, s7, s6, $0xb8;
	[tilespmem:$0x7400] =	vst v63  }
0x175: {  	s11 =	sadd.s32 @!p1 $0x64B54, s8;
	s12 =	simm.s32 @!p1 $0x3600  }
0x176: {  	[tilespmem:s12], [sflag:$0x1] =	stream.indirect.gather @!p1 [hbm4b:s11+s6], $0x1, s7, s6, $0xb8;
	[tilespmem:$0x7400] =	vst v63  }
0x177: {  	s9 =	sadd.s32 @!p1 $0x67C28, s8;
	s10 =	simm.s32 @!p1 $0x3800  }
0x178: {  	[tilespmem:s10], [sflag:$0x1] =	stream.indirect.gather @!p1 [hbm4b:s9+s6], $0x1, s7, s6, $0xb8;
	[tilespmem:$0x7400] =	vst v63  }
0x179: {  	s13 =	sadd.s32 @!p1 $0x6ACFC, s8;
	s11 =	simm.s32 @!p1 $0x3A00  }
0x17a: {  	[tilespmem:s11], [sflag:$0x1] =	stream.indirect.gather @!p1 [hbm4b:s13+s6], $0x1, s7, s6, $0xb8;
	[tilespmem:$0x7400] =	vst v63  }
0x17b: {  	s12 =	sadd.s32 @!p1 $0x6DDD0, s8;
	s9 =	simm.s32 @!p1 $0x3C00  }
0x17c: {  	[tilespmem:s9], [sflag:$0x1] =	stream.indirect.gather @!p1 [hbm4b:s12+s6], $0x1, s7, s6, $0xb8;
	[tilespmem:$0x7400] =	vst v63  }
0x17d: {  	s14 =	sadd.s32 @!p1 $0x70EA4, s8;
	s11 =	simm.s32 @!p1 $0x3E00  }
0x17e: {  	[tilespmem:s11], [sflag:$0x1] =	stream.indirect.gather @!p1 [hbm4b:s14+s6], $0x1, s7, s6, $0xb8;
	[tilespmem:$0x7400] =	vst v63  }
0x17f: {  	s10 =	sadd.s32 @!p1 $0x73F78, s8;
	s9 =	simm.s32 @!p1 $0x4000  }
0x180: {  	[tilespmem:s9], [sflag:$0x1] =	stream.indirect.gather @!p1 [hbm4b:s10+s6], $0x1, s7, s6, $0xb8;
	[tilespmem:$0x7400] =	vst v63  }
0x181: {  	s15 =	sadd.s32 @!p1 $0x7704C, s8;
	s11 =	simm.s32 @!p1 $0x4200  }
0x182: {  	[tilespmem:s11], [sflag:$0x1] =	stream.indirect.gather @!p1 [hbm4b:s15+s6], $0x1, s7, s6, $0xb8;
	[tilespmem:$0x7400] =	vst v63  }
0x183: {  	s13 =	sadd.s32 @!p1 $0x7A120, s8;
	s9 =	simm.s32 @!p1 $0x4400  }
0x184: {  	[tilespmem:s9], [sflag:$0x1] =	stream.indirect.gather @!p1 [hbm4b:s13+s6], $0x1, s7, s6, $0xb8;
	[tilespmem:$0x7400] =	vst v63  }
0x185: {  	s16 =	sadd.s32 @!p1 $0x7D1F4, s8;
	s11 =	simm.s32 @!p1 $0x4600  }
0x186: {  	[tilespmem:s11], [sflag:$0x1] =	stream.indirect.gather @!p1 [hbm4b:s16+s6], $0x1, s7, s6, $0xb8;
	[tilespmem:$0x7400] =	vst v63  }
0x187: {  	s12 =	sadd.s32 @!p1 $0x802C8, s8;
	s9 =	simm.s32 @!p1 $0x4800  }
0x188: {  	[tilespmem:s9], [sflag:$0x1] =	stream.indirect.gather @!p1 [hbm4b:s12+s6], $0x1, s7, s6, $0xb8;
	[tilespmem:$0x7400] =	vst v63  }
0x189: {  	s17 =	sadd.s32 @!p1 $0x8339C, s8;
	s11 =	simm.s32 @!p1 $0x4A00  }
0x18a: {  	[tilespmem:s11], [sflag:$0x1] =	stream.indirect.gather @!p1 [hbm4b:s17+s6], $0x1, s7, s6, $0xb8;
	[tilespmem:$0x7400] =	vst v63  }
0x18b: {  	s14 =	sadd.s32 @!p1 $0x86470, s8;
	s9 =	simm.s32 @!p1 $0x4C00  }
0x18c: {  	[tilespmem:s9], [sflag:$0x1] =	stream.indirect.gather @!p1 [hbm4b:s14+s6], $0x1, s7, s6, $0xb8;
	[tilespmem:$0x7400] =	vst v63  }
0x18d: {  	s0 =	sadd.s32 $0x61A80, s0;
	s18 =	sadd.s32 @!p1 $0x89544, s8;
	s11 =	simm.s32 @!p1 $0x4E00  }
0x18e: {  	[tilespmem:s11], [sflag:$0x1] =	stream.indirect.gather @!p1 [hbm4b:s18+s6], $0x1, s7, s6, $0xb8;
	[tilespmem:$0x7400] =	vst v63  }
0x18f: {  	p0 =	sne.s32 s0, $0x4F5880;
	s10 =	sadd.s32 @!p1 $0x8C618, s8;
	s9 =	simm.s32 @!p1 $0x5000  }
0x190: {  	[tilespmem:s9], [sflag:$0x1] =	stream.indirect.gather @!p1 [hbm4b:s10+s6], $0x1, s7, s6, $0xb8;
	[tilespmem:$0x7400] =	vst v63  }
.Ltmp0:
0x191: {  	s8 =	sadd.s32 @!p1 $0x8F6EC, s8;
	s11 =	simm.s32 @!p1 $0x5200;
	(pc) =	sbr.rel @p0 .LBB2_2-.Ltmp0, $4  }
0x192: {  	[tilespmem:s11], [sflag:$0x1] =	stream.indirect.gather @!p1 [hbm4b:s8+s6], $0x1, s7, s6, $0xb8;
	[tilespmem:$0x7400] =	vst v63  }
0x193: {  	_ = 	snop  }
0x194: {  	[hbm4b:s1+s28] =	stream.strided.scatter [tilespmem:s29], [sflag:$0x3], $0x2000, s23, s28, $0x38;
	[tilespmem:$0x7400] =	vst v63  }
0x195: {  	s4 =	sadd.s32 $0x400, s4;
	s1 =	sadd.s32 $0x10000, s1;
	_ =	swait.ge [sflag:s24], $0x2000  }
0x196: {  	s31 =	sadd.s32 $0x1, s31  }
0x197: {  	p0 =	sne.s32 s31, s20  }
.Ltmp1:
0x198: {  	_ = 	snop;
	(pc) =	sbr.rel @p0 .LBB2_1-.Ltmp1, $3  }
0x199: {  	_ =	sdelay $0x1  }
0x19a: {  	[sflag:s24] =	ssyncset.done $0x0  }
0x19b: {  	[sflag:s24] =	ssyncadd.s32 $0xFFFFE000  }
0x19c: {  	_ =	sfence.sel $0x180000  }
0x19d: {  	[bflag:$0x0] =	sbarrier.arrive $0xFFFF  }
0x19e: {  	_ =	strace $0x90000047  }
0x19f: {  	s0 =	stileid.u32;
	[bflag:$0x2] =	sbarrier.arrive $0xFFFF  }
0x1a0: {  	p0 =	sne.s32 s0, $0x0;
	s0 =	rddreg [dreg:$0x1]  }
0x1a1: {  	s0 =	sadd.s32 @!p0 $0x100000, s0  }
0x1a2: {  	[sflag:s0] =	ssyncadd.tile.s32 @!p0 $0x1;
	_ =	shalt  }
.Lfunc_end2:
_tile_overlayer_lowered:
.L_overlay_start_2:
0x1a3: {  	(tag) =	ssettag $0x2  }
0x1a4: {  	s0 =	rddreg [dreg:$0x0];
	s2 =	stileid.u32  }
0x1a5: {  	s1 =	rddreg [dreg:$0x1];
	p0 =	sne.s32 s2, $0x0  }
0x1a6: {  	s3 =	rddreg [dreg:$0x2];
	[bflag:$0x3] =	sbarrier.arrive $0xFFFF;
	s2 =	simm.s32 @!p0 $0x1C03  }
0x1a7: {  	[timem:s3], [sflag:s2] =	dma.local @!p0 [hbm:s0], s1  }
0x1a8: {  	s0 =	simm.s32 @!p0 $0x3  }
0x1a9: {  	_ =	swait.ge @!p0 [sflag:s0], s1  }
0x1aa: {  	s1 =	ssub.s32 @!p0 $0x0, s1;
	[sflag:s0] =	ssyncset.done @!p0 $0x0  }
0x1ab: {  	[sflag:s0] =	ssyncadd.s32 @!p0 s1  }
0x1ac: {  	[bflag:$0x3] =	sbarrier.arrive $0xFFFF  }
0x1ad: {  	_ =	shalt  }

</sc_bundles>
